<compile_context>
chip_gen: v7x
topology: tpu7x:2x2x1
jax: 0.10.2.dev20260603
libtpu: 0.0.44.dev20260713+nightly
codegen_flags: <defaults>
</compile_context>

<pallas_src>
import functools

import jax
import jax.numpy as jnp
from jax import lax
from jax.experimental import pallas as pl
from jax.experimental.pallas import tpu as pltpu
from jax.experimental.pallas import tpu_sc as plsc

VOCAB = 100000
HIDDEN = 1024
B, S = 4, 4096
N = B * S

_info = plsc.get_sparse_core_info()
_NC, _NS = _info.num_cores, _info.num_subcores
_NW = _NC * _NS
_BPW = N // _NW
_WPR = S // _BPW
_C = 16
_NBUF = 7
_NCHUNK = _BPW // _C
_AHEAD = 4

_mesh = plsc.VectorSubcoreMesh(core_axis_name="c", subcore_axis_name="s")


@functools.partial(
    pl.kernel,
    mesh=_mesh,
    out_type=jax.ShapeDtypeStruct((B, S, HIDDEN), jnp.float32),
    scratch_types=[
        pltpu.VMEM((_BPW,), jnp.int32),
    ]
    + [pltpu.VMEM((_C, HIDDEN), jnp.float32) for _ in range(_NBUF)]
    + [pltpu.SemaphoreType.DMA for _ in range(2 * _NBUF)],
)
def _emb_lookup(table_hbm, idx_hbm, out_hbm, idx_v, *bufs_and_sems):
    bufs = bufs_and_sems[:_NBUF]
    sems_g = bufs_and_sems[_NBUF:2 * _NBUF]
    sems_w = bufs_and_sems[2 * _NBUF:]

    wid = lax.axis_index("c") * _NS + lax.axis_index("s")
    row = wid // _WPR
    col = (wid % _WPR) * _BPW
    pltpu.sync_copy(idx_hbm.at[row, pl.ds(col, _BPW)], idx_v)

    def gather(g):
        b = g % _NBUF
        return pltpu.async_copy(
            table_hbm.at[idx_v.at[pl.ds(g * _C, _C)]], bufs[b], sems_g[b])

    def write(g):
        b = g % _NBUF
        return pltpu.async_copy(
            bufs[b], out_hbm.at[row, pl.ds(col + g * _C, _C)], sems_w[b])

    gh = [None] * _NBUF
    wh = [None] * _NBUF
    for g in range(_AHEAD):
        gh[g % _NBUF] = gather(g)
    for g in range(_NCHUNK):
        b = g % _NBUF
        if g + _AHEAD < _NCHUNK:
            nb = (g + _AHEAD) % _NBUF
            if wh[nb] is not None:
                wh[nb].wait()
            gh[nb] = gather(g + _AHEAD)
        gh[b].wait()
        wh[b] = write(g)
    for b in range(_NBUF):
        if wh[b] is not None:
            wh[b].wait()


def kernel(input_ids, table):
    return _emb_lookup(table, input_ids)

# --- scband reference (transcript-rebuilt; emitter-appended) ---
"""Pipeline reference for scband-embeddings-6236292514102 (READ-ONLY COPY).

The authoritative reference and input builder live on the scoring server;
editing this copy changes nothing except your own understanding.
"""

import jax, jax.numpy as jnp
import numpy as np

VOCAB = 100000
HIDDEN = 1024
B, S = 4, 4096


def setup_inputs(seed: int = 0) -> dict:
    key = jax.random.key(seed)
    k_idx, k_tab = jax.random.split(key)
    input_ids = jax.random.randint(k_idx, (B, S), 0, VOCAB, dtype=jnp.int64 if jax.config.read('jax_enable_x64') else jnp.int32)
    table = jax.random.normal(k_tab, (VOCAB, HIDDEN), dtype=jnp.float32) * 0.02
    return {"input_ids": input_ids, "table": table}


def reference(input_ids, table):
    # word_embeddings(input_ids); dropout with p=0.0 (eval) is identity
    embeddings = jnp.take(table, input_ids, axis=0)
    return embeddings

if __name__ == "__main__":
    import jax
    _d = setup_inputs()
    print(jax.jit(kernel)(*tuple(_d.values())))

</pallas_src>

<mosaic_0001>
#map = affine_map<(d0, d1) -> (0, 0)>
#map1 = affine_map<(d0, d1) -> (0, 0, 0)>
module attributes {stable_mosaic.version = 14 : i64} {
  func.func @_emb_lookup(%arg0: i32, %arg1: i32, %arg2: memref<100000x1024xf32, #tpu.memory_space<hbm>>, %arg3: memref<4x4096xi32, #tpu.memory_space<hbm>>, %arg4: memref<4x4096x1024xf32, #tpu.memory_space<hbm>>, %arg5: memref<512xi32, #tpu.memory_space<vmem>>, %arg6: memref<16x1024xf32, #tpu.memory_space<vmem>>, %arg7: memref<16x1024xf32, #tpu.memory_space<vmem>>, %arg8: memref<16x1024xf32, #tpu.memory_space<vmem>>, %arg9: memref<16x1024xf32, #tpu.memory_space<vmem>>, %arg10: memref<16x1024xf32, #tpu.memory_space<vmem>>, %arg11: memref<16x1024xf32, #tpu.memory_space<vmem>>, %arg12: memref<16x1024xf32, #tpu.memory_space<vmem>>, %arg13: memref<!tpu.dma_semaphore, #tpu.memory_space<semaphore_mem>>, %arg14: memref<!tpu.dma_semaphore, #tpu.memory_space<semaphore_mem>>, %arg15: memref<!tpu.dma_semaphore, #tpu.memory_space<semaphore_mem>>, %arg16: memref<!tpu.dma_semaphore, #tpu.memory_space<semaphore_mem>>, %arg17: memref<!tpu.dma_semaphore, #tpu.memory_space<semaphore_mem>>, %arg18: memref<!tpu.dma_semaphore, #tpu.memory_space<semaphore_mem>>, %arg19: memref<!tpu.dma_semaphore, #tpu.memory_space<semaphore_mem>>, %arg20: memref<!tpu.dma_semaphore, #tpu.memory_space<semaphore_mem>>, %arg21: memref<!tpu.dma_semaphore, #tpu.memory_space<semaphore_mem>>, %arg22: memref<!tpu.dma_semaphore, #tpu.memory_space<semaphore_mem>>, %arg23: memref<!tpu.dma_semaphore, #tpu.memory_space<semaphore_mem>>, %arg24: memref<!tpu.dma_semaphore, #tpu.memory_space<semaphore_mem>>, %arg25: memref<!tpu.dma_semaphore, #tpu.memory_space<semaphore_mem>>, %arg26: memref<!tpu.dma_semaphore, #tpu.memory_space<semaphore_mem>>) attributes {dimension_semantics = [#tpu.dimension_semantics<core_parallel>, #tpu.dimension_semantics<subcore_parallel>], iteration_bounds = array<i64: 2, 16>, scalar_prefetch = 0 : i64, scratch_operands = 22 : i64, tpu.core_type = #tpu.core_type<sc_vector_subcore>, window_params = [{transform_indices = #map}, {transform_indices = #map}, {transform_indices = #map1}]} {
    %mul3A = arith.constant 16 : i32
    %mul3A_0 = arith.muli %arg0, %mul3A : i32
    %add3A = arith.addi %mul3A_0, %arg1 : i32
    %jit3A = arith.constant 8 : i32
    %div3A = arith.divsi %add3A, %jit3A : i32
    %sign3A = arith.constant 0 : i32
    %sign3A_1 = arith.cmpi sgt, %add3A, %sign3A : i32
    %sign3A_2 = arith.extui %sign3A_1 : i1 to i32
    %sign3A_3 = arith.constant 0 : i32
    %sign3A_4 = arith.cmpi slt, %add3A, %sign3A_3 : i32
    %sign3A_5 = arith.extui %sign3A_4 : i1 to i32
    %sign3A_6 = arith.subi %sign3A_2, %sign3A_5 : i32
    %sign3A_7 = arith.constant 0 : i32
    %sign3A_8 = arith.cmpi sgt, %jit3A, %sign3A_7 : i32
    %sign3A_9 = arith.extui %sign3A_8 : i1 to i32
    %sign3A_10 = arith.constant 0 : i32
    %sign3A_11 = arith.cmpi slt, %jit3A, %sign3A_10 : i32
    %sign3A_12 = arith.extui %sign3A_11 : i1 to i32
    %sign3A_13 = arith.subi %sign3A_9, %sign3A_12 : i32
    %ne3A = arith.cmpi ne, %sign3A_6, %sign3A_13 : i32
    %rem3A = arith.remsi %add3A, %jit3A : i32
    %ne3A_14 = arith.constant 0 : i32
    %ne3A_15 = arith.cmpi ne, %rem3A, %ne3A_14 : i32
    %and3A = arith.andi %ne3A, %ne3A_15 : i1
    %sub3A = arith.constant 1 : i32
    %sub3A_16 = arith.subi %div3A, %sub3A : i32
    %select_n3A = arith.select %and3A, %sub3A_16, %div3A : i32
    %jit3A_17 = arith.constant 8 : i32
    %eq3A = arith.constant 0 : i32
    %eq3A_18 = arith.cmpi eq, %jit3A_17, %eq3A : i32
    %jit3A_19 = arith.constant 1 : i32
    %select_n3A_20 = arith.select %eq3A_18, %jit3A_19, %jit3A_17 : i32
    %rem3A_21 = arith.remsi %add3A, %select_n3A_20 : i32
    %ne3A_22 = arith.constant 0 : i32
    %ne3A_23 = arith.cmpi ne, %rem3A_21, %ne3A_22 : i32
    %lt3A = arith.constant 0 : i32
    %lt3A_24 = arith.cmpi slt, %rem3A_21, %lt3A : i32
    %lt3A_25 = arith.constant 0 : i32
    %lt3A_26 = arith.cmpi slt, %select_n3A_20, %lt3A_25 : i32
    %ne3A_27 = arith.xori %lt3A_24, %lt3A_26 : i1
    %and3A_28 = arith.andi %ne3A_27, %ne3A_23 : i1
    %add3A_29 = arith.addi %rem3A_21, %select_n3A_20 : i32
    %select_n3A_30 = arith.select %and3A_28, %add3A_29, %rem3A_21 : i32
    %mul3A_31 = arith.constant 512 : i32
    %mul3A_32 = arith.muli %select_n3A_30, %mul3A_31 : i32
    "tpu.region"() ({
      %run_scoped3A = tpu.sem_alloc : memref<!tpu.dma_semaphore, #tpu.memory_space<semaphore_mem>>
      %dma_start3A_799 = tpu.memref_slice %arg3[%select_n3A, %mul3A_32] : memref<4x4096xi32, #tpu.memory_space<hbm>> -> memref<1x512xi32, #tpu.memory_space<hbm>>
      %dma_start3A_800 = tpu.memref_squeeze %dma_start3A_799 : memref<1x512xi32, #tpu.memory_space<hbm>> -> memref<512xi32, #tpu.memory_space<hbm>>
      %dma_start3A_801 = tpu.memref_slice %arg3[%select_n3A, %mul3A_32] : memref<4x4096xi32, #tpu.memory_space<hbm>> -> memref<1x512xi32, #tpu.memory_space<hbm>>
      %dma_start3A_802 = tpu.memref_squeeze %dma_start3A_801 : memref<1x512xi32, #tpu.memory_space<hbm>> -> memref<512xi32, #tpu.memory_space<hbm>>
      tpu.enqueue_dma source(%dma_start3A_802 : memref<512xi32, #tpu.memory_space<hbm>>) target(%arg5 : memref<512xi32, #tpu.memory_space<vmem>>) target_semaphore(%run_scoped3A : memref<!tpu.dma_semaphore, #tpu.memory_space<semaphore_mem>>)
      %dma_wait3A_803 = tpu.memref_slice %arg3[%select_n3A, %mul3A_32] : memref<4x4096xi32, #tpu.memory_space<hbm>> -> memref<1x512xi32, #tpu.memory_space<hbm>>
      %dma_wait3A_804 = tpu.memref_squeeze %dma_wait3A_803 : memref<1x512xi32, #tpu.memory_space<hbm>> -> memref<512xi32, #tpu.memory_space<hbm>>
      %dma_wait3A_805 = tpu.memref_slice %arg3[%select_n3A, %mul3A_32] : memref<4x4096xi32, #tpu.memory_space<hbm>> -> memref<1x512xi32, #tpu.memory_space<hbm>>
      %dma_wait3A_806 = tpu.memref_squeeze %dma_wait3A_805 : memref<1x512xi32, #tpu.memory_space<hbm>> -> memref<512xi32, #tpu.memory_space<hbm>>
      tpu.wait_dma2 semaphore(%run_scoped3A : memref<!tpu.dma_semaphore, #tpu.memory_space<semaphore_mem>>) src(%dma_wait3A_806 : memref<512xi32, #tpu.memory_space<hbm>>) dst(%arg5 : memref<512xi32, #tpu.memory_space<vmem>>)
      tpu.yield
    }) : () -> ()
    %dma_start3A = arith.constant 0 : i32
    %dma_start3A_33 = tpu.memref_slice %arg5[%dma_start3A] : memref<512xi32, #tpu.memory_space<vmem>> -> memref<16xi32, #tpu.memory_space<vmem>>
    %dma_start3A_34 = arith.constant 0 : i32
    %dma_start3A_35 = arith.constant 0 : i32
    %dma_start3A_36 = tpu.memref_slice %arg2[%dma_start3A_34, %dma_start3A_35] : memref<100000x1024xf32, #tpu.memory_space<hbm>> -> memref<100000x1024xf32, #tpu.memory_space<hbm>>
    tpu.enqueue_indirect_dma source(%dma_start3A_36 : memref<100000x1024xf32, #tpu.memory_space<hbm>>) target(%arg6 : memref<16x1024xf32, #tpu.memory_space<vmem>>) offsets(%dma_start3A_33 : memref<16xi32, #tpu.memory_space<vmem>>) semaphore(%arg13 : memref<!tpu.dma_semaphore, #tpu.memory_space<semaphore_mem>>)
    %dma_start3A_37 = arith.constant 16 : i32
    %dma_start3A_38 = tpu.memref_slice %arg5[%dma_start3A_37] : memref<512xi32, #tpu.memory_space<vmem>> -> memref<16xi32, #tpu.memory_space<vmem>>
    %dma_start3A_39 = arith.constant 0 : i32
    %dma_start3A_40 = arith.constant 0 : i32
    %dma_start3A_41 = tpu.memref_slice %arg2[%dma_start3A_39, %dma_start3A_40] : memref<100000x1024xf32, #tpu.memory_space<hbm>> -> memref<100000x1024xf32, #tpu.memory_space<hbm>>
    tpu.enqueue_indirect_dma source(%dma_start3A_41 : memref<100000x1024xf32, #tpu.memory_space<hbm>>) target(%arg7 : memref<16x1024xf32, #tpu.memory_space<vmem>>) offsets(%dma_start3A_38 : memref<16xi32, #tpu.memory_space<vmem>>) semaphore(%arg14 : memref<!tpu.dma_semaphore, #tpu.memory_space<semaphore_mem>>)
    %dma_start3A_42 = arith.constant 32 : i32
    %dma_start3A_43 = tpu.memref_slice %arg5[%dma_start3A_42] : memref<512xi32, #tpu.memory_space<vmem>> -> memref<16xi32, #tpu.memory_space<vmem>>
    %dma_start3A_44 = arith.constant 0 : i32
    %dma_start3A_45 = arith.constant 0 : i32
    %dma_start3A_46 = tpu.memref_slice %arg2[%dma_start3A_44, %dma_start3A_45] : memref<100000x1024xf32, #tpu.memory_space<hbm>> -> memref<100000x1024xf32, #tpu.memory_space<hbm>>
    tpu.enqueue_indirect_dma source(%dma_start3A_46 : memref<100000x1024xf32, #tpu.memory_space<hbm>>) target(%arg8 : memref<16x1024xf32, #tpu.memory_space<vmem>>) offsets(%dma_start3A_43 : memref<16xi32, #tpu.memory_space<vmem>>) semaphore(%arg15 : memref<!tpu.dma_semaphore, #tpu.memory_space<semaphore_mem>>)
    %dma_start3A_47 = arith.constant 48 : i32
    %dma_start3A_48 = tpu.memref_slice %arg5[%dma_start3A_47] : memref<512xi32, #tpu.memory_space<vmem>> -> memref<16xi32, #tpu.memory_space<vmem>>
    %dma_start3A_49 = arith.constant 0 : i32
    %dma_start3A_50 = arith.constant 0 : i32
    %dma_start3A_51 = tpu.memref_slice %arg2[%dma_start3A_49, %dma_start3A_50] : memref<100000x1024xf32, #tpu.memory_space<hbm>> -> memref<100000x1024xf32, #tpu.memory_space<hbm>>
    tpu.enqueue_indirect_dma source(%dma_start3A_51 : memref<100000x1024xf32, #tpu.memory_space<hbm>>) target(%arg9 : memref<16x1024xf32, #tpu.memory_space<vmem>>) offsets(%dma_start3A_48 : memref<16xi32, #tpu.memory_space<vmem>>) semaphore(%arg16 : memref<!tpu.dma_semaphore, #tpu.memory_space<semaphore_mem>>)
    %dma_start3A_52 = arith.constant 64 : i32
    %dma_start3A_53 = tpu.memref_slice %arg5[%dma_start3A_52] : memref<512xi32, #tpu.memory_space<vmem>> -> memref<16xi32, #tpu.memory_space<vmem>>
    %dma_start3A_54 = arith.constant 0 : i32
    %dma_start3A_55 = arith.constant 0 : i32
    %dma_start3A_56 = tpu.memref_slice %arg2[%dma_start3A_54, %dma_start3A_55] : memref<100000x1024xf32, #tpu.memory_space<hbm>> -> memref<100000x1024xf32, #tpu.memory_space<hbm>>
    tpu.enqueue_indirect_dma source(%dma_start3A_56 : memref<100000x1024xf32, #tpu.memory_space<hbm>>) target(%arg10 : memref<16x1024xf32, #tpu.memory_space<vmem>>) offsets(%dma_start3A_53 : memref<16xi32, #tpu.memory_space<vmem>>) semaphore(%arg17 : memref<!tpu.dma_semaphore, #tpu.memory_space<semaphore_mem>>)
    %dma_wait3A = arith.constant 0 : i32
    %dma_wait3A_57 = tpu.memref_slice %arg5[%dma_wait3A] : memref<512xi32, #tpu.memory_space<vmem>> -> memref<16xi32, #tpu.memory_space<vmem>>
    %dma_wait3A_58 = arith.constant 0 : i32
    %dma_wait3A_59 = arith.constant 0 : i32
    %dma_wait3A_60 = tpu.memref_slice %arg2[%dma_wait3A_58, %dma_wait3A_59] : memref<100000x1024xf32, #tpu.memory_space<hbm>> -> memref<100000x1024xf32, #tpu.memory_space<hbm>>
    tpu.wait_indirect_dma semaphore(%arg13 : memref<!tpu.dma_semaphore, #tpu.memory_space<semaphore_mem>>) src(%dma_wait3A_60 : memref<100000x1024xf32, #tpu.memory_space<hbm>>) dst(%arg6 : memref<16x1024xf32, #tpu.memory_space<vmem>>)
    %add3A_61 = arith.constant 0 : i32
    %add3A_62 = arith.addi %mul3A_32, %add3A_61 : i32
    %dma_start3A_63 = arith.constant 0 : i32
    %dma_start3A_64 = tpu.memref_slice %arg4[%select_n3A, %add3A_62, %dma_start3A_63] : memref<4x4096x1024xf32, #tpu.memory_space<hbm>> -> memref<1x16x1024xf32, #tpu.memory_space<hbm>>
    %dma_start3A_65 = tpu.memref_squeeze %dma_start3A_64 : memref<1x16x1024xf32, #tpu.memory_space<hbm>> -> memref<16x1024xf32, #tpu.memory_space<hbm>>
    %dma_start3A_66 = arith.constant 0 : i32
    %dma_start3A_67 = tpu.memref_slice %arg4[%select_n3A, %add3A_62, %dma_start3A_66] : memref<4x4096x1024xf32, #tpu.memory_space<hbm>> -> memref<1x16x1024xf32, #tpu.memory_space<hbm>>
    %dma_start3A_68 = tpu.memref_squeeze %dma_start3A_67 : memref<1x16x1024xf32, #tpu.memory_space<hbm>> -> memref<16x1024xf32, #tpu.memory_space<hbm>>
    tpu.enqueue_dma source(%arg6 : memref<16x1024xf32, #tpu.memory_space<vmem>>) target(%dma_start3A_68 : memref<16x1024xf32, #tpu.memory_space<hbm>>) target_semaphore(%arg20 : memref<!tpu.dma_semaphore, #tpu.memory_space<semaphore_mem>>)
    %dma_start3A_69 = arith.constant 80 : i32
    %dma_start3A_70 = tpu.memref_slice %arg5[%dma_start3A_69] : memref<512xi32, #tpu.memory_space<vmem>> -> memref<16xi32, #tpu.memory_space<vmem>>
    %dma_start3A_71 = arith.constant 0 : i32
    %dma_start3A_72 = arith.constant 0 : i32
    %dma_start3A_73 = tpu.memref_slice %arg2[%dma_start3A_71, %dma_start3A_72] : memref<100000x1024xf32, #tpu.memory_space<hbm>> -> memref<100000x1024xf32, #tpu.memory_space<hbm>>
    tpu.enqueue_indirect_dma source(%dma_start3A_73 : memref<100000x1024xf32, #tpu.memory_space<hbm>>) target(%arg11 : memref<16x1024xf32, #tpu.memory_space<vmem>>) offsets(%dma_start3A_70 : memref<16xi32, #tpu.memory_space<vmem>>) semaphore(%arg18 : memref<!tpu.dma_semaphore, #tpu.memory_space<semaphore_mem>>)
    %dma_wait3A_74 = arith.constant 16 : i32
    %dma_wait3A_75 = tpu.memref_slice %arg5[%dma_wait3A_74] : memref<512xi32, #tpu.memory_space<vmem>> -> memref<16xi32, #tpu.memory_space<vmem>>
    %dma_wait3A_76 = arith.constant 0 : i32
    %dma_wait3A_77 = arith.constant 0 : i32
    %dma_wait3A_78 = tpu.memref_slice %arg2[%dma_wait3A_76, %dma_wait3A_77] : memref<100000x1024xf32, #tpu.memory_space<hbm>> -> memref<100000x1024xf32, #tpu.memory_space<hbm>>
    tpu.wait_indirect_dma semaphore(%arg14 : memref<!tpu.dma_semaphore, #tpu.memory_space<semaphore_mem>>) src(%dma_wait3A_78 : memref<100000x1024xf32, #tpu.memory_space<hbm>>) dst(%arg7 : memref<16x1024xf32, #tpu.memory_space<vmem>>)
    %add3A_79 = arith.constant 16 : i32
    %add3A_80 = arith.addi %mul3A_32, %add3A_79 : i32
    %dma_start3A_81 = arith.constant 0 : i32
    %dma_start3A_82 = tpu.memref_slice %arg4[%select_n3A, %add3A_80, %dma_start3A_81] : memref<4x4096x1024xf32, #tpu.memory_space<hbm>> -> memref<1x16x1024xf32, #tpu.memory_space<hbm>>
    %dma_start3A_83 = tpu.memref_squeeze %dma_start3A_82 : memref<1x16x1024xf32, #tpu.memory_space<hbm>> -> memref<16x1024xf32, #tpu.memory_space<hbm>>
    %dma_start3A_84 = arith.constant 0 : i32
    %dma_start3A_85 = tpu.memref_slice %arg4[%select_n3A, %add3A_80, %dma_start3A_84] : memref<4x4096x1024xf32, #tpu.memory_space<hbm>> -> memref<1x16x1024xf32, #tpu.memory_space<hbm>>
    %dma_start3A_86 = tpu.memref_squeeze %dma_start3A_85 : memref<1x16x1024xf32, #tpu.memory_space<hbm>> -> memref<16x1024xf32, #tpu.memory_space<hbm>>
    tpu.enqueue_dma source(%arg7 : memref<16x1024xf32, #tpu.memory_space<vmem>>) target(%dma_start3A_86 : memref<16x1024xf32, #tpu.memory_space<hbm>>) target_semaphore(%arg21 : memref<!tpu.dma_semaphore, #tpu.memory_space<semaphore_mem>>)
    %dma_start3A_87 = arith.constant 96 : i32
    %dma_start3A_88 = tpu.memref_slice %arg5[%dma_start3A_87] : memref<512xi32, #tpu.memory_space<vmem>> -> memref<16xi32, #tpu.memory_space<vmem>>
    %dma_start3A_89 = arith.constant 0 : i32
    %dma_start3A_90 = arith.constant 0 : i32
    %dma_start3A_91 = tpu.memref_slice %arg2[%dma_start3A_89, %dma_start3A_90] : memref<100000x1024xf32, #tpu.memory_space<hbm>> -> memref<100000x1024xf32, #tpu.memory_space<hbm>>
    tpu.enqueue_indirect_dma source(%dma_start3A_91 : memref<100000x1024xf32, #tpu.memory_space<hbm>>) target(%arg12 : memref<16x1024xf32, #tpu.memory_space<vmem>>) offsets(%dma_start3A_88 : memref<16xi32, #tpu.memory_space<vmem>>) semaphore(%arg19 : memref<!tpu.dma_semaphore, #tpu.memory_space<semaphore_mem>>)
    %dma_wait3A_92 = arith.constant 32 : i32
    %dma_wait3A_93 = tpu.memref_slice %arg5[%dma_wait3A_92] : memref<512xi32, #tpu.memory_space<vmem>> -> memref<16xi32, #tpu.memory_space<vmem>>
    %dma_wait3A_94 = arith.constant 0 : i32
    %dma_wait3A_95 = arith.constant 0 : i32
    %dma_wait3A_96 = tpu.memref_slice %arg2[%dma_wait3A_94, %dma_wait3A_95] : memref<100000x1024xf32, #tpu.memory_space<hbm>> -> memref<100000x1024xf32, #tpu.memory_space<hbm>>
    tpu.wait_indirect_dma semaphore(%arg15 : memref<!tpu.dma_semaphore, #tpu.memory_space<semaphore_mem>>) src(%dma_wait3A_96 : memref<100000x1024xf32, #tpu.memory_space<hbm>>) dst(%arg8 : memref<16x1024xf32, #tpu.memory_space<vmem>>)
    %add3A_97 = arith.constant 32 : i32
    %add3A_98 = arith.addi %mul3A_32, %add3A_97 : i32
    %dma_start3A_99 = arith.constant 0 : i32
    %dma_start3A_100 = tpu.memref_slice %arg4[%select_n3A, %add3A_98, %dma_start3A_99] : memref<4x4096x1024xf32, #tpu.memory_space<hbm>> -> memref<1x16x1024xf32, #tpu.memory_space<hbm>>
    %dma_start3A_101 = tpu.memref_squeeze %dma_start3A_100 : memref<1x16x1024xf32, #tpu.memory_space<hbm>> -> memref<16x1024xf32, #tpu.memory_space<hbm>>
    %dma_start3A_102 = arith.constant 0 : i32
    %dma_start3A_103 = tpu.memref_slice %arg4[%select_n3A, %add3A_98, %dma_start3A_102] : memref<4x4096x1024xf32, #tpu.memory_space<hbm>> -> memref<1x16x1024xf32, #tpu.memory_space<hbm>>
    %dma_start3A_104 = tpu.memref_squeeze %dma_start3A_103 : memref<1x16x1024xf32, #tpu.memory_space<hbm>> -> memref<16x1024xf32, #tpu.memory_space<hbm>>
    tpu.enqueue_dma source(%arg8 : memref<16x1024xf32, #tpu.memory_space<vmem>>) target(%dma_start3A_104 : memref<16x1024xf32, #tpu.memory_space<hbm>>) target_semaphore(%arg22 : memref<!tpu.dma_semaphore, #tpu.memory_space<semaphore_mem>>)
    %dma_wait3A_105 = arith.constant 0 : i32
    %dma_wait3A_106 = tpu.memref_slice %arg4[%select_n3A, %add3A_62, %dma_wait3A_105] : memref<4x4096x1024xf32, #tpu.memory_space<hbm>> -> memref<1x16x1024xf32, #tpu.memory_space<hbm>>
    %dma_wait3A_107 = tpu.memref_squeeze %dma_wait3A_106 : memref<1x16x1024xf32, #tpu.memory_space<hbm>> -> memref<16x1024xf32, #tpu.memory_space<hbm>>
    %dma_wait3A_108 = arith.constant 0 : i32
    %dma_wait3A_109 = tpu.memref_slice %arg4[%select_n3A, %add3A_62, %dma_wait3A_108] : memref<4x4096x1024xf32, #tpu.memory_space<hbm>> -> memref<1x16x1024xf32, #tpu.memory_space<hbm>>
    %dma_wait3A_110 = tpu.memref_squeeze %dma_wait3A_109 : memref<1x16x1024xf32, #tpu.memory_space<hbm>> -> memref<16x1024xf32, #tpu.memory_space<hbm>>
    tpu.wait_dma2 semaphore(%arg20 : memref<!tpu.dma_semaphore, #tpu.memory_space<semaphore_mem>>) src(%arg6 : memref<16x1024xf32, #tpu.memory_space<vmem>>) dst(%dma_wait3A_110 : memref<16x1024xf32, #tpu.memory_space<hbm>>)
    %dma_start3A_111 = arith.constant 112 : i32
    %dma_start3A_112 = tpu.memref_slice %arg5[%dma_start3A_111] : memref<512xi32, #tpu.memory_space<vmem>> -> memref<16xi32, #tpu.memory_space<vmem>>
    %dma_start3A_113 = arith.constant 0 : i32
    %dma_start3A_114 = arith.constant 0 : i32
    %dma_start3A_115 = tpu.memref_slice %arg2[%dma_start3A_113, %dma_start3A_114] : memref<100000x1024xf32, #tpu.memory_space<hbm>> -> memref<100000x1024xf32, #tpu.memory_space<hbm>>
    tpu.enqueue_indirect_dma source(%dma_start3A_115 : memref<100000x1024xf32, #tpu.memory_space<hbm>>) target(%arg6 : memref<16x1024xf32, #tpu.memory_space<vmem>>) offsets(%dma_start3A_112 : memref<16xi32, #tpu.memory_space<vmem>>) semaphore(%arg13 : memref<!tpu.dma_semaphore, #tpu.memory_space<semaphore_mem>>)
    %dma_wait3A_116 = arith.constant 48 : i32
    %dma_wait3A_117 = tpu.memref_slice %arg5[%dma_wait3A_116] : memref<512xi32, #tpu.memory_space<vmem>> -> memref<16xi32, #tpu.memory_space<vmem>>
    %dma_wait3A_118 = arith.constant 0 : i32
    %dma_wait3A_119 = arith.constant 0 : i32
    %dma_wait3A_120 = tpu.memref_slice %arg2[%dma_wait3A_118, %dma_wait3A_119] : memref<100000x1024xf32, #tpu.memory_space<hbm>> -> memref<100000x1024xf32, #tpu.memory_space<hbm>>
    tpu.wait_indirect_dma semaphore(%arg16 : memref<!tpu.dma_semaphore, #tpu.memory_space<semaphore_mem>>) src(%dma_wait3A_120 : memref<100000x1024xf32, #tpu.memory_space<hbm>>) dst(%arg9 : memref<16x1024xf32, #tpu.memory_space<vmem>>)
    %add3A_121 = arith.constant 48 : i32
    %add3A_122 = arith.addi %mul3A_32, %add3A_121 : i32
    %dma_start3A_123 = arith.constant 0 : i32
    %dma_start3A_124 = tpu.memref_slice %arg4[%select_n3A, %add3A_122, %dma_start3A_123] : memref<4x4096x1024xf32, #tpu.memory_space<hbm>> -> memref<1x16x1024xf32, #tpu.memory_space<hbm>>
    %dma_start3A_125 = tpu.memref_squeeze %dma_start3A_124 : memref<1x16x1024xf32, #tpu.memory_space<hbm>> -> memref<16x1024xf32, #tpu.memory_space<hbm>>
    %dma_start3A_126 = arith.constant 0 : i32
    %dma_start3A_127 = tpu.memref_slice %arg4[%select_n3A, %add3A_122, %dma_start3A_126] : memref<4x4096x1024xf32, #tpu.memory_space<hbm>> -> memref<1x16x1024xf32, #tpu.memory_space<hbm>>
    %dma_start3A_128 = tpu.memref_squeeze %dma_start3A_127 : memref<1x16x1024xf32, #tpu.memory_space<hbm>> -> memref<16x1024xf32, #tpu.memory_space<hbm>>
    tpu.enqueue_dma source(%arg9 : memref<16x1024xf32, #tpu.memory_space<vmem>>) target(%dma_start3A_128 : memref<16x1024xf32, #tpu.memory_space<hbm>>) target_semaphore(%arg23 : memref<!tpu.dma_semaphore, #tpu.memory_space<semaphore_mem>>)
    %dma_wait3A_129 = arith.constant 0 : i32
    %dma_wait3A_130 = tpu.memref_slice %arg4[%select_n3A, %add3A_80, %dma_wait3A_129] : memref<4x4096x1024xf32, #tpu.memory_space<hbm>> -> memref<1x16x1024xf32, #tpu.memory_space<hbm>>
    %dma_wait3A_131 = tpu.memref_squeeze %dma_wait3A_130 : memref<1x16x1024xf32, #tpu.memory_space<hbm>> -> memref<16x1024xf32, #tpu.memory_space<hbm>>
    %dma_wait3A_132 = arith.constant 0 : i32
    %dma_wait3A_133 = tpu.memref_slice %arg4[%select_n3A, %add3A_80, %dma_wait3A_132] : memref<4x4096x1024xf32, #tpu.memory_space<hbm>> -> memref<1x16x1024xf32, #tpu.memory_space<hbm>>
    %dma_wait3A_134 = tpu.memref_squeeze %dma_wait3A_133 : memref<1x16x1024xf32, #tpu.memory_space<hbm>> -> memref<16x1024xf32, #tpu.memory_space<hbm>>
    tpu.wait_dma2 semaphore(%arg21 : memref<!tpu.dma_semaphore, #tpu.memory_space<semaphore_mem>>) src(%arg7 : memref<16x1024xf32, #tpu.memory_space<vmem>>) dst(%dma_wait3A_134 : memref<16x1024xf32, #tpu.memory_space<hbm>>)
    %dma_start3A_135 = arith.constant 128 : i32
    %dma_start3A_136 = tpu.memref_slice %arg5[%dma_start3A_135] : memref<512xi32, #tpu.memory_space<vmem>> -> memref<16xi32, #tpu.memory_space<vmem>>
    %dma_start3A_137 = arith.constant 0 : i32
    %dma_start3A_138 = arith.constant 0 : i32
    %dma_start3A_139 = tpu.memref_slice %arg2[%dma_start3A_137, %dma_start3A_138] : memref<100000x1024xf32, #tpu.memory_space<hbm>> -> memref<100000x1024xf32, #tpu.memory_space<hbm>>
    tpu.enqueue_indirect_dma source(%dma_start3A_139 : memref<100000x1024xf32, #tpu.memory_space<hbm>>) target(%arg7 : memref<16x1024xf32, #tpu.memory_space<vmem>>) offsets(%dma_start3A_136 : memref<16xi32, #tpu.memory_space<vmem>>) semaphore(%arg14 : memref<!tpu.dma_semaphore, #tpu.memory_space<semaphore_mem>>)
    %dma_wait3A_140 = arith.constant 64 : i32
    %dma_wait3A_141 = tpu.memref_slice %arg5[%dma_wait3A_140] : memref<512xi32, #tpu.memory_space<vmem>> -> memref<16xi32, #tpu.memory_space<vmem>>
    %dma_wait3A_142 = arith.constant 0 : i32
    %dma_wait3A_143 = arith.constant 0 : i32
    %dma_wait3A_144 = tpu.memref_slice %arg2[%dma_wait3A_142, %dma_wait3A_143] : memref<100000x1024xf32, #tpu.memory_space<hbm>> -> memref<100000x1024xf32, #tpu.memory_space<hbm>>
    tpu.wait_indirect_dma semaphore(%arg17 : memref<!tpu.dma_semaphore, #tpu.memory_space<semaphore_mem>>) src(%dma_wait3A_144 : memref<100000x1024xf32, #tpu.memory_space<hbm>>) dst(%arg10 : memref<16x1024xf32, #tpu.memory_space<vmem>>)
    %add3A_145 = arith.constant 64 : i32
    %add3A_146 = arith.addi %mul3A_32, %add3A_145 : i32
    %dma_start3A_147 = arith.constant 0 : i32
    %dma_start3A_148 = tpu.memref_slice %arg4[%select_n3A, %add3A_146, %dma_start3A_147] : memref<4x4096x1024xf32, #tpu.memory_space<hbm>> -> memref<1x16x1024xf32, #tpu.memory_space<hbm>>
    %dma_start3A_149 = tpu.memref_squeeze %dma_start3A_148 : memref<1x16x1024xf32, #tpu.memory_space<hbm>> -> memref<16x1024xf32, #tpu.memory_space<hbm>>
    %dma_start3A_150 = arith.constant 0 : i32
    %dma_start3A_151 = tpu.memref_slice %arg4[%select_n3A, %add3A_146, %dma_start3A_150] : memref<4x4096x1024xf32, #tpu.memory_space<hbm>> -> memref<1x16x1024xf32, #tpu.memory_space<hbm>>
    %dma_start3A_152 = tpu.memref_squeeze %dma_start3A_151 : memref<1x16x1024xf32, #tpu.memory_space<hbm>> -> memref<16x1024xf32, #tpu.memory_space<hbm>>
    tpu.enqueue_dma source(%arg10 : memref<16x1024xf32, #tpu.memory_space<vmem>>) target(%dma_start3A_152 : memref<16x1024xf32, #tpu.memory_space<hbm>>) target_semaphore(%arg24 : memref<!tpu.dma_semaphore, #tpu.memory_space<semaphore_mem>>)
    %dma_wait3A_153 = arith.constant 0 : i32
    %dma_wait3A_154 = tpu.memref_slice %arg4[%select_n3A, %add3A_98, %dma_wait3A_153] : memref<4x4096x1024xf32, #tpu.memory_space<hbm>> -> memref<1x16x1024xf32, #tpu.memory_space<hbm>>
    %dma_wait3A_155 = tpu.memref_squeeze %dma_wait3A_154 : memref<1x16x1024xf32, #tpu.memory_space<hbm>> -> memref<16x1024xf32, #tpu.memory_space<hbm>>
    %dma_wait3A_156 = arith.constant 0 : i32
    %dma_wait3A_157 = tpu.memref_slice %arg4[%select_n3A, %add3A_98, %dma_wait3A_156] : memref<4x4096x1024xf32, #tpu.memory_space<hbm>> -> memref<1x16x1024xf32, #tpu.memory_space<hbm>>
    %dma_wait3A_158 = tpu.memref_squeeze %dma_wait3A_157 : memref<1x16x1024xf32, #tpu.memory_space<hbm>> -> memref<16x1024xf32, #tpu.memory_space<hbm>>
    tpu.wait_dma2 semaphore(%arg22 : memref<!tpu.dma_semaphore, #tpu.memory_space<semaphore_mem>>) src(%arg8 : memref<16x1024xf32, #tpu.memory_space<vmem>>) dst(%dma_wait3A_158 : memref<16x1024xf32, #tpu.memory_space<hbm>>)
    %dma_start3A_159 = arith.constant 144 : i32
    %dma_start3A_160 = tpu.memref_slice %arg5[%dma_start3A_159] : memref<512xi32, #tpu.memory_space<vmem>> -> memref<16xi32, #tpu.memory_space<vmem>>
    %dma_start3A_161 = arith.constant 0 : i32
    %dma_start3A_162 = arith.constant 0 : i32
    %dma_start3A_163 = tpu.memref_slice %arg2[%dma_start3A_161, %dma_start3A_162] : memref<100000x1024xf32, #tpu.memory_space<hbm>> -> memref<100000x1024xf32, #tpu.memory_space<hbm>>
    tpu.enqueue_indirect_dma source(%dma_start3A_163 : memref<100000x1024xf32, #tpu.memory_space<hbm>>) target(%arg8 : memref<16x1024xf32, #tpu.memory_space<vmem>>) offsets(%dma_start3A_160 : memref<16xi32, #tpu.memory_space<vmem>>) semaphore(%arg15 : memref<!tpu.dma_semaphore, #tpu.memory_space<semaphore_mem>>)
    %dma_wait3A_164 = arith.constant 80 : i32
    %dma_wait3A_165 = tpu.memref_slice %arg5[%dma_wait3A_164] : memref<512xi32, #tpu.memory_space<vmem>> -> memref<16xi32, #tpu.memory_space<vmem>>
    %dma_wait3A_166 = arith.constant 0 : i32
    %dma_wait3A_167 = arith.constant 0 : i32
    %dma_wait3A_168 = tpu.memref_slice %arg2[%dma_wait3A_166, %dma_wait3A_167] : memref<100000x1024xf32, #tpu.memory_space<hbm>> -> memref<100000x1024xf32, #tpu.memory_space<hbm>>
    tpu.wait_indirect_dma semaphore(%arg18 : memref<!tpu.dma_semaphore, #tpu.memory_space<semaphore_mem>>) src(%dma_wait3A_168 : memref<100000x1024xf32, #tpu.memory_space<hbm>>) dst(%arg11 : memref<16x1024xf32, #tpu.memory_space<vmem>>)
    %add3A_169 = arith.constant 80 : i32
    %add3A_170 = arith.addi %mul3A_32, %add3A_169 : i32
    %dma_start3A_171 = arith.constant 0 : i32
    %dma_start3A_172 = tpu.memref_slice %arg4[%select_n3A, %add3A_170, %dma_start3A_171] : memref<4x4096x1024xf32, #tpu.memory_space<hbm>> -> memref<1x16x1024xf32, #tpu.memory_space<hbm>>
    %dma_start3A_173 = tpu.memref_squeeze %dma_start3A_172 : memref<1x16x1024xf32, #tpu.memory_space<hbm>> -> memref<16x1024xf32, #tpu.memory_space<hbm>>
    %dma_start3A_174 = arith.constant 0 : i32
    %dma_start3A_175 = tpu.memref_slice %arg4[%select_n3A, %add3A_170, %dma_start3A_174] : memref<4x4096x1024xf32, #tpu.memory_space<hbm>> -> memref<1x16x1024xf32, #tpu.memory_space<hbm>>
    %dma_start3A_176 = tpu.memref_squeeze %dma_start3A_175 : memref<1x16x1024xf32, #tpu.memory_space<hbm>> -> memref<16x1024xf32, #tpu.memory_space<hbm>>
    tpu.enqueue_dma source(%arg11 : memref<16x1024xf32, #tpu.memory_space<vmem>>) target(%dma_start3A_176 : memref<16x1024xf32, #tpu.memory_space<hbm>>) target_semaphore(%arg25 : memref<!tpu.dma_semaphore, #tpu.memory_space<semaphore_mem>>)
    %dma_wait3A_177 = arith.constant 0 : i32
    %dma_wait3A_178 = tpu.memref_slice %arg4[%select_n3A, %add3A_122, %dma_wait3A_177] : memref<4x4096x1024xf32, #tpu.memory_space<hbm>> -> memref<1x16x1024xf32, #tpu.memory_space<hbm>>
    %dma_wait3A_179 = tpu.memref_squeeze %dma_wait3A_178 : memref<1x16x1024xf32, #tpu.memory_space<hbm>> -> memref<16x1024xf32, #tpu.memory_space<hbm>>
    %dma_wait3A_180 = arith.constant 0 : i32
    %dma_wait3A_181 = tpu.memref_slice %arg4[%select_n3A, %add3A_122, %dma_wait3A_180] : memref<4x4096x1024xf32, #tpu.memory_space<hbm>> -> memref<1x16x1024xf32, #tpu.memory_space<hbm>>
    %dma_wait3A_182 = tpu.memref_squeeze %dma_wait3A_181 : memref<1x16x1024xf32, #tpu.memory_space<hbm>> -> memref<16x1024xf32, #tpu.memory_space<hbm>>
    tpu.wait_dma2 semaphore(%arg23 : memref<!tpu.dma_semaphore, #tpu.memory_space<semaphore_mem>>) src(%arg9 : memref<16x1024xf32, #tpu.memory_space<vmem>>) dst(%dma_wait3A_182 : memref<16x1024xf32, #tpu.memory_space<hbm>>)
    %dma_start3A_183 = arith.constant 160 : i32
    %dma_start3A_184 = tpu.memref_slice %arg5[%dma_start3A_183] : memref<512xi32, #tpu.memory_space<vmem>> -> memref<16xi32, #tpu.memory_space<vmem>>
    %dma_start3A_185 = arith.constant 0 : i32
    %dma_start3A_186 = arith.constant 0 : i32
    %dma_start3A_187 = tpu.memref_slice %arg2[%dma_start3A_185, %dma_start3A_186] : memref<100000x1024xf32, #tpu.memory_space<hbm>> -> memref<100000x1024xf32, #tpu.memory_space<hbm>>
    tpu.enqueue_indirect_dma source(%dma_start3A_187 : memref<100000x1024xf32, #tpu.memory_space<hbm>>) target(%arg9 : memref<16x1024xf32, #tpu.memory_space<vmem>>) offsets(%dma_start3A_184 : memref<16xi32, #tpu.memory_space<vmem>>) semaphore(%arg16 : memref<!tpu.dma_semaphore, #tpu.memory_space<semaphore_mem>>)
    %dma_wait3A_188 = arith.constant 96 : i32
    %dma_wait3A_189 = tpu.memref_slice %arg5[%dma_wait3A_188] : memref<512xi32, #tpu.memory_space<vmem>> -> memref<16xi32, #tpu.memory_space<vmem>>
    %dma_wait3A_190 = arith.constant 0 : i32
    %dma_wait3A_191 = arith.constant 0 : i32
    %dma_wait3A_192 = tpu.memref_slice %arg2[%dma_wait3A_190, %dma_wait3A_191] : memref<100000x1024xf32, #tpu.memory_space<hbm>> -> memref<100000x1024xf32, #tpu.memory_space<hbm>>
    tpu.wait_indirect_dma semaphore(%arg19 : memref<!tpu.dma_semaphore, #tpu.memory_space<semaphore_mem>>) src(%dma_wait3A_192 : memref<100000x1024xf32, #tpu.memory_space<hbm>>) dst(%arg12 : memref<16x1024xf32, #tpu.memory_space<vmem>>)
    %add3A_193 = arith.constant 96 : i32
    %add3A_194 = arith.addi %mul3A_32, %add3A_193 : i32
    %dma_start3A_195 = arith.constant 0 : i32
    %dma_start3A_196 = tpu.memref_slice %arg4[%select_n3A, %add3A_194, %dma_start3A_195] : memref<4x4096x1024xf32, #tpu.memory_space<hbm>> -> memref<1x16x1024xf32, #tpu.memory_space<hbm>>
    %dma_start3A_197 = tpu.memref_squeeze %dma_start3A_196 : memref<1x16x1024xf32, #tpu.memory_space<hbm>> -> memref<16x1024xf32, #tpu.memory_space<hbm>>
    %dma_start3A_198 = arith.constant 0 : i32
    %dma_start3A_199 = tpu.memref_slice %arg4[%select_n3A, %add3A_194, %dma_start3A_198] : memref<4x4096x1024xf32, #tpu.memory_space<hbm>> -> memref<1x16x1024xf32, #tpu.memory_space<hbm>>
    %dma_start3A_200 = tpu.memref_squeeze %dma_start3A_199 : memref<1x16x1024xf32, #tpu.memory_space<hbm>> -> memref<16x1024xf32, #tpu.memory_space<hbm>>
    tpu.enqueue_dma source(%arg12 : memref<16x1024xf32, #tpu.memory_space<vmem>>) target(%dma_start3A_200 : memref<16x1024xf32, #tpu.memory_space<hbm>>) target_semaphore(%arg26 : memref<!tpu.dma_semaphore, #tpu.memory_space<semaphore_mem>>)
    %dma_wait3A_201 = arith.constant 0 : i32
    %dma_wait3A_202 = tpu.memref_slice %arg4[%select_n3A, %add3A_146, %dma_wait3A_201] : memref<4x4096x1024xf32, #tpu.memory_space<hbm>> -> memref<1x16x1024xf32, #tpu.memory_space<hbm>>
    %dma_wait3A_203 = tpu.memref_squeeze %dma_wait3A_202 : memref<1x16x1024xf32, #tpu.memory_space<hbm>> -> memref<16x1024xf32, #tpu.memory_space<hbm>>
    %dma_wait3A_204 = arith.constant 0 : i32
    %dma_wait3A_205 = tpu.memref_slice %arg4[%select_n3A, %add3A_146, %dma_wait3A_204] : memref<4x4096x1024xf32, #tpu.memory_space<hbm>> -> memref<1x16x1024xf32, #tpu.memory_space<hbm>>
    %dma_wait3A_206 = tpu.memref_squeeze %dma_wait3A_205 : memref<1x16x1024xf32, #tpu.memory_space<hbm>> -> memref<16x1024xf32, #tpu.memory_space<hbm>>
    tpu.wait_dma2 semaphore(%arg24 : memref<!tpu.dma_semaphore, #tpu.memory_space<semaphore_mem>>) src(%arg10 : memref<16x1024xf32, #tpu.memory_space<vmem>>) dst(%dma_wait3A_206 : memref<16x1024xf32, #tpu.memory_space<hbm>>)
    %dma_start3A_207 = arith.constant 176 : i32
    %dma_start3A_208 = tpu.memref_slice %arg5[%dma_start3A_207] : memref<512xi32, #tpu.memory_space<vmem>> -> memref<16xi32, #tpu.memory_space<vmem>>
    %dma_start3A_209 = arith.constant 0 : i32
    %dma_start3A_210 = arith.constant 0 : i32
    %dma_start3A_211 = tpu.memref_slice %arg2[%dma_start3A_209, %dma_start3A_210] : memref<100000x1024xf32, #tpu.memory_space<hbm>> -> memref<100000x1024xf32, #tpu.memory_space<hbm>>
    tpu.enqueue_indirect_dma source(%dma_start3A_211 : memref<100000x1024xf32, #tpu.memory_space<hbm>>) target(%arg10 : memref<16x1024xf32, #tpu.memory_space<vmem>>) offsets(%dma_start3A_208 : memref<16xi32, #tpu.memory_space<vmem>>) semaphore(%arg17 : memref<!tpu.dma_semaphore, #tpu.memory_space<semaphore_mem>>)
    %dma_wait3A_212 = arith.constant 112 : i32
    %dma_wait3A_213 = tpu.memref_slice %arg5[%dma_wait3A_212] : memref<512xi32, #tpu.memory_space<vmem>> -> memref<16xi32, #tpu.memory_space<vmem>>
    %dma_wait3A_214 = arith.constant 0 : i32
    %dma_wait3A_215 = arith.constant 0 : i32
    %dma_wait3A_216 = tpu.memref_slice %arg2[%dma_wait3A_214, %dma_wait3A_215] : memref<100000x1024xf32, #tpu.memory_space<hbm>> -> memref<100000x1024xf32, #tpu.memory_space<hbm>>
    tpu.wait_indirect_dma semaphore(%arg13 : memref<!tpu.dma_semaphore, #tpu.memory_space<semaphore_mem>>) src(%dma_wait3A_216 : memref<100000x1024xf32, #tpu.memory_space<hbm>>) dst(%arg6 : memref<16x1024xf32, #tpu.memory_space<vmem>>)
    %add3A_217 = arith.constant 112 : i32
    %add3A_218 = arith.addi %mul3A_32, %add3A_217 : i32
    %dma_start3A_219 = arith.constant 0 : i32
    %dma_start3A_220 = tpu.memref_slice %arg4[%select_n3A, %add3A_218, %dma_start3A_219] : memref<4x4096x1024xf32, #tpu.memory_space<hbm>> -> memref<1x16x1024xf32, #tpu.memory_space<hbm>>
    %dma_start3A_221 = tpu.memref_squeeze %dma_start3A_220 : memref<1x16x1024xf32, #tpu.memory_space<hbm>> -> memref<16x1024xf32, #tpu.memory_space<hbm>>
    %dma_start3A_222 = arith.constant 0 : i32
    %dma_start3A_223 = tpu.memref_slice %arg4[%select_n3A, %add3A_218, %dma_start3A_222] : memref<4x4096x1024xf32, #tpu.memory_space<hbm>> -> memref<1x16x1024xf32, #tpu.memory_space<hbm>>
    %dma_start3A_224 = tpu.memref_squeeze %dma_start3A_223 : memref<1x16x1024xf32, #tpu.memory_space<hbm>> -> memref<16x1024xf32, #tpu.memory_space<hbm>>
    tpu.enqueue_dma source(%arg6 : memref<16x1024xf32, #tpu.memory_space<vmem>>) target(%dma_start3A_224 : memref<16x1024xf32, #tpu.memory_space<hbm>>) target_semaphore(%arg20 : memref<!tpu.dma_semaphore, #tpu.memory_space<semaphore_mem>>)
    %dma_wait3A_225 = arith.constant 0 : i32
    %dma_wait3A_226 = tpu.memref_slice %arg4[%select_n3A, %add3A_170, %dma_wait3A_225] : memref<4x4096x1024xf32, #tpu.memory_space<hbm>> -> memref<1x16x1024xf32, #tpu.memory_space<hbm>>
    %dma_wait3A_227 = tpu.memref_squeeze %dma_wait3A_226 : memref<1x16x1024xf32, #tpu.memory_space<hbm>> -> memref<16x1024xf32, #tpu.memory_space<hbm>>
    %dma_wait3A_228 = arith.constant 0 : i32
    %dma_wait3A_229 = tpu.memref_slice %arg4[%select_n3A, %add3A_170, %dma_wait3A_228] : memref<4x4096x1024xf32, #tpu.memory_space<hbm>> -> memref<1x16x1024xf32, #tpu.memory_space<hbm>>
    %dma_wait3A_230 = tpu.memref_squeeze %dma_wait3A_229 : memref<1x16x1024xf32, #tpu.memory_space<hbm>> -> memref<16x1024xf32, #tpu.memory_space<hbm>>
    tpu.wait_dma2 semaphore(%arg25 : memref<!tpu.dma_semaphore, #tpu.memory_space<semaphore_mem>>) src(%arg11 : memref<16x1024xf32, #tpu.memory_space<vmem>>) dst(%dma_wait3A_230 : memref<16x1024xf32, #tpu.memory_space<hbm>>)
    %dma_start3A_231 = arith.constant 192 : i32
    %dma_start3A_232 = tpu.memref_slice %arg5[%dma_start3A_231] : memref<512xi32, #tpu.memory_space<vmem>> -> memref<16xi32, #tpu.memory_space<vmem>>
    %dma_start3A_233 = arith.constant 0 : i32
    %dma_start3A_234 = arith.constant 0 : i32
    %dma_start3A_235 = tpu.memref_slice %arg2[%dma_start3A_233, %dma_start3A_234] : memref<100000x1024xf32, #tpu.memory_space<hbm>> -> memref<100000x1024xf32, #tpu.memory_space<hbm>>
    tpu.enqueue_indirect_dma source(%dma_start3A_235 : memref<100000x1024xf32, #tpu.memory_space<hbm>>) target(%arg11 : memref<16x1024xf32, #tpu.memory_space<vmem>>) offsets(%dma_start3A_232 : memref<16xi32, #tpu.memory_space<vmem>>) semaphore(%arg18 : memref<!tpu.dma_semaphore, #tpu.memory_space<semaphore_mem>>)
    %dma_wait3A_236 = arith.constant 128 : i32
    %dma_wait3A_237 = tpu.memref_slice %arg5[%dma_wait3A_236] : memref<512xi32, #tpu.memory_space<vmem>> -> memref<16xi32, #tpu.memory_space<vmem>>
    %dma_wait3A_238 = arith.constant 0 : i32
    %dma_wait3A_239 = arith.constant 0 : i32
    %dma_wait3A_240 = tpu.memref_slice %arg2[%dma_wait3A_238, %dma_wait3A_239] : memref<100000x1024xf32, #tpu.memory_space<hbm>> -> memref<100000x1024xf32, #tpu.memory_space<hbm>>
    tpu.wait_indirect_dma semaphore(%arg14 : memref<!tpu.dma_semaphore, #tpu.memory_space<semaphore_mem>>) src(%dma_wait3A_240 : memref<100000x1024xf32, #tpu.memory_space<hbm>>) dst(%arg7 : memref<16x1024xf32, #tpu.memory_space<vmem>>)
    %add3A_241 = arith.constant 128 : i32
    %add3A_242 = arith.addi %mul3A_32, %add3A_241 : i32
    %dma_start3A_243 = arith.constant 0 : i32
    %dma_start3A_244 = tpu.memref_slice %arg4[%select_n3A, %add3A_242, %dma_start3A_243] : memref<4x4096x1024xf32, #tpu.memory_space<hbm>> -> memref<1x16x1024xf32, #tpu.memory_space<hbm>>
    %dma_start3A_245 = tpu.memref_squeeze %dma_start3A_244 : memref<1x16x1024xf32, #tpu.memory_space<hbm>> -> memref<16x1024xf32, #tpu.memory_space<hbm>>
    %dma_start3A_246 = arith.constant 0 : i32
    %dma_start3A_247 = tpu.memref_slice %arg4[%select_n3A, %add3A_242, %dma_start3A_246] : memref<4x4096x1024xf32, #tpu.memory_space<hbm>> -> memref<1x16x1024xf32, #tpu.memory_space<hbm>>
    %dma_start3A_248 = tpu.memref_squeeze %dma_start3A_247 : memref<1x16x1024xf32, #tpu.memory_space<hbm>> -> memref<16x1024xf32, #tpu.memory_space<hbm>>
    tpu.enqueue_dma source(%arg7 : memref<16x1024xf32, #tpu.memory_space<vmem>>) target(%dma_start3A_248 : memref<16x1024xf32, #tpu.memory_space<hbm>>) target_semaphore(%arg21 : memref<!tpu.dma_semaphore, #tpu.memory_space<semaphore_mem>>)
    %dma_wait3A_249 = arith.constant 0 : i32
    %dma_wait3A_250 = tpu.memref_slice %arg4[%select_n3A, %add3A_194, %dma_wait3A_249] : memref<4x4096x1024xf32, #tpu.memory_space<hbm>> -> memref<1x16x1024xf32, #tpu.memory_space<hbm>>
    %dma_wait3A_251 = tpu.memref_squeeze %dma_wait3A_250 : memref<1x16x1024xf32, #tpu.memory_space<hbm>> -> memref<16x1024xf32, #tpu.memory_space<hbm>>
    %dma_wait3A_252 = arith.constant 0 : i32
    %dma_wait3A_253 = tpu.memref_slice %arg4[%select_n3A, %add3A_194, %dma_wait3A_252] : memref<4x4096x1024xf32, #tpu.memory_space<hbm>> -> memref<1x16x1024xf32, #tpu.memory_space<hbm>>
    %dma_wait3A_254 = tpu.memref_squeeze %dma_wait3A_253 : memref<1x16x1024xf32, #tpu.memory_space<hbm>> -> memref<16x1024xf32, #tpu.memory_space<hbm>>
    tpu.wait_dma2 semaphore(%arg26 : memref<!tpu.dma_semaphore, #tpu.memory_space<semaphore_mem>>) src(%arg12 : memref<16x1024xf32, #tpu.memory_space<vmem>>) dst(%dma_wait3A_254 : memref<16x1024xf32, #tpu.memory_space<hbm>>)
    %dma_start3A_255 = arith.constant 208 : i32
    %dma_start3A_256 = tpu.memref_slice %arg5[%dma_start3A_255] : memref<512xi32, #tpu.memory_space<vmem>> -> memref<16xi32, #tpu.memory_space<vmem>>
    %dma_start3A_257 = arith.constant 0 : i32
    %dma_start3A_258 = arith.constant 0 : i32
    %dma_start3A_259 = tpu.memref_slice %arg2[%dma_start3A_257, %dma_start3A_258] : memref<100000x1024xf32, #tpu.memory_space<hbm>> -> memref<100000x1024xf32, #tpu.memory_space<hbm>>
    tpu.enqueue_indirect_dma source(%dma_start3A_259 : memref<100000x1024xf32, #tpu.memory_space<hbm>>) target(%arg12 : memref<16x1024xf32, #tpu.memory_space<vmem>>) offsets(%dma_start3A_256 : memref<16xi32, #tpu.memory_space<vmem>>) semaphore(%arg19 : memref<!tpu.dma_semaphore, #tpu.memory_space<semaphore_mem>>)
    %dma_wait3A_260 = arith.constant 144 : i32
    %dma_wait3A_261 = tpu.memref_slice %arg5[%dma_wait3A_260] : memref<512xi32, #tpu.memory_space<vmem>> -> memref<16xi32, #tpu.memory_space<vmem>>
    %dma_wait3A_262 = arith.constant 0 : i32
    %dma_wait3A_263 = arith.constant 0 : i32
    %dma_wait3A_264 = tpu.memref_slice %arg2[%dma_wait3A_262, %dma_wait3A_263] : memref<100000x1024xf32, #tpu.memory_space<hbm>> -> memref<100000x1024xf32, #tpu.memory_space<hbm>>
    tpu.wait_indirect_dma semaphore(%arg15 : memref<!tpu.dma_semaphore, #tpu.memory_space<semaphore_mem>>) src(%dma_wait3A_264 : memref<100000x1024xf32, #tpu.memory_space<hbm>>) dst(%arg8 : memref<16x1024xf32, #tpu.memory_space<vmem>>)
    %add3A_265 = arith.constant 144 : i32
    %add3A_266 = arith.addi %mul3A_32, %add3A_265 : i32
    %dma_start3A_267 = arith.constant 0 : i32
    %dma_start3A_268 = tpu.memref_slice %arg4[%select_n3A, %add3A_266, %dma_start3A_267] : memref<4x4096x1024xf32, #tpu.memory_space<hbm>> -> memref<1x16x1024xf32, #tpu.memory_space<hbm>>
    %dma_start3A_269 = tpu.memref_squeeze %dma_start3A_268 : memref<1x16x1024xf32, #tpu.memory_space<hbm>> -> memref<16x1024xf32, #tpu.memory_space<hbm>>
    %dma_start3A_270 = arith.constant 0 : i32
    %dma_start3A_271 = tpu.memref_slice %arg4[%select_n3A, %add3A_266, %dma_start3A_270] : memref<4x4096x1024xf32, #tpu.memory_space<hbm>> -> memref<1x16x1024xf32, #tpu.memory_space<hbm>>
    %dma_start3A_272 = tpu.memref_squeeze %dma_start3A_271 : memref<1x16x1024xf32, #tpu.memory_space<hbm>> -> memref<16x1024xf32, #tpu.memory_space<hbm>>
    tpu.enqueue_dma source(%arg8 : memref<16x1024xf32, #tpu.memory_space<vmem>>) target(%dma_start3A_272 : memref<16x1024xf32, #tpu.memory_space<hbm>>) target_semaphore(%arg22 : memref<!tpu.dma_semaphore, #tpu.memory_space<semaphore_mem>>)
    %dma_wait3A_273 = arith.constant 0 : i32
    %dma_wait3A_274 = tpu.memref_slice %arg4[%select_n3A, %add3A_218, %dma_wait3A_273] : memref<4x4096x1024xf32, #tpu.memory_space<hbm>> -> memref<1x16x1024xf32, #tpu.memory_space<hbm>>
    %dma_wait3A_275 = tpu.memref_squeeze %dma_wait3A_274 : memref<1x16x1024xf32, #tpu.memory_space<hbm>> -> memref<16x1024xf32, #tpu.memory_space<hbm>>
    %dma_wait3A_276 = arith.constant 0 : i32
    %dma_wait3A_277 = tpu.memref_slice %arg4[%select_n3A, %add3A_218, %dma_wait3A_276] : memref<4x4096x1024xf32, #tpu.memory_space<hbm>> -> memref<1x16x1024xf32, #tpu.memory_space<hbm>>
    %dma_wait3A_278 = tpu.memref_squeeze %dma_wait3A_277 : memref<1x16x1024xf32, #tpu.memory_space<hbm>> -> memref<16x1024xf32, #tpu.memory_space<hbm>>
    tpu.wait_dma2 semaphore(%arg20 : memref<!tpu.dma_semaphore, #tpu.memory_space<semaphore_mem>>) src(%arg6 : memref<16x1024xf32, #tpu.memory_space<vmem>>) dst(%dma_wait3A_278 : memref<16x1024xf32, #tpu.memory_space<hbm>>)
    %dma_start3A_279 = arith.constant 224 : i32
    %dma_start3A_280 = tpu.memref_slice %arg5[%dma_start3A_279] : memref<512xi32, #tpu.memory_space<vmem>> -> memref<16xi32, #tpu.memory_space<vmem>>
    %dma_start3A_281 = arith.constant 0 : i32
    %dma_start3A_282 = arith.constant 0 : i32
    %dma_start3A_283 = tpu.memref_slice %arg2[%dma_start3A_281, %dma_start3A_282] : memref<100000x1024xf32, #tpu.memory_space<hbm>> -> memref<100000x1024xf32, #tpu.memory_space<hbm>>
    tpu.enqueue_indirect_dma source(%dma_start3A_283 : memref<100000x1024xf32, #tpu.memory_space<hbm>>) target(%arg6 : memref<16x1024xf32, #tpu.memory_space<vmem>>) offsets(%dma_start3A_280 : memref<16xi32, #tpu.memory_space<vmem>>) semaphore(%arg13 : memref<!tpu.dma_semaphore, #tpu.memory_space<semaphore_mem>>)
    %dma_wait3A_284 = arith.constant 160 : i32
    %dma_wait3A_285 = tpu.memref_slice %arg5[%dma_wait3A_284] : memref<512xi32, #tpu.memory_space<vmem>> -> memref<16xi32, #tpu.memory_space<vmem>>
    %dma_wait3A_286 = arith.constant 0 : i32
    %dma_wait3A_287 = arith.constant 0 : i32
    %dma_wait3A_288 = tpu.memref_slice %arg2[%dma_wait3A_286, %dma_wait3A_287] : memref<100000x1024xf32, #tpu.memory_space<hbm>> -> memref<100000x1024xf32, #tpu.memory_space<hbm>>
    tpu.wait_indirect_dma semaphore(%arg16 : memref<!tpu.dma_semaphore, #tpu.memory_space<semaphore_mem>>) src(%dma_wait3A_288 : memref<100000x1024xf32, #tpu.memory_space<hbm>>) dst(%arg9 : memref<16x1024xf32, #tpu.memory_space<vmem>>)
    %add3A_289 = arith.constant 160 : i32
    %add3A_290 = arith.addi %mul3A_32, %add3A_289 : i32
    %dma_start3A_291 = arith.constant 0 : i32
    %dma_start3A_292 = tpu.memref_slice %arg4[%select_n3A, %add3A_290, %dma_start3A_291] : memref<4x4096x1024xf32, #tpu.memory_space<hbm>> -> memref<1x16x1024xf32, #tpu.memory_space<hbm>>
    %dma_start3A_293 = tpu.memref_squeeze %dma_start3A_292 : memref<1x16x1024xf32, #tpu.memory_space<hbm>> -> memref<16x1024xf32, #tpu.memory_space<hbm>>
    %dma_start3A_294 = arith.constant 0 : i32
    %dma_start3A_295 = tpu.memref_slice %arg4[%select_n3A, %add3A_290, %dma_start3A_294] : memref<4x4096x1024xf32, #tpu.memory_space<hbm>> -> memref<1x16x1024xf32, #tpu.memory_space<hbm>>
    %dma_start3A_296 = tpu.memref_squeeze %dma_start3A_295 : memref<1x16x1024xf32, #tpu.memory_space<hbm>> -> memref<16x1024xf32, #tpu.memory_space<hbm>>
    tpu.enqueue_dma source(%arg9 : memref<16x1024xf32, #tpu.memory_space<vmem>>) target(%dma_start3A_296 : memref<16x1024xf32, #tpu.memory_space<hbm>>) target_semaphore(%arg23 : memref<!tpu.dma_semaphore, #tpu.memory_space<semaphore_mem>>)
    %dma_wait3A_297 = arith.constant 0 : i32
    %dma_wait3A_298 = tpu.memref_slice %arg4[%select_n3A, %add3A_242, %dma_wait3A_297] : memref<4x4096x1024xf32, #tpu.memory_space<hbm>> -> memref<1x16x1024xf32, #tpu.memory_space<hbm>>
    %dma_wait3A_299 = tpu.memref_squeeze %dma_wait3A_298 : memref<1x16x1024xf32, #tpu.memory_space<hbm>> -> memref<16x1024xf32, #tpu.memory_space<hbm>>
    %dma_wait3A_300 = arith.constant 0 : i32
    %dma_wait3A_301 = tpu.memref_slice %arg4[%select_n3A, %add3A_242, %dma_wait3A_300] : memref<4x4096x1024xf32, #tpu.memory_space<hbm>> -> memref<1x16x1024xf32, #tpu.memory_space<hbm>>
    %dma_wait3A_302 = tpu.memref_squeeze %dma_wait3A_301 : memref<1x16x1024xf32, #tpu.memory_space<hbm>> -> memref<16x1024xf32, #tpu.memory_space<hbm>>
    tpu.wait_dma2 semaphore(%arg21 : memref<!tpu.dma_semaphore, #tpu.memory_space<semaphore_mem>>) src(%arg7 : memref<16x1024xf32, #tpu.memory_space<vmem>>) dst(%dma_wait3A_302 : memref<16x1024xf32, #tpu.memory_space<hbm>>)
    %dma_start3A_303 = arith.constant 240 : i32
    %dma_start3A_304 = tpu.memref_slice %arg5[%dma_start3A_303] : memref<512xi32, #tpu.memory_space<vmem>> -> memref<16xi32, #tpu.memory_space<vmem>>
    %dma_start3A_305 = arith.constant 0 : i32
    %dma_start3A_306 = arith.constant 0 : i32
    %dma_start3A_307 = tpu.memref_slice %arg2[%dma_start3A_305, %dma_start3A_306] : memref<100000x1024xf32, #tpu.memory_space<hbm>> -> memref<100000x1024xf32, #tpu.memory_space<hbm>>
    tpu.enqueue_indirect_dma source(%dma_start3A_307 : memref<100000x1024xf32, #tpu.memory_space<hbm>>) target(%arg7 : memref<16x1024xf32, #tpu.memory_space<vmem>>) offsets(%dma_start3A_304 : memref<16xi32, #tpu.memory_space<vmem>>) semaphore(%arg14 : memref<!tpu.dma_semaphore, #tpu.memory_space<semaphore_mem>>)
    %dma_wait3A_308 = arith.constant 176 : i32
    %dma_wait3A_309 = tpu.memref_slice %arg5[%dma_wait3A_308] : memref<512xi32, #tpu.memory_space<vmem>> -> memref<16xi32, #tpu.memory_space<vmem>>
    %dma_wait3A_310 = arith.constant 0 : i32
    %dma_wait3A_311 = arith.constant 0 : i32
    %dma_wait3A_312 = tpu.memref_slice %arg2[%dma_wait3A_310, %dma_wait3A_311] : memref<100000x1024xf32, #tpu.memory_space<hbm>> -> memref<100000x1024xf32, #tpu.memory_space<hbm>>
    tpu.wait_indirect_dma semaphore(%arg17 : memref<!tpu.dma_semaphore, #tpu.memory_space<semaphore_mem>>) src(%dma_wait3A_312 : memref<100000x1024xf32, #tpu.memory_space<hbm>>) dst(%arg10 : memref<16x1024xf32, #tpu.memory_space<vmem>>)
    %add3A_313 = arith.constant 176 : i32
    %add3A_314 = arith.addi %mul3A_32, %add3A_313 : i32
    %dma_start3A_315 = arith.constant 0 : i32
    %dma_start3A_316 = tpu.memref_slice %arg4[%select_n3A, %add3A_314, %dma_start3A_315] : memref<4x4096x1024xf32, #tpu.memory_space<hbm>> -> memref<1x16x1024xf32, #tpu.memory_space<hbm>>
    %dma_start3A_317 = tpu.memref_squeeze %dma_start3A_316 : memref<1x16x1024xf32, #tpu.memory_space<hbm>> -> memref<16x1024xf32, #tpu.memory_space<hbm>>
    %dma_start3A_318 = arith.constant 0 : i32
    %dma_start3A_319 = tpu.memref_slice %arg4[%select_n3A, %add3A_314, %dma_start3A_318] : memref<4x4096x1024xf32, #tpu.memory_space<hbm>> -> memref<1x16x1024xf32, #tpu.memory_space<hbm>>
    %dma_start3A_320 = tpu.memref_squeeze %dma_start3A_319 : memref<1x16x1024xf32, #tpu.memory_space<hbm>> -> memref<16x1024xf32, #tpu.memory_space<hbm>>
    tpu.enqueue_dma source(%arg10 : memref<16x1024xf32, #tpu.memory_space<vmem>>) target(%dma_start3A_320 : memref<16x1024xf32, #tpu.memory_space<hbm>>) target_semaphore(%arg24 : memref<!tpu.dma_semaphore, #tpu.memory_space<semaphore_mem>>)
    %dma_wait3A_321 = arith.constant 0 : i32
    %dma_wait3A_322 = tpu.memref_slice %arg4[%select_n3A, %add3A_266, %dma_wait3A_321] : memref<4x4096x1024xf32, #tpu.memory_space<hbm>> -> memref<1x16x1024xf32, #tpu.memory_space<hbm>>
    %dma_wait3A_323 = tpu.memref_squeeze %dma_wait3A_322 : memref<1x16x1024xf32, #tpu.memory_space<hbm>> -> memref<16x1024xf32, #tpu.memory_space<hbm>>
    %dma_wait3A_324 = arith.constant 0 : i32
    %dma_wait3A_325 = tpu.memref_slice %arg4[%select_n3A, %add3A_266, %dma_wait3A_324] : memref<4x4096x1024xf32, #tpu.memory_space<hbm>> -> memref<1x16x1024xf32, #tpu.memory_space<hbm>>
    %dma_wait3A_326 = tpu.memref_squeeze %dma_wait3A_325 : memref<1x16x1024xf32, #tpu.memory_space<hbm>> -> memref<16x1024xf32, #tpu.memory_space<hbm>>
    tpu.wait_dma2 semaphore(%arg22 : memref<!tpu.dma_semaphore, #tpu.memory_space<semaphore_mem>>) src(%arg8 : memref<16x1024xf32, #tpu.memory_space<vmem>>) dst(%dma_wait3A_326 : memref<16x1024xf32, #tpu.memory_space<hbm>>)
    %dma_start3A_327 = arith.constant 256 : i32
    %dma_start3A_328 = tpu.memref_slice %arg5[%dma_start3A_327] : memref<512xi32, #tpu.memory_space<vmem>> -> memref<16xi32, #tpu.memory_space<vmem>>
    %dma_start3A_329 = arith.constant 0 : i32
    %dma_start3A_330 = arith.constant 0 : i32
    %dma_start3A_331 = tpu.memref_slice %arg2[%dma_start3A_329, %dma_start3A_330] : memref<100000x1024xf32, #tpu.memory_space<hbm>> -> memref<100000x1024xf32, #tpu.memory_space<hbm>>
    tpu.enqueue_indirect_dma source(%dma_start3A_331 : memref<100000x1024xf32, #tpu.memory_space<hbm>>) target(%arg8 : memref<16x1024xf32, #tpu.memory_space<vmem>>) offsets(%dma_start3A_328 : memref<16xi32, #tpu.memory_space<vmem>>) semaphore(%arg15 : memref<!tpu.dma_semaphore, #tpu.memory_space<semaphore_mem>>)
    %dma_wait3A_332 = arith.constant 192 : i32
    %dma_wait3A_333 = tpu.memref_slice %arg5[%dma_wait3A_332] : memref<512xi32, #tpu.memory_space<vmem>> -> memref<16xi32, #tpu.memory_space<vmem>>
    %dma_wait3A_334 = arith.constant 0 : i32
    %dma_wait3A_335 = arith.constant 0 : i32
    %dma_wait3A_336 = tpu.memref_slice %arg2[%dma_wait3A_334, %dma_wait3A_335] : memref<100000x1024xf32, #tpu.memory_space<hbm>> -> memref<100000x1024xf32, #tpu.memory_space<hbm>>
    tpu.wait_indirect_dma semaphore(%arg18 : memref<!tpu.dma_semaphore, #tpu.memory_space<semaphore_mem>>) src(%dma_wait3A_336 : memref<100000x1024xf32, #tpu.memory_space<hbm>>) dst(%arg11 : memref<16x1024xf32, #tpu.memory_space<vmem>>)
    %add3A_337 = arith.constant 192 : i32
    %add3A_338 = arith.addi %mul3A_32, %add3A_337 : i32
    %dma_start3A_339 = arith.constant 0 : i32
    %dma_start3A_340 = tpu.memref_slice %arg4[%select_n3A, %add3A_338, %dma_start3A_339] : memref<4x4096x1024xf32, #tpu.memory_space<hbm>> -> memref<1x16x1024xf32, #tpu.memory_space<hbm>>
    %dma_start3A_341 = tpu.memref_squeeze %dma_start3A_340 : memref<1x16x1024xf32, #tpu.memory_space<hbm>> -> memref<16x1024xf32, #tpu.memory_space<hbm>>
    %dma_start3A_342 = arith.constant 0 : i32
    %dma_start3A_343 = tpu.memref_slice %arg4[%select_n3A, %add3A_338, %dma_start3A_342] : memref<4x4096x1024xf32, #tpu.memory_space<hbm>> -> memref<1x16x1024xf32, #tpu.memory_space<hbm>>
    %dma_start3A_344 = tpu.memref_squeeze %dma_start3A_343 : memref<1x16x1024xf32, #tpu.memory_space<hbm>> -> memref<16x1024xf32, #tpu.memory_space<hbm>>
    tpu.enqueue_dma source(%arg11 : memref<16x1024xf32, #tpu.memory_space<vmem>>) target(%dma_start3A_344 : memref<16x1024xf32, #tpu.memory_space<hbm>>) target_semaphore(%arg25 : memref<!tpu.dma_semaphore, #tpu.memory_space<semaphore_mem>>)
    %dma_wait3A_345 = arith.constant 0 : i32
    %dma_wait3A_346 = tpu.memref_slice %arg4[%select_n3A, %add3A_290, %dma_wait3A_345] : memref<4x4096x1024xf32, #tpu.memory_space<hbm>> -> memref<1x16x1024xf32, #tpu.memory_space<hbm>>
    %dma_wait3A_347 = tpu.memref_squeeze %dma_wait3A_346 : memref<1x16x1024xf32, #tpu.memory_space<hbm>> -> memref<16x1024xf32, #tpu.memory_space<hbm>>
    %dma_wait3A_348 = arith.constant 0 : i32
    %dma_wait3A_349 = tpu.memref_slice %arg4[%select_n3A, %add3A_290, %dma_wait3A_348] : memref<4x4096x1024xf32, #tpu.memory_space<hbm>> -> memref<1x16x1024xf32, #tpu.memory_space<hbm>>
    %dma_wait3A_350 = tpu.memref_squeeze %dma_wait3A_349 : memref<1x16x1024xf32, #tpu.memory_space<hbm>> -> memref<16x1024xf32, #tpu.memory_space<hbm>>
    tpu.wait_dma2 semaphore(%arg23 : memref<!tpu.dma_semaphore, #tpu.memory_space<semaphore_mem>>) src(%arg9 : memref<16x1024xf32, #tpu.memory_space<vmem>>) dst(%dma_wait3A_350 : memref<16x1024xf32, #tpu.memory_space<hbm>>)
    %dma_start3A_351 = arith.constant 272 : i32
    %dma_start3A_352 = tpu.memref_slice %arg5[%dma_start3A_351] : memref<512xi32, #tpu.memory_space<vmem>> -> memref<16xi32, #tpu.memory_space<vmem>>
    %dma_start3A_353 = arith.constant 0 : i32
    %dma_start3A_354 = arith.constant 0 : i32
    %dma_start3A_355 = tpu.memref_slice %arg2[%dma_start3A_353, %dma_start3A_354] : memref<100000x1024xf32, #tpu.memory_space<hbm>> -> memref<100000x1024xf32, #tpu.memory_space<hbm>>
    tpu.enqueue_indirect_dma source(%dma_start3A_355 : memref<100000x1024xf32, #tpu.memory_space<hbm>>) target(%arg9 : memref<16x1024xf32, #tpu.memory_space<vmem>>) offsets(%dma_start3A_352 : memref<16xi32, #tpu.memory_space<vmem>>) semaphore(%arg16 : memref<!tpu.dma_semaphore, #tpu.memory_space<semaphore_mem>>)
    %dma_wait3A_356 = arith.constant 208 : i32
    %dma_wait3A_357 = tpu.memref_slice %arg5[%dma_wait3A_356] : memref<512xi32, #tpu.memory_space<vmem>> -> memref<16xi32, #tpu.memory_space<vmem>>
    %dma_wait3A_358 = arith.constant 0 : i32
    %dma_wait3A_359 = arith.constant 0 : i32
    %dma_wait3A_360 = tpu.memref_slice %arg2[%dma_wait3A_358, %dma_wait3A_359] : memref<100000x1024xf32, #tpu.memory_space<hbm>> -> memref<100000x1024xf32, #tpu.memory_space<hbm>>
    tpu.wait_indirect_dma semaphore(%arg19 : memref<!tpu.dma_semaphore, #tpu.memory_space<semaphore_mem>>) src(%dma_wait3A_360 : memref<100000x1024xf32, #tpu.memory_space<hbm>>) dst(%arg12 : memref<16x1024xf32, #tpu.memory_space<vmem>>)
    %add3A_361 = arith.constant 208 : i32
    %add3A_362 = arith.addi %mul3A_32, %add3A_361 : i32
    %dma_start3A_363 = arith.constant 0 : i32
    %dma_start3A_364 = tpu.memref_slice %arg4[%select_n3A, %add3A_362, %dma_start3A_363] : memref<4x4096x1024xf32, #tpu.memory_space<hbm>> -> memref<1x16x1024xf32, #tpu.memory_space<hbm>>
    %dma_start3A_365 = tpu.memref_squeeze %dma_start3A_364 : memref<1x16x1024xf32, #tpu.memory_space<hbm>> -> memref<16x1024xf32, #tpu.memory_space<hbm>>
    %dma_start3A_366 = arith.constant 0 : i32
    %dma_start3A_367 = tpu.memref_slice %arg4[%select_n3A, %add3A_362, %dma_start3A_366] : memref<4x4096x1024xf32, #tpu.memory_space<hbm>> -> memref<1x16x1024xf32, #tpu.memory_space<hbm>>
    %dma_start3A_368 = tpu.memref_squeeze %dma_start3A_367 : memref<1x16x1024xf32, #tpu.memory_space<hbm>> -> memref<16x1024xf32, #tpu.memory_space<hbm>>
    tpu.enqueue_dma source(%arg12 : memref<16x1024xf32, #tpu.memory_space<vmem>>) target(%dma_start3A_368 : memref<16x1024xf32, #tpu.memory_space<hbm>>) target_semaphore(%arg26 : memref<!tpu.dma_semaphore, #tpu.memory_space<semaphore_mem>>)
    %dma_wait3A_369 = arith.constant 0 : i32
    %dma_wait3A_370 = tpu.memref_slice %arg4[%select_n3A, %add3A_314, %dma_wait3A_369] : memref<4x4096x1024xf32, #tpu.memory_space<hbm>> -> memref<1x16x1024xf32, #tpu.memory_space<hbm>>
    %dma_wait3A_371 = tpu.memref_squeeze %dma_wait3A_370 : memref<1x16x1024xf32, #tpu.memory_space<hbm>> -> memref<16x1024xf32, #tpu.memory_space<hbm>>
    %dma_wait3A_372 = arith.constant 0 : i32
    %dma_wait3A_373 = tpu.memref_slice %arg4[%select_n3A, %add3A_314, %dma_wait3A_372] : memref<4x4096x1024xf32, #tpu.memory_space<hbm>> -> memref<1x16x1024xf32, #tpu.memory_space<hbm>>
    %dma_wait3A_374 = tpu.memref_squeeze %dma_wait3A_373 : memref<1x16x1024xf32, #tpu.memory_space<hbm>> -> memref<16x1024xf32, #tpu.memory_space<hbm>>
    tpu.wait_dma2 semaphore(%arg24 : memref<!tpu.dma_semaphore, #tpu.memory_space<semaphore_mem>>) src(%arg10 : memref<16x1024xf32, #tpu.memory_space<vmem>>) dst(%dma_wait3A_374 : memref<16x1024xf32, #tpu.memory_space<hbm>>)
    %dma_start3A_375 = arith.constant 288 : i32
    %dma_start3A_376 = tpu.memref_slice %arg5[%dma_start3A_375] : memref<512xi32, #tpu.memory_space<vmem>> -> memref<16xi32, #tpu.memory_space<vmem>>
    %dma_start3A_377 = arith.constant 0 : i32
    %dma_start3A_378 = arith.constant 0 : i32
    %dma_start3A_379 = tpu.memref_slice %arg2[%dma_start3A_377, %dma_start3A_378] : memref<100000x1024xf32, #tpu.memory_space<hbm>> -> memref<100000x1024xf32, #tpu.memory_space<hbm>>
    tpu.enqueue_indirect_dma source(%dma_start3A_379 : memref<100000x1024xf32, #tpu.memory_space<hbm>>) target(%arg10 : memref<16x1024xf32, #tpu.memory_space<vmem>>) offsets(%dma_start3A_376 : memref<16xi32, #tpu.memory_space<vmem>>) semaphore(%arg17 : memref<!tpu.dma_semaphore, #tpu.memory_space<semaphore_mem>>)
    %dma_wait3A_380 = arith.constant 224 : i32
    %dma_wait3A_381 = tpu.memref_slice %arg5[%dma_wait3A_380] : memref<512xi32, #tpu.memory_space<vmem>> -> memref<16xi32, #tpu.memory_space<vmem>>
    %dma_wait3A_382 = arith.constant 0 : i32
    %dma_wait3A_383 = arith.constant 0 : i32
    %dma_wait3A_384 = tpu.memref_slice %arg2[%dma_wait3A_382, %dma_wait3A_383] : memref<100000x1024xf32, #tpu.memory_space<hbm>> -> memref<100000x1024xf32, #tpu.memory_space<hbm>>
    tpu.wait_indirect_dma semaphore(%arg13 : memref<!tpu.dma_semaphore, #tpu.memory_space<semaphore_mem>>) src(%dma_wait3A_384 : memref<100000x1024xf32, #tpu.memory_space<hbm>>) dst(%arg6 : memref<16x1024xf32, #tpu.memory_space<vmem>>)
    %add3A_385 = arith.constant 224 : i32
    %add3A_386 = arith.addi %mul3A_32, %add3A_385 : i32
    %dma_start3A_387 = arith.constant 0 : i32
    %dma_start3A_388 = tpu.memref_slice %arg4[%select_n3A, %add3A_386, %dma_start3A_387] : memref<4x4096x1024xf32, #tpu.memory_space<hbm>> -> memref<1x16x1024xf32, #tpu.memory_space<hbm>>
    %dma_start3A_389 = tpu.memref_squeeze %dma_start3A_388 : memref<1x16x1024xf32, #tpu.memory_space<hbm>> -> memref<16x1024xf32, #tpu.memory_space<hbm>>
    %dma_start3A_390 = arith.constant 0 : i32
    %dma_start3A_391 = tpu.memref_slice %arg4[%select_n3A, %add3A_386, %dma_start3A_390] : memref<4x4096x1024xf32, #tpu.memory_space<hbm>> -> memref<1x16x1024xf32, #tpu.memory_space<hbm>>
    %dma_start3A_392 = tpu.memref_squeeze %dma_start3A_391 : memref<1x16x1024xf32, #tpu.memory_space<hbm>> -> memref<16x1024xf32, #tpu.memory_space<hbm>>
    tpu.enqueue_dma source(%arg6 : memref<16x1024xf32, #tpu.memory_space<vmem>>) target(%dma_start3A_392 : memref<16x1024xf32, #tpu.memory_space<hbm>>) target_semaphore(%arg20 : memref<!tpu.dma_semaphore, #tpu.memory_space<semaphore_mem>>)
    %dma_wait3A_393 = arith.constant 0 : i32
    %dma_wait3A_394 = tpu.memref_slice %arg4[%select_n3A, %add3A_338, %dma_wait3A_393] : memref<4x4096x1024xf32, #tpu.memory_space<hbm>> -> memref<1x16x1024xf32, #tpu.memory_space<hbm>>
    %dma_wait3A_395 = tpu.memref_squeeze %dma_wait3A_394 : memref<1x16x1024xf32, #tpu.memory_space<hbm>> -> memref<16x1024xf32, #tpu.memory_space<hbm>>
    %dma_wait3A_396 = arith.constant 0 : i32
    %dma_wait3A_397 = tpu.memref_slice %arg4[%select_n3A, %add3A_338, %dma_wait3A_396] : memref<4x4096x1024xf32, #tpu.memory_space<hbm>> -> memref<1x16x1024xf32, #tpu.memory_space<hbm>>
    %dma_wait3A_398 = tpu.memref_squeeze %dma_wait3A_397 : memref<1x16x1024xf32, #tpu.memory_space<hbm>> -> memref<16x1024xf32, #tpu.memory_space<hbm>>
    tpu.wait_dma2 semaphore(%arg25 : memref<!tpu.dma_semaphore, #tpu.memory_space<semaphore_mem>>) src(%arg11 : memref<16x1024xf32, #tpu.memory_space<vmem>>) dst(%dma_wait3A_398 : memref<16x1024xf32, #tpu.memory_space<hbm>>)
    %dma_start3A_399 = arith.constant 304 : i32
    %dma_start3A_400 = tpu.memref_slice %arg5[%dma_start3A_399] : memref<512xi32, #tpu.memory_space<vmem>> -> memref<16xi32, #tpu.memory_space<vmem>>
    %dma_start3A_401 = arith.constant 0 : i32
    %dma_start3A_402 = arith.constant 0 : i32
    %dma_start3A_403 = tpu.memref_slice %arg2[%dma_start3A_401, %dma_start3A_402] : memref<100000x1024xf32, #tpu.memory_space<hbm>> -> memref<100000x1024xf32, #tpu.memory_space<hbm>>
    tpu.enqueue_indirect_dma source(%dma_start3A_403 : memref<100000x1024xf32, #tpu.memory_space<hbm>>) target(%arg11 : memref<16x1024xf32, #tpu.memory_space<vmem>>) offsets(%dma_start3A_400 : memref<16xi32, #tpu.memory_space<vmem>>) semaphore(%arg18 : memref<!tpu.dma_semaphore, #tpu.memory_space<semaphore_mem>>)
    %dma_wait3A_404 = arith.constant 240 : i32
    %dma_wait3A_405 = tpu.memref_slice %arg5[%dma_wait3A_404] : memref<512xi32, #tpu.memory_space<vmem>> -> memref<16xi32, #tpu.memory_space<vmem>>
    %dma_wait3A_406 = arith.constant 0 : i32
    %dma_wait3A_407 = arith.constant 0 : i32
    %dma_wait3A_408 = tpu.memref_slice %arg2[%dma_wait3A_406, %dma_wait3A_407] : memref<100000x1024xf32, #tpu.memory_space<hbm>> -> memref<100000x1024xf32, #tpu.memory_space<hbm>>
    tpu.wait_indirect_dma semaphore(%arg14 : memref<!tpu.dma_semaphore, #tpu.memory_space<semaphore_mem>>) src(%dma_wait3A_408 : memref<100000x1024xf32, #tpu.memory_space<hbm>>) dst(%arg7 : memref<16x1024xf32, #tpu.memory_space<vmem>>)
    %add3A_409 = arith.constant 240 : i32
    %add3A_410 = arith.addi %mul3A_32, %add3A_409 : i32
    %dma_start3A_411 = arith.constant 0 : i32
    %dma_start3A_412 = tpu.memref_slice %arg4[%select_n3A, %add3A_410, %dma_start3A_411] : memref<4x4096x1024xf32, #tpu.memory_space<hbm>> -> memref<1x16x1024xf32, #tpu.memory_space<hbm>>
    %dma_start3A_413 = tpu.memref_squeeze %dma_start3A_412 : memref<1x16x1024xf32, #tpu.memory_space<hbm>> -> memref<16x1024xf32, #tpu.memory_space<hbm>>
    %dma_start3A_414 = arith.constant 0 : i32
    %dma_start3A_415 = tpu.memref_slice %arg4[%select_n3A, %add3A_410, %dma_start3A_414] : memref<4x4096x1024xf32, #tpu.memory_space<hbm>> -> memref<1x16x1024xf32, #tpu.memory_space<hbm>>
    %dma_start3A_416 = tpu.memref_squeeze %dma_start3A_415 : memref<1x16x1024xf32, #tpu.memory_space<hbm>> -> memref<16x1024xf32, #tpu.memory_space<hbm>>
    tpu.enqueue_dma source(%arg7 : memref<16x1024xf32, #tpu.memory_space<vmem>>) target(%dma_start3A_416 : memref<16x1024xf32, #tpu.memory_space<hbm>>) target_semaphore(%arg21 : memref<!tpu.dma_semaphore, #tpu.memory_space<semaphore_mem>>)
    %dma_wait3A_417 = arith.constant 0 : i32
    %dma_wait3A_418 = tpu.memref_slice %arg4[%select_n3A, %add3A_362, %dma_wait3A_417] : memref<4x4096x1024xf32, #tpu.memory_space<hbm>> -> memref<1x16x1024xf32, #tpu.memory_space<hbm>>
    %dma_wait3A_419 = tpu.memref_squeeze %dma_wait3A_418 : memref<1x16x1024xf32, #tpu.memory_space<hbm>> -> memref<16x1024xf32, #tpu.memory_space<hbm>>
    %dma_wait3A_420 = arith.constant 0 : i32
    %dma_wait3A_421 = tpu.memref_slice %arg4[%select_n3A, %add3A_362, %dma_wait3A_420] : memref<4x4096x1024xf32, #tpu.memory_space<hbm>> -> memref<1x16x1024xf32, #tpu.memory_space<hbm>>
    %dma_wait3A_422 = tpu.memref_squeeze %dma_wait3A_421 : memref<1x16x1024xf32, #tpu.memory_space<hbm>> -> memref<16x1024xf32, #tpu.memory_space<hbm>>
    tpu.wait_dma2 semaphore(%arg26 : memref<!tpu.dma_semaphore, #tpu.memory_space<semaphore_mem>>) src(%arg12 : memref<16x1024xf32, #tpu.memory_space<vmem>>) dst(%dma_wait3A_422 : memref<16x1024xf32, #tpu.memory_space<hbm>>)
    %dma_start3A_423 = arith.constant 320 : i32
    %dma_start3A_424 = tpu.memref_slice %arg5[%dma_start3A_423] : memref<512xi32, #tpu.memory_space<vmem>> -> memref<16xi32, #tpu.memory_space<vmem>>
    %dma_start3A_425 = arith.constant 0 : i32
    %dma_start3A_426 = arith.constant 0 : i32
    %dma_start3A_427 = tpu.memref_slice %arg2[%dma_start3A_425, %dma_start3A_426] : memref<100000x1024xf32, #tpu.memory_space<hbm>> -> memref<100000x1024xf32, #tpu.memory_space<hbm>>
    tpu.enqueue_indirect_dma source(%dma_start3A_427 : memref<100000x1024xf32, #tpu.memory_space<hbm>>) target(%arg12 : memref<16x1024xf32, #tpu.memory_space<vmem>>) offsets(%dma_start3A_424 : memref<16xi32, #tpu.memory_space<vmem>>) semaphore(%arg19 : memref<!tpu.dma_semaphore, #tpu.memory_space<semaphore_mem>>)
    %dma_wait3A_428 = arith.constant 256 : i32
    %dma_wait3A_429 = tpu.memref_slice %arg5[%dma_wait3A_428] : memref<512xi32, #tpu.memory_space<vmem>> -> memref<16xi32, #tpu.memory_space<vmem>>
    %dma_wait3A_430 = arith.constant 0 : i32
    %dma_wait3A_431 = arith.constant 0 : i32
    %dma_wait3A_432 = tpu.memref_slice %arg2[%dma_wait3A_430, %dma_wait3A_431] : memref<100000x1024xf32, #tpu.memory_space<hbm>> -> memref<100000x1024xf32, #tpu.memory_space<hbm>>
    tpu.wait_indirect_dma semaphore(%arg15 : memref<!tpu.dma_semaphore, #tpu.memory_space<semaphore_mem>>) src(%dma_wait3A_432 : memref<100000x1024xf32, #tpu.memory_space<hbm>>) dst(%arg8 : memref<16x1024xf32, #tpu.memory_space<vmem>>)
    %add3A_433 = arith.constant 256 : i32
    %add3A_434 = arith.addi %mul3A_32, %add3A_433 : i32
    %dma_start3A_435 = arith.constant 0 : i32
    %dma_start3A_436 = tpu.memref_slice %arg4[%select_n3A, %add3A_434, %dma_start3A_435] : memref<4x4096x1024xf32, #tpu.memory_space<hbm>> -> memref<1x16x1024xf32, #tpu.memory_space<hbm>>
    %dma_start3A_437 = tpu.memref_squeeze %dma_start3A_436 : memref<1x16x1024xf32, #tpu.memory_space<hbm>> -> memref<16x1024xf32, #tpu.memory_space<hbm>>
    %dma_start3A_438 = arith.constant 0 : i32
    %dma_start3A_439 = tpu.memref_slice %arg4[%select_n3A, %add3A_434, %dma_start3A_438] : memref<4x4096x1024xf32, #tpu.memory_space<hbm>> -> memref<1x16x1024xf32, #tpu.memory_space<hbm>>
    %dma_start3A_440 = tpu.memref_squeeze %dma_start3A_439 : memref<1x16x1024xf32, #tpu.memory_space<hbm>> -> memref<16x1024xf32, #tpu.memory_space<hbm>>
    tpu.enqueue_dma source(%arg8 : memref<16x1024xf32, #tpu.memory_space<vmem>>) target(%dma_start3A_440 : memref<16x1024xf32, #tpu.memory_space<hbm>>) target_semaphore(%arg22 : memref<!tpu.dma_semaphore, #tpu.memory_space<semaphore_mem>>)
    %dma_wait3A_441 = arith.constant 0 : i32
    %dma_wait3A_442 = tpu.memref_slice %arg4[%select_n3A, %add3A_386, %dma_wait3A_441] : memref<4x4096x1024xf32, #tpu.memory_space<hbm>> -> memref<1x16x1024xf32, #tpu.memory_space<hbm>>
    %dma_wait3A_443 = tpu.memref_squeeze %dma_wait3A_442 : memref<1x16x1024xf32, #tpu.memory_space<hbm>> -> memref<16x1024xf32, #tpu.memory_space<hbm>>
    %dma_wait3A_444 = arith.constant 0 : i32
    %dma_wait3A_445 = tpu.memref_slice %arg4[%select_n3A, %add3A_386, %dma_wait3A_444] : memref<4x4096x1024xf32, #tpu.memory_space<hbm>> -> memref<1x16x1024xf32, #tpu.memory_space<hbm>>
    %dma_wait3A_446 = tpu.memref_squeeze %dma_wait3A_445 : memref<1x16x1024xf32, #tpu.memory_space<hbm>> -> memref<16x1024xf32, #tpu.memory_space<hbm>>
    tpu.wait_dma2 semaphore(%arg20 : memref<!tpu.dma_semaphore, #tpu.memory_space<semaphore_mem>>) src(%arg6 : memref<16x1024xf32, #tpu.memory_space<vmem>>) dst(%dma_wait3A_446 : memref<16x1024xf32, #tpu.memory_space<hbm>>)
    %dma_start3A_447 = arith.constant 336 : i32
    %dma_start3A_448 = tpu.memref_slice %arg5[%dma_start3A_447] : memref<512xi32, #tpu.memory_space<vmem>> -> memref<16xi32, #tpu.memory_space<vmem>>
    %dma_start3A_449 = arith.constant 0 : i32
    %dma_start3A_450 = arith.constant 0 : i32
    %dma_start3A_451 = tpu.memref_slice %arg2[%dma_start3A_449, %dma_start3A_450] : memref<100000x1024xf32, #tpu.memory_space<hbm>> -> memref<100000x1024xf32, #tpu.memory_space<hbm>>
    tpu.enqueue_indirect_dma source(%dma_start3A_451 : memref<100000x1024xf32, #tpu.memory_space<hbm>>) target(%arg6 : memref<16x1024xf32, #tpu.memory_space<vmem>>) offsets(%dma_start3A_448 : memref<16xi32, #tpu.memory_space<vmem>>) semaphore(%arg13 : memref<!tpu.dma_semaphore, #tpu.memory_space<semaphore_mem>>)
    %dma_wait3A_452 = arith.constant 272 : i32
    %dma_wait3A_453 = tpu.memref_slice %arg5[%dma_wait3A_452] : memref<512xi32, #tpu.memory_space<vmem>> -> memref<16xi32, #tpu.memory_space<vmem>>
    %dma_wait3A_454 = arith.constant 0 : i32
    %dma_wait3A_455 = arith.constant 0 : i32
    %dma_wait3A_456 = tpu.memref_slice %arg2[%dma_wait3A_454, %dma_wait3A_455] : memref<100000x1024xf32, #tpu.memory_space<hbm>> -> memref<100000x1024xf32, #tpu.memory_space<hbm>>
    tpu.wait_indirect_dma semaphore(%arg16 : memref<!tpu.dma_semaphore, #tpu.memory_space<semaphore_mem>>) src(%dma_wait3A_456 : memref<100000x1024xf32, #tpu.memory_space<hbm>>) dst(%arg9 : memref<16x1024xf32, #tpu.memory_space<vmem>>)
    %add3A_457 = arith.constant 272 : i32
    %add3A_458 = arith.addi %mul3A_32, %add3A_457 : i32
    %dma_start3A_459 = arith.constant 0 : i32
    %dma_start3A_460 = tpu.memref_slice %arg4[%select_n3A, %add3A_458, %dma_start3A_459] : memref<4x4096x1024xf32, #tpu.memory_space<hbm>> -> memref<1x16x1024xf32, #tpu.memory_space<hbm>>
    %dma_start3A_461 = tpu.memref_squeeze %dma_start3A_460 : memref<1x16x1024xf32, #tpu.memory_space<hbm>> -> memref<16x1024xf32, #tpu.memory_space<hbm>>
    %dma_start3A_462 = arith.constant 0 : i32
    %dma_start3A_463 = tpu.memref_slice %arg4[%select_n3A, %add3A_458, %dma_start3A_462] : memref<4x4096x1024xf32, #tpu.memory_space<hbm>> -> memref<1x16x1024xf32, #tpu.memory_space<hbm>>
    %dma_start3A_464 = tpu.memref_squeeze %dma_start3A_463 : memref<1x16x1024xf32, #tpu.memory_space<hbm>> -> memref<16x1024xf32, #tpu.memory_space<hbm>>
    tpu.enqueue_dma source(%arg9 : memref<16x1024xf32, #tpu.memory_space<vmem>>) target(%dma_start3A_464 : memref<16x1024xf32, #tpu.memory_space<hbm>>) target_semaphore(%arg23 : memref<!tpu.dma_semaphore, #tpu.memory_space<semaphore_mem>>)
    %dma_wait3A_465 = arith.constant 0 : i32
    %dma_wait3A_466 = tpu.memref_slice %arg4[%select_n3A, %add3A_410, %dma_wait3A_465] : memref<4x4096x1024xf32, #tpu.memory_space<hbm>> -> memref<1x16x1024xf32, #tpu.memory_space<hbm>>
    %dma_wait3A_467 = tpu.memref_squeeze %dma_wait3A_466 : memref<1x16x1024xf32, #tpu.memory_space<hbm>> -> memref<16x1024xf32, #tpu.memory_space<hbm>>
    %dma_wait3A_468 = arith.constant 0 : i32
    %dma_wait3A_469 = tpu.memref_slice %arg4[%select_n3A, %add3A_410, %dma_wait3A_468] : memref<4x4096x1024xf32, #tpu.memory_space<hbm>> -> memref<1x16x1024xf32, #tpu.memory_space<hbm>>
    %dma_wait3A_470 = tpu.memref_squeeze %dma_wait3A_469 : memref<1x16x1024xf32, #tpu.memory_space<hbm>> -> memref<16x1024xf32, #tpu.memory_space<hbm>>
    tpu.wait_dma2 semaphore(%arg21 : memref<!tpu.dma_semaphore, #tpu.memory_space<semaphore_mem>>) src(%arg7 : memref<16x1024xf32, #tpu.memory_space<vmem>>) dst(%dma_wait3A_470 : memref<16x1024xf32, #tpu.memory_space<hbm>>)
    %dma_start3A_471 = arith.constant 352 : i32
    %dma_start3A_472 = tpu.memref_slice %arg5[%dma_start3A_471] : memref<512xi32, #tpu.memory_space<vmem>> -> memref<16xi32, #tpu.memory_space<vmem>>
    %dma_start3A_473 = arith.constant 0 : i32
    %dma_start3A_474 = arith.constant 0 : i32
    %dma_start3A_475 = tpu.memref_slice %arg2[%dma_start3A_473, %dma_start3A_474] : memref<100000x1024xf32, #tpu.memory_space<hbm>> -> memref<100000x1024xf32, #tpu.memory_space<hbm>>
    tpu.enqueue_indirect_dma source(%dma_start3A_475 : memref<100000x1024xf32, #tpu.memory_space<hbm>>) target(%arg7 : memref<16x1024xf32, #tpu.memory_space<vmem>>) offsets(%dma_start3A_472 : memref<16xi32, #tpu.memory_space<vmem>>) semaphore(%arg14 : memref<!tpu.dma_semaphore, #tpu.memory_space<semaphore_mem>>)
    %dma_wait3A_476 = arith.constant 288 : i32
    %dma_wait3A_477 = tpu.memref_slice %arg5[%dma_wait3A_476] : memref<512xi32, #tpu.memory_space<vmem>> -> memref<16xi32, #tpu.memory_space<vmem>>
    %dma_wait3A_478 = arith.constant 0 : i32
    %dma_wait3A_479 = arith.constant 0 : i32
    %dma_wait3A_480 = tpu.memref_slice %arg2[%dma_wait3A_478, %dma_wait3A_479] : memref<100000x1024xf32, #tpu.memory_space<hbm>> -> memref<100000x1024xf32, #tpu.memory_space<hbm>>
    tpu.wait_indirect_dma semaphore(%arg17 : memref<!tpu.dma_semaphore, #tpu.memory_space<semaphore_mem>>) src(%dma_wait3A_480 : memref<100000x1024xf32, #tpu.memory_space<hbm>>) dst(%arg10 : memref<16x1024xf32, #tpu.memory_space<vmem>>)
    %add3A_481 = arith.constant 288 : i32
    %add3A_482 = arith.addi %mul3A_32, %add3A_481 : i32
    %dma_start3A_483 = arith.constant 0 : i32
    %dma_start3A_484 = tpu.memref_slice %arg4[%select_n3A, %add3A_482, %dma_start3A_483] : memref<4x4096x1024xf32, #tpu.memory_space<hbm>> -> memref<1x16x1024xf32, #tpu.memory_space<hbm>>
    %dma_start3A_485 = tpu.memref_squeeze %dma_start3A_484 : memref<1x16x1024xf32, #tpu.memory_space<hbm>> -> memref<16x1024xf32, #tpu.memory_space<hbm>>
    %dma_start3A_486 = arith.constant 0 : i32
    %dma_start3A_487 = tpu.memref_slice %arg4[%select_n3A, %add3A_482, %dma_start3A_486] : memref<4x4096x1024xf32, #tpu.memory_space<hbm>> -> memref<1x16x1024xf32, #tpu.memory_space<hbm>>
    %dma_start3A_488 = tpu.memref_squeeze %dma_start3A_487 : memref<1x16x1024xf32, #tpu.memory_space<hbm>> -> memref<16x1024xf32, #tpu.memory_space<hbm>>
    tpu.enqueue_dma source(%arg10 : memref<16x1024xf32, #tpu.memory_space<vmem>>) target(%dma_start3A_488 : memref<16x1024xf32, #tpu.memory_space<hbm>>) target_semaphore(%arg24 : memref<!tpu.dma_semaphore, #tpu.memory_space<semaphore_mem>>)
    %dma_wait3A_489 = arith.constant 0 : i32
    %dma_wait3A_490 = tpu.memref_slice %arg4[%select_n3A, %add3A_434, %dma_wait3A_489] : memref<4x4096x1024xf32, #tpu.memory_space<hbm>> -> memref<1x16x1024xf32, #tpu.memory_space<hbm>>
    %dma_wait3A_491 = tpu.memref_squeeze %dma_wait3A_490 : memref<1x16x1024xf32, #tpu.memory_space<hbm>> -> memref<16x1024xf32, #tpu.memory_space<hbm>>
    %dma_wait3A_492 = arith.constant 0 : i32
    %dma_wait3A_493 = tpu.memref_slice %arg4[%select_n3A, %add3A_434, %dma_wait3A_492] : memref<4x4096x1024xf32, #tpu.memory_space<hbm>> -> memref<1x16x1024xf32, #tpu.memory_space<hbm>>
    %dma_wait3A_494 = tpu.memref_squeeze %dma_wait3A_493 : memref<1x16x1024xf32, #tpu.memory_space<hbm>> -> memref<16x1024xf32, #tpu.memory_space<hbm>>
    tpu.wait_dma2 semaphore(%arg22 : memref<!tpu.dma_semaphore, #tpu.memory_space<semaphore_mem>>) src(%arg8 : memref<16x1024xf32, #tpu.memory_space<vmem>>) dst(%dma_wait3A_494 : memref<16x1024xf32, #tpu.memory_space<hbm>>)
    %dma_start3A_495 = arith.constant 368 : i32
    %dma_start3A_496 = tpu.memref_slice %arg5[%dma_start3A_495] : memref<512xi32, #tpu.memory_space<vmem>> -> memref<16xi32, #tpu.memory_space<vmem>>
    %dma_start3A_497 = arith.constant 0 : i32
    %dma_start3A_498 = arith.constant 0 : i32
    %dma_start3A_499 = tpu.memref_slice %arg2[%dma_start3A_497, %dma_start3A_498] : memref<100000x1024xf32, #tpu.memory_space<hbm>> -> memref<100000x1024xf32, #tpu.memory_space<hbm>>
    tpu.enqueue_indirect_dma source(%dma_start3A_499 : memref<100000x1024xf32, #tpu.memory_space<hbm>>) target(%arg8 : memref<16x1024xf32, #tpu.memory_space<vmem>>) offsets(%dma_start3A_496 : memref<16xi32, #tpu.memory_space<vmem>>) semaphore(%arg15 : memref<!tpu.dma_semaphore, #tpu.memory_space<semaphore_mem>>)
    %dma_wait3A_500 = arith.constant 304 : i32
    %dma_wait3A_501 = tpu.memref_slice %arg5[%dma_wait3A_500] : memref<512xi32, #tpu.memory_space<vmem>> -> memref<16xi32, #tpu.memory_space<vmem>>
    %dma_wait3A_502 = arith.constant 0 : i32
    %dma_wait3A_503 = arith.constant 0 : i32
    %dma_wait3A_504 = tpu.memref_slice %arg2[%dma_wait3A_502, %dma_wait3A_503] : memref<100000x1024xf32, #tpu.memory_space<hbm>> -> memref<100000x1024xf32, #tpu.memory_space<hbm>>
    tpu.wait_indirect_dma semaphore(%arg18 : memref<!tpu.dma_semaphore, #tpu.memory_space<semaphore_mem>>) src(%dma_wait3A_504 : memref<100000x1024xf32, #tpu.memory_space<hbm>>) dst(%arg11 : memref<16x1024xf32, #tpu.memory_space<vmem>>)
    %add3A_505 = arith.constant 304 : i32
    %add3A_506 = arith.addi %mul3A_32, %add3A_505 : i32
    %dma_start3A_507 = arith.constant 0 : i32
    %dma_start3A_508 = tpu.memref_slice %arg4[%select_n3A, %add3A_506, %dma_start3A_507] : memref<4x4096x1024xf32, #tpu.memory_space<hbm>> -> memref<1x16x1024xf32, #tpu.memory_space<hbm>>
    %dma_start3A_509 = tpu.memref_squeeze %dma_start3A_508 : memref<1x16x1024xf32, #tpu.memory_space<hbm>> -> memref<16x1024xf32, #tpu.memory_space<hbm>>
    %dma_start3A_510 = arith.constant 0 : i32
    %dma_start3A_511 = tpu.memref_slice %arg4[%select_n3A, %add3A_506, %dma_start3A_510] : memref<4x4096x1024xf32, #tpu.memory_space<hbm>> -> memref<1x16x1024xf32, #tpu.memory_space<hbm>>
    %dma_start3A_512 = tpu.memref_squeeze %dma_start3A_511 : memref<1x16x1024xf32, #tpu.memory_space<hbm>> -> memref<16x1024xf32, #tpu.memory_space<hbm>>
    tpu.enqueue_dma source(%arg11 : memref<16x1024xf32, #tpu.memory_space<vmem>>) target(%dma_start3A_512 : memref<16x1024xf32, #tpu.memory_space<hbm>>) target_semaphore(%arg25 : memref<!tpu.dma_semaphore, #tpu.memory_space<semaphore_mem>>)
    %dma_wait3A_513 = arith.constant 0 : i32
    %dma_wait3A_514 = tpu.memref_slice %arg4[%select_n3A, %add3A_458, %dma_wait3A_513] : memref<4x4096x1024xf32, #tpu.memory_space<hbm>> -> memref<1x16x1024xf32, #tpu.memory_space<hbm>>
    %dma_wait3A_515 = tpu.memref_squeeze %dma_wait3A_514 : memref<1x16x1024xf32, #tpu.memory_space<hbm>> -> memref<16x1024xf32, #tpu.memory_space<hbm>>
    %dma_wait3A_516 = arith.constant 0 : i32
    %dma_wait3A_517 = tpu.memref_slice %arg4[%select_n3A, %add3A_458, %dma_wait3A_516] : memref<4x4096x1024xf32, #tpu.memory_space<hbm>> -> memref<1x16x1024xf32, #tpu.memory_space<hbm>>
    %dma_wait3A_518 = tpu.memref_squeeze %dma_wait3A_517 : memref<1x16x1024xf32, #tpu.memory_space<hbm>> -> memref<16x1024xf32, #tpu.memory_space<hbm>>
    tpu.wait_dma2 semaphore(%arg23 : memref<!tpu.dma_semaphore, #tpu.memory_space<semaphore_mem>>) src(%arg9 : memref<16x1024xf32, #tpu.memory_space<vmem>>) dst(%dma_wait3A_518 : memref<16x1024xf32, #tpu.memory_space<hbm>>)
    %dma_start3A_519 = arith.constant 384 : i32
    %dma_start3A_520 = tpu.memref_slice %arg5[%dma_start3A_519] : memref<512xi32, #tpu.memory_space<vmem>> -> memref<16xi32, #tpu.memory_space<vmem>>
    %dma_start3A_521 = arith.constant 0 : i32
    %dma_start3A_522 = arith.constant 0 : i32
    %dma_start3A_523 = tpu.memref_slice %arg2[%dma_start3A_521, %dma_start3A_522] : memref<100000x1024xf32, #tpu.memory_space<hbm>> -> memref<100000x1024xf32, #tpu.memory_space<hbm>>
    tpu.enqueue_indirect_dma source(%dma_start3A_523 : memref<100000x1024xf32, #tpu.memory_space<hbm>>) target(%arg9 : memref<16x1024xf32, #tpu.memory_space<vmem>>) offsets(%dma_start3A_520 : memref<16xi32, #tpu.memory_space<vmem>>) semaphore(%arg16 : memref<!tpu.dma_semaphore, #tpu.memory_space<semaphore_mem>>)
    %dma_wait3A_524 = arith.constant 320 : i32
    %dma_wait3A_525 = tpu.memref_slice %arg5[%dma_wait3A_524] : memref<512xi32, #tpu.memory_space<vmem>> -> memref<16xi32, #tpu.memory_space<vmem>>
    %dma_wait3A_526 = arith.constant 0 : i32
    %dma_wait3A_527 = arith.constant 0 : i32
    %dma_wait3A_528 = tpu.memref_slice %arg2[%dma_wait3A_526, %dma_wait3A_527] : memref<100000x1024xf32, #tpu.memory_space<hbm>> -> memref<100000x1024xf32, #tpu.memory_space<hbm>>
    tpu.wait_indirect_dma semaphore(%arg19 : memref<!tpu.dma_semaphore, #tpu.memory_space<semaphore_mem>>) src(%dma_wait3A_528 : memref<100000x1024xf32, #tpu.memory_space<hbm>>) dst(%arg12 : memref<16x1024xf32, #tpu.memory_space<vmem>>)
    %add3A_529 = arith.constant 320 : i32
    %add3A_530 = arith.addi %mul3A_32, %add3A_529 : i32
    %dma_start3A_531 = arith.constant 0 : i32
    %dma_start3A_532 = tpu.memref_slice %arg4[%select_n3A, %add3A_530, %dma_start3A_531] : memref<4x4096x1024xf32, #tpu.memory_space<hbm>> -> memref<1x16x1024xf32, #tpu.memory_space<hbm>>
    %dma_start3A_533 = tpu.memref_squeeze %dma_start3A_532 : memref<1x16x1024xf32, #tpu.memory_space<hbm>> -> memref<16x1024xf32, #tpu.memory_space<hbm>>
    %dma_start3A_534 = arith.constant 0 : i32
    %dma_start3A_535 = tpu.memref_slice %arg4[%select_n3A, %add3A_530, %dma_start3A_534] : memref<4x4096x1024xf32, #tpu.memory_space<hbm>> -> memref<1x16x1024xf32, #tpu.memory_space<hbm>>
    %dma_start3A_536 = tpu.memref_squeeze %dma_start3A_535 : memref<1x16x1024xf32, #tpu.memory_space<hbm>> -> memref<16x1024xf32, #tpu.memory_space<hbm>>
    tpu.enqueue_dma source(%arg12 : memref<16x1024xf32, #tpu.memory_space<vmem>>) target(%dma_start3A_536 : memref<16x1024xf32, #tpu.memory_space<hbm>>) target_semaphore(%arg26 : memref<!tpu.dma_semaphore, #tpu.memory_space<semaphore_mem>>)
    %dma_wait3A_537 = arith.constant 0 : i32
    %dma_wait3A_538 = tpu.memref_slice %arg4[%select_n3A, %add3A_482, %dma_wait3A_537] : memref<4x4096x1024xf32, #tpu.memory_space<hbm>> -> memref<1x16x1024xf32, #tpu.memory_space<hbm>>
    %dma_wait3A_539 = tpu.memref_squeeze %dma_wait3A_538 : memref<1x16x1024xf32, #tpu.memory_space<hbm>> -> memref<16x1024xf32, #tpu.memory_space<hbm>>
    %dma_wait3A_540 = arith.constant 0 : i32
    %dma_wait3A_541 = tpu.memref_slice %arg4[%select_n3A, %add3A_482, %dma_wait3A_540] : memref<4x4096x1024xf32, #tpu.memory_space<hbm>> -> memref<1x16x1024xf32, #tpu.memory_space<hbm>>
    %dma_wait3A_542 = tpu.memref_squeeze %dma_wait3A_541 : memref<1x16x1024xf32, #tpu.memory_space<hbm>> -> memref<16x1024xf32, #tpu.memory_space<hbm>>
    tpu.wait_dma2 semaphore(%arg24 : memref<!tpu.dma_semaphore, #tpu.memory_space<semaphore_mem>>) src(%arg10 : memref<16x1024xf32, #tpu.memory_space<vmem>>) dst(%dma_wait3A_542 : memref<16x1024xf32, #tpu.memory_space<hbm>>)
    %dma_start3A_543 = arith.constant 400 : i32
    %dma_start3A_544 = tpu.memref_slice %arg5[%dma_start3A_543] : memref<512xi32, #tpu.memory_space<vmem>> -> memref<16xi32, #tpu.memory_space<vmem>>
    %dma_start3A_545 = arith.constant 0 : i32
    %dma_start3A_546 = arith.constant 0 : i32
    %dma_start3A_547 = tpu.memref_slice %arg2[%dma_start3A_545, %dma_start3A_546] : memref<100000x1024xf32, #tpu.memory_space<hbm>> -> memref<100000x1024xf32, #tpu.memory_space<hbm>>
    tpu.enqueue_indirect_dma source(%dma_start3A_547 : memref<100000x1024xf32, #tpu.memory_space<hbm>>) target(%arg10 : memref<16x1024xf32, #tpu.memory_space<vmem>>) offsets(%dma_start3A_544 : memref<16xi32, #tpu.memory_space<vmem>>) semaphore(%arg17 : memref<!tpu.dma_semaphore, #tpu.memory_space<semaphore_mem>>)
    %dma_wait3A_548 = arith.constant 336 : i32
    %dma_wait3A_549 = tpu.memref_slice %arg5[%dma_wait3A_548] : memref<512xi32, #tpu.memory_space<vmem>> -> memref<16xi32, #tpu.memory_space<vmem>>
    %dma_wait3A_550 = arith.constant 0 : i32
    %dma_wait3A_551 = arith.constant 0 : i32
    %dma_wait3A_552 = tpu.memref_slice %arg2[%dma_wait3A_550, %dma_wait3A_551] : memref<100000x1024xf32, #tpu.memory_space<hbm>> -> memref<100000x1024xf32, #tpu.memory_space<hbm>>
    tpu.wait_indirect_dma semaphore(%arg13 : memref<!tpu.dma_semaphore, #tpu.memory_space<semaphore_mem>>) src(%dma_wait3A_552 : memref<100000x1024xf32, #tpu.memory_space<hbm>>) dst(%arg6 : memref<16x1024xf32, #tpu.memory_space<vmem>>)
    %add3A_553 = arith.constant 336 : i32
    %add3A_554 = arith.addi %mul3A_32, %add3A_553 : i32
    %dma_start3A_555 = arith.constant 0 : i32
    %dma_start3A_556 = tpu.memref_slice %arg4[%select_n3A, %add3A_554, %dma_start3A_555] : memref<4x4096x1024xf32, #tpu.memory_space<hbm>> -> memref<1x16x1024xf32, #tpu.memory_space<hbm>>
    %dma_start3A_557 = tpu.memref_squeeze %dma_start3A_556 : memref<1x16x1024xf32, #tpu.memory_space<hbm>> -> memref<16x1024xf32, #tpu.memory_space<hbm>>
    %dma_start3A_558 = arith.constant 0 : i32
    %dma_start3A_559 = tpu.memref_slice %arg4[%select_n3A, %add3A_554, %dma_start3A_558] : memref<4x4096x1024xf32, #tpu.memory_space<hbm>> -> memref<1x16x1024xf32, #tpu.memory_space<hbm>>
    %dma_start3A_560 = tpu.memref_squeeze %dma_start3A_559 : memref<1x16x1024xf32, #tpu.memory_space<hbm>> -> memref<16x1024xf32, #tpu.memory_space<hbm>>
    tpu.enqueue_dma source(%arg6 : memref<16x1024xf32, #tpu.memory_space<vmem>>) target(%dma_start3A_560 : memref<16x1024xf32, #tpu.memory_space<hbm>>) target_semaphore(%arg20 : memref<!tpu.dma_semaphore, #tpu.memory_space<semaphore_mem>>)
    %dma_wait3A_561 = arith.constant 0 : i32
    %dma_wait3A_562 = tpu.memref_slice %arg4[%select_n3A, %add3A_506, %dma_wait3A_561] : memref<4x4096x1024xf32, #tpu.memory_space<hbm>> -> memref<1x16x1024xf32, #tpu.memory_space<hbm>>
    %dma_wait3A_563 = tpu.memref_squeeze %dma_wait3A_562 : memref<1x16x1024xf32, #tpu.memory_space<hbm>> -> memref<16x1024xf32, #tpu.memory_space<hbm>>
    %dma_wait3A_564 = arith.constant 0 : i32
    %dma_wait3A_565 = tpu.memref_slice %arg4[%select_n3A, %add3A_506, %dma_wait3A_564] : memref<4x4096x1024xf32, #tpu.memory_space<hbm>> -> memref<1x16x1024xf32, #tpu.memory_space<hbm>>
    %dma_wait3A_566 = tpu.memref_squeeze %dma_wait3A_565 : memref<1x16x1024xf32, #tpu.memory_space<hbm>> -> memref<16x1024xf32, #tpu.memory_space<hbm>>
    tpu.wait_dma2 semaphore(%arg25 : memref<!tpu.dma_semaphore, #tpu.memory_space<semaphore_mem>>) src(%arg11 : memref<16x1024xf32, #tpu.memory_space<vmem>>) dst(%dma_wait3A_566 : memref<16x1024xf32, #tpu.memory_space<hbm>>)
    %dma_start3A_567 = arith.constant 416 : i32
    %dma_start3A_568 = tpu.memref_slice %arg5[%dma_start3A_567] : memref<512xi32, #tpu.memory_space<vmem>> -> memref<16xi32, #tpu.memory_space<vmem>>
    %dma_start3A_569 = arith.constant 0 : i32
    %dma_start3A_570 = arith.constant 0 : i32
    %dma_start3A_571 = tpu.memref_slice %arg2[%dma_start3A_569, %dma_start3A_570] : memref<100000x1024xf32, #tpu.memory_space<hbm>> -> memref<100000x1024xf32, #tpu.memory_space<hbm>>
    tpu.enqueue_indirect_dma source(%dma_start3A_571 : memref<100000x1024xf32, #tpu.memory_space<hbm>>) target(%arg11 : memref<16x1024xf32, #tpu.memory_space<vmem>>) offsets(%dma_start3A_568 : memref<16xi32, #tpu.memory_space<vmem>>) semaphore(%arg18 : memref<!tpu.dma_semaphore, #tpu.memory_space<semaphore_mem>>)
    %dma_wait3A_572 = arith.constant 352 : i32
    %dma_wait3A_573 = tpu.memref_slice %arg5[%dma_wait3A_572] : memref<512xi32, #tpu.memory_space<vmem>> -> memref<16xi32, #tpu.memory_space<vmem>>
    %dma_wait3A_574 = arith.constant 0 : i32
    %dma_wait3A_575 = arith.constant 0 : i32
    %dma_wait3A_576 = tpu.memref_slice %arg2[%dma_wait3A_574, %dma_wait3A_575] : memref<100000x1024xf32, #tpu.memory_space<hbm>> -> memref<100000x1024xf32, #tpu.memory_space<hbm>>
    tpu.wait_indirect_dma semaphore(%arg14 : memref<!tpu.dma_semaphore, #tpu.memory_space<semaphore_mem>>) src(%dma_wait3A_576 : memref<100000x1024xf32, #tpu.memory_space<hbm>>) dst(%arg7 : memref<16x1024xf32, #tpu.memory_space<vmem>>)
    %add3A_577 = arith.constant 352 : i32
    %add3A_578 = arith.addi %mul3A_32, %add3A_577 : i32
    %dma_start3A_579 = arith.constant 0 : i32
    %dma_start3A_580 = tpu.memref_slice %arg4[%select_n3A, %add3A_578, %dma_start3A_579] : memref<4x4096x1024xf32, #tpu.memory_space<hbm>> -> memref<1x16x1024xf32, #tpu.memory_space<hbm>>
    %dma_start3A_581 = tpu.memref_squeeze %dma_start3A_580 : memref<1x16x1024xf32, #tpu.memory_space<hbm>> -> memref<16x1024xf32, #tpu.memory_space<hbm>>
    %dma_start3A_582 = arith.constant 0 : i32
    %dma_start3A_583 = tpu.memref_slice %arg4[%select_n3A, %add3A_578, %dma_start3A_582] : memref<4x4096x1024xf32, #tpu.memory_space<hbm>> -> memref<1x16x1024xf32, #tpu.memory_space<hbm>>
    %dma_start3A_584 = tpu.memref_squeeze %dma_start3A_583 : memref<1x16x1024xf32, #tpu.memory_space<hbm>> -> memref<16x1024xf32, #tpu.memory_space<hbm>>
    tpu.enqueue_dma source(%arg7 : memref<16x1024xf32, #tpu.memory_space<vmem>>) target(%dma_start3A_584 : memref<16x1024xf32, #tpu.memory_space<hbm>>) target_semaphore(%arg21 : memref<!tpu.dma_semaphore, #tpu.memory_space<semaphore_mem>>)
    %dma_wait3A_585 = arith.constant 0 : i32
    %dma_wait3A_586 = tpu.memref_slice %arg4[%select_n3A, %add3A_530, %dma_wait3A_585] : memref<4x4096x1024xf32, #tpu.memory_space<hbm>> -> memref<1x16x1024xf32, #tpu.memory_space<hbm>>
    %dma_wait3A_587 = tpu.memref_squeeze %dma_wait3A_586 : memref<1x16x1024xf32, #tpu.memory_space<hbm>> -> memref<16x1024xf32, #tpu.memory_space<hbm>>
    %dma_wait3A_588 = arith.constant 0 : i32
    %dma_wait3A_589 = tpu.memref_slice %arg4[%select_n3A, %add3A_530, %dma_wait3A_588] : memref<4x4096x1024xf32, #tpu.memory_space<hbm>> -> memref<1x16x1024xf32, #tpu.memory_space<hbm>>
    %dma_wait3A_590 = tpu.memref_squeeze %dma_wait3A_589 : memref<1x16x1024xf32, #tpu.memory_space<hbm>> -> memref<16x1024xf32, #tpu.memory_space<hbm>>
    tpu.wait_dma2 semaphore(%arg26 : memref<!tpu.dma_semaphore, #tpu.memory_space<semaphore_mem>>) src(%arg12 : memref<16x1024xf32, #tpu.memory_space<vmem>>) dst(%dma_wait3A_590 : memref<16x1024xf32, #tpu.memory_space<hbm>>)
    %dma_start3A_591 = arith.constant 432 : i32
    %dma_start3A_592 = tpu.memref_slice %arg5[%dma_start3A_591] : memref<512xi32, #tpu.memory_space<vmem>> -> memref<16xi32, #tpu.memory_space<vmem>>
    %dma_start3A_593 = arith.constant 0 : i32
    %dma_start3A_594 = arith.constant 0 : i32
    %dma_start3A_595 = tpu.memref_slice %arg2[%dma_start3A_593, %dma_start3A_594] : memref<100000x1024xf32, #tpu.memory_space<hbm>> -> memref<100000x1024xf32, #tpu.memory_space<hbm>>
    tpu.enqueue_indirect_dma source(%dma_start3A_595 : memref<100000x1024xf32, #tpu.memory_space<hbm>>) target(%arg12 : memref<16x1024xf32, #tpu.memory_space<vmem>>) offsets(%dma_start3A_592 : memref<16xi32, #tpu.memory_space<vmem>>) semaphore(%arg19 : memref<!tpu.dma_semaphore, #tpu.memory_space<semaphore_mem>>)
    %dma_wait3A_596 = arith.constant 368 : i32
    %dma_wait3A_597 = tpu.memref_slice %arg5[%dma_wait3A_596] : memref<512xi32, #tpu.memory_space<vmem>> -> memref<16xi32, #tpu.memory_space<vmem>>
    %dma_wait3A_598 = arith.constant 0 : i32
    %dma_wait3A_599 = arith.constant 0 : i32
    %dma_wait3A_600 = tpu.memref_slice %arg2[%dma_wait3A_598, %dma_wait3A_599] : memref<100000x1024xf32, #tpu.memory_space<hbm>> -> memref<100000x1024xf32, #tpu.memory_space<hbm>>
    tpu.wait_indirect_dma semaphore(%arg15 : memref<!tpu.dma_semaphore, #tpu.memory_space<semaphore_mem>>) src(%dma_wait3A_600 : memref<100000x1024xf32, #tpu.memory_space<hbm>>) dst(%arg8 : memref<16x1024xf32, #tpu.memory_space<vmem>>)
    %add3A_601 = arith.constant 368 : i32
    %add3A_602 = arith.addi %mul3A_32, %add3A_601 : i32
    %dma_start3A_603 = arith.constant 0 : i32
    %dma_start3A_604 = tpu.memref_slice %arg4[%select_n3A, %add3A_602, %dma_start3A_603] : memref<4x4096x1024xf32, #tpu.memory_space<hbm>> -> memref<1x16x1024xf32, #tpu.memory_space<hbm>>
    %dma_start3A_605 = tpu.memref_squeeze %dma_start3A_604 : memref<1x16x1024xf32, #tpu.memory_space<hbm>> -> memref<16x1024xf32, #tpu.memory_space<hbm>>
    %dma_start3A_606 = arith.constant 0 : i32
    %dma_start3A_607 = tpu.memref_slice %arg4[%select_n3A, %add3A_602, %dma_start3A_606] : memref<4x4096x1024xf32, #tpu.memory_space<hbm>> -> memref<1x16x1024xf32, #tpu.memory_space<hbm>>
    %dma_start3A_608 = tpu.memref_squeeze %dma_start3A_607 : memref<1x16x1024xf32, #tpu.memory_space<hbm>> -> memref<16x1024xf32, #tpu.memory_space<hbm>>
    tpu.enqueue_dma source(%arg8 : memref<16x1024xf32, #tpu.memory_space<vmem>>) target(%dma_start3A_608 : memref<16x1024xf32, #tpu.memory_space<hbm>>) target_semaphore(%arg22 : memref<!tpu.dma_semaphore, #tpu.memory_space<semaphore_mem>>)
    %dma_wait3A_609 = arith.constant 0 : i32
    %dma_wait3A_610 = tpu.memref_slice %arg4[%select_n3A, %add3A_554, %dma_wait3A_609] : memref<4x4096x1024xf32, #tpu.memory_space<hbm>> -> memref<1x16x1024xf32, #tpu.memory_space<hbm>>
    %dma_wait3A_611 = tpu.memref_squeeze %dma_wait3A_610 : memref<1x16x1024xf32, #tpu.memory_space<hbm>> -> memref<16x1024xf32, #tpu.memory_space<hbm>>
    %dma_wait3A_612 = arith.constant 0 : i32
    %dma_wait3A_613 = tpu.memref_slice %arg4[%select_n3A, %add3A_554, %dma_wait3A_612] : memref<4x4096x1024xf32, #tpu.memory_space<hbm>> -> memref<1x16x1024xf32, #tpu.memory_space<hbm>>
    %dma_wait3A_614 = tpu.memref_squeeze %dma_wait3A_613 : memref<1x16x1024xf32, #tpu.memory_space<hbm>> -> memref<16x1024xf32, #tpu.memory_space<hbm>>
    tpu.wait_dma2 semaphore(%arg20 : memref<!tpu.dma_semaphore, #tpu.memory_space<semaphore_mem>>) src(%arg6 : memref<16x1024xf32, #tpu.memory_space<vmem>>) dst(%dma_wait3A_614 : memref<16x1024xf32, #tpu.memory_space<hbm>>)
    %dma_start3A_615 = arith.constant 448 : i32
    %dma_start3A_616 = tpu.memref_slice %arg5[%dma_start3A_615] : memref<512xi32, #tpu.memory_space<vmem>> -> memref<16xi32, #tpu.memory_space<vmem>>
    %dma_start3A_617 = arith.constant 0 : i32
    %dma_start3A_618 = arith.constant 0 : i32
    %dma_start3A_619 = tpu.memref_slice %arg2[%dma_start3A_617, %dma_start3A_618] : memref<100000x1024xf32, #tpu.memory_space<hbm>> -> memref<100000x1024xf32, #tpu.memory_space<hbm>>
    tpu.enqueue_indirect_dma source(%dma_start3A_619 : memref<100000x1024xf32, #tpu.memory_space<hbm>>) target(%arg6 : memref<16x1024xf32, #tpu.memory_space<vmem>>) offsets(%dma_start3A_616 : memref<16xi32, #tpu.memory_space<vmem>>) semaphore(%arg13 : memref<!tpu.dma_semaphore, #tpu.memory_space<semaphore_mem>>)
    %dma_wait3A_620 = arith.constant 384 : i32
    %dma_wait3A_621 = tpu.memref_slice %arg5[%dma_wait3A_620] : memref<512xi32, #tpu.memory_space<vmem>> -> memref<16xi32, #tpu.memory_space<vmem>>
    %dma_wait3A_622 = arith.constant 0 : i32
    %dma_wait3A_623 = arith.constant 0 : i32
    %dma_wait3A_624 = tpu.memref_slice %arg2[%dma_wait3A_622, %dma_wait3A_623] : memref<100000x1024xf32, #tpu.memory_space<hbm>> -> memref<100000x1024xf32, #tpu.memory_space<hbm>>
    tpu.wait_indirect_dma semaphore(%arg16 : memref<!tpu.dma_semaphore, #tpu.memory_space<semaphore_mem>>) src(%dma_wait3A_624 : memref<100000x1024xf32, #tpu.memory_space<hbm>>) dst(%arg9 : memref<16x1024xf32, #tpu.memory_space<vmem>>)
    %add3A_625 = arith.constant 384 : i32
    %add3A_626 = arith.addi %mul3A_32, %add3A_625 : i32
    %dma_start3A_627 = arith.constant 0 : i32
    %dma_start3A_628 = tpu.memref_slice %arg4[%select_n3A, %add3A_626, %dma_start3A_627] : memref<4x4096x1024xf32, #tpu.memory_space<hbm>> -> memref<1x16x1024xf32, #tpu.memory_space<hbm>>
    %dma_start3A_629 = tpu.memref_squeeze %dma_start3A_628 : memref<1x16x1024xf32, #tpu.memory_space<hbm>> -> memref<16x1024xf32, #tpu.memory_space<hbm>>
    %dma_start3A_630 = arith.constant 0 : i32
    %dma_start3A_631 = tpu.memref_slice %arg4[%select_n3A, %add3A_626, %dma_start3A_630] : memref<4x4096x1024xf32, #tpu.memory_space<hbm>> -> memref<1x16x1024xf32, #tpu.memory_space<hbm>>
    %dma_start3A_632 = tpu.memref_squeeze %dma_start3A_631 : memref<1x16x1024xf32, #tpu.memory_space<hbm>> -> memref<16x1024xf32, #tpu.memory_space<hbm>>
    tpu.enqueue_dma source(%arg9 : memref<16x1024xf32, #tpu.memory_space<vmem>>) target(%dma_start3A_632 : memref<16x1024xf32, #tpu.memory_space<hbm>>) target_semaphore(%arg23 : memref<!tpu.dma_semaphore, #tpu.memory_space<semaphore_mem>>)
    %dma_wait3A_633 = arith.constant 0 : i32
    %dma_wait3A_634 = tpu.memref_slice %arg4[%select_n3A, %add3A_578, %dma_wait3A_633] : memref<4x4096x1024xf32, #tpu.memory_space<hbm>> -> memref<1x16x1024xf32, #tpu.memory_space<hbm>>
    %dma_wait3A_635 = tpu.memref_squeeze %dma_wait3A_634 : memref<1x16x1024xf32, #tpu.memory_space<hbm>> -> memref<16x1024xf32, #tpu.memory_space<hbm>>
    %dma_wait3A_636 = arith.constant 0 : i32
    %dma_wait3A_637 = tpu.memref_slice %arg4[%select_n3A, %add3A_578, %dma_wait3A_636] : memref<4x4096x1024xf32, #tpu.memory_space<hbm>> -> memref<1x16x1024xf32, #tpu.memory_space<hbm>>
    %dma_wait3A_638 = tpu.memref_squeeze %dma_wait3A_637 : memref<1x16x1024xf32, #tpu.memory_space<hbm>> -> memref<16x1024xf32, #tpu.memory_space<hbm>>
    tpu.wait_dma2 semaphore(%arg21 : memref<!tpu.dma_semaphore, #tpu.memory_space<semaphore_mem>>) src(%arg7 : memref<16x1024xf32, #tpu.memory_space<vmem>>) dst(%dma_wait3A_638 : memref<16x1024xf32, #tpu.memory_space<hbm>>)
    %dma_start3A_639 = arith.constant 464 : i32
    %dma_start3A_640 = tpu.memref_slice %arg5[%dma_start3A_639] : memref<512xi32, #tpu.memory_space<vmem>> -> memref<16xi32, #tpu.memory_space<vmem>>
    %dma_start3A_641 = arith.constant 0 : i32
    %dma_start3A_642 = arith.constant 0 : i32
    %dma_start3A_643 = tpu.memref_slice %arg2[%dma_start3A_641, %dma_start3A_642] : memref<100000x1024xf32, #tpu.memory_space<hbm>> -> memref<100000x1024xf32, #tpu.memory_space<hbm>>
    tpu.enqueue_indirect_dma source(%dma_start3A_643 : memref<100000x1024xf32, #tpu.memory_space<hbm>>) target(%arg7 : memref<16x1024xf32, #tpu.memory_space<vmem>>) offsets(%dma_start3A_640 : memref<16xi32, #tpu.memory_space<vmem>>) semaphore(%arg14 : memref<!tpu.dma_semaphore, #tpu.memory_space<semaphore_mem>>)
    %dma_wait3A_644 = arith.constant 400 : i32
    %dma_wait3A_645 = tpu.memref_slice %arg5[%dma_wait3A_644] : memref<512xi32, #tpu.memory_space<vmem>> -> memref<16xi32, #tpu.memory_space<vmem>>
    %dma_wait3A_646 = arith.constant 0 : i32
    %dma_wait3A_647 = arith.constant 0 : i32
    %dma_wait3A_648 = tpu.memref_slice %arg2[%dma_wait3A_646, %dma_wait3A_647] : memref<100000x1024xf32, #tpu.memory_space<hbm>> -> memref<100000x1024xf32, #tpu.memory_space<hbm>>
    tpu.wait_indirect_dma semaphore(%arg17 : memref<!tpu.dma_semaphore, #tpu.memory_space<semaphore_mem>>) src(%dma_wait3A_648 : memref<100000x1024xf32, #tpu.memory_space<hbm>>) dst(%arg10 : memref<16x1024xf32, #tpu.memory_space<vmem>>)
    %add3A_649 = arith.constant 400 : i32
    %add3A_650 = arith.addi %mul3A_32, %add3A_649 : i32
    %dma_start3A_651 = arith.constant 0 : i32
    %dma_start3A_652 = tpu.memref_slice %arg4[%select_n3A, %add3A_650, %dma_start3A_651] : memref<4x4096x1024xf32, #tpu.memory_space<hbm>> -> memref<1x16x1024xf32, #tpu.memory_space<hbm>>
    %dma_start3A_653 = tpu.memref_squeeze %dma_start3A_652 : memref<1x16x1024xf32, #tpu.memory_space<hbm>> -> memref<16x1024xf32, #tpu.memory_space<hbm>>
    %dma_start3A_654 = arith.constant 0 : i32
    %dma_start3A_655 = tpu.memref_slice %arg4[%select_n3A, %add3A_650, %dma_start3A_654] : memref<4x4096x1024xf32, #tpu.memory_space<hbm>> -> memref<1x16x1024xf32, #tpu.memory_space<hbm>>
    %dma_start3A_656 = tpu.memref_squeeze %dma_start3A_655 : memref<1x16x1024xf32, #tpu.memory_space<hbm>> -> memref<16x1024xf32, #tpu.memory_space<hbm>>
    tpu.enqueue_dma source(%arg10 : memref<16x1024xf32, #tpu.memory_space<vmem>>) target(%dma_start3A_656 : memref<16x1024xf32, #tpu.memory_space<hbm>>) target_semaphore(%arg24 : memref<!tpu.dma_semaphore, #tpu.memory_space<semaphore_mem>>)
    %dma_wait3A_657 = arith.constant 0 : i32
    %dma_wait3A_658 = tpu.memref_slice %arg4[%select_n3A, %add3A_602, %dma_wait3A_657] : memref<4x4096x1024xf32, #tpu.memory_space<hbm>> -> memref<1x16x1024xf32, #tpu.memory_space<hbm>>
    %dma_wait3A_659 = tpu.memref_squeeze %dma_wait3A_658 : memref<1x16x1024xf32, #tpu.memory_space<hbm>> -> memref<16x1024xf32, #tpu.memory_space<hbm>>
    %dma_wait3A_660 = arith.constant 0 : i32
    %dma_wait3A_661 = tpu.memref_slice %arg4[%select_n3A, %add3A_602, %dma_wait3A_660] : memref<4x4096x1024xf32, #tpu.memory_space<hbm>> -> memref<1x16x1024xf32, #tpu.memory_space<hbm>>
    %dma_wait3A_662 = tpu.memref_squeeze %dma_wait3A_661 : memref<1x16x1024xf32, #tpu.memory_space<hbm>> -> memref<16x1024xf32, #tpu.memory_space<hbm>>
    tpu.wait_dma2 semaphore(%arg22 : memref<!tpu.dma_semaphore, #tpu.memory_space<semaphore_mem>>) src(%arg8 : memref<16x1024xf32, #tpu.memory_space<vmem>>) dst(%dma_wait3A_662 : memref<16x1024xf32, #tpu.memory_space<hbm>>)
    %dma_start3A_663 = arith.constant 480 : i32
    %dma_start3A_664 = tpu.memref_slice %arg5[%dma_start3A_663] : memref<512xi32, #tpu.memory_space<vmem>> -> memref<16xi32, #tpu.memory_space<vmem>>
    %dma_start3A_665 = arith.constant 0 : i32
    %dma_start3A_666 = arith.constant 0 : i32
    %dma_start3A_667 = tpu.memref_slice %arg2[%dma_start3A_665, %dma_start3A_666] : memref<100000x1024xf32, #tpu.memory_space<hbm>> -> memref<100000x1024xf32, #tpu.memory_space<hbm>>
    tpu.enqueue_indirect_dma source(%dma_start3A_667 : memref<100000x1024xf32, #tpu.memory_space<hbm>>) target(%arg8 : memref<16x1024xf32, #tpu.memory_space<vmem>>) offsets(%dma_start3A_664 : memref<16xi32, #tpu.memory_space<vmem>>) semaphore(%arg15 : memref<!tpu.dma_semaphore, #tpu.memory_space<semaphore_mem>>)
    %dma_wait3A_668 = arith.constant 416 : i32
    %dma_wait3A_669 = tpu.memref_slice %arg5[%dma_wait3A_668] : memref<512xi32, #tpu.memory_space<vmem>> -> memref<16xi32, #tpu.memory_space<vmem>>
    %dma_wait3A_670 = arith.constant 0 : i32
    %dma_wait3A_671 = arith.constant 0 : i32
    %dma_wait3A_672 = tpu.memref_slice %arg2[%dma_wait3A_670, %dma_wait3A_671] : memref<100000x1024xf32, #tpu.memory_space<hbm>> -> memref<100000x1024xf32, #tpu.memory_space<hbm>>
    tpu.wait_indirect_dma semaphore(%arg18 : memref<!tpu.dma_semaphore, #tpu.memory_space<semaphore_mem>>) src(%dma_wait3A_672 : memref<100000x1024xf32, #tpu.memory_space<hbm>>) dst(%arg11 : memref<16x1024xf32, #tpu.memory_space<vmem>>)
    %add3A_673 = arith.constant 416 : i32
    %add3A_674 = arith.addi %mul3A_32, %add3A_673 : i32
    %dma_start3A_675 = arith.constant 0 : i32
    %dma_start3A_676 = tpu.memref_slice %arg4[%select_n3A, %add3A_674, %dma_start3A_675] : memref<4x4096x1024xf32, #tpu.memory_space<hbm>> -> memref<1x16x1024xf32, #tpu.memory_space<hbm>>
    %dma_start3A_677 = tpu.memref_squeeze %dma_start3A_676 : memref<1x16x1024xf32, #tpu.memory_space<hbm>> -> memref<16x1024xf32, #tpu.memory_space<hbm>>
    %dma_start3A_678 = arith.constant 0 : i32
    %dma_start3A_679 = tpu.memref_slice %arg4[%select_n3A, %add3A_674, %dma_start3A_678] : memref<4x4096x1024xf32, #tpu.memory_space<hbm>> -> memref<1x16x1024xf32, #tpu.memory_space<hbm>>
    %dma_start3A_680 = tpu.memref_squeeze %dma_start3A_679 : memref<1x16x1024xf32, #tpu.memory_space<hbm>> -> memref<16x1024xf32, #tpu.memory_space<hbm>>
    tpu.enqueue_dma source(%arg11 : memref<16x1024xf32, #tpu.memory_space<vmem>>) target(%dma_start3A_680 : memref<16x1024xf32, #tpu.memory_space<hbm>>) target_semaphore(%arg25 : memref<!tpu.dma_semaphore, #tpu.memory_space<semaphore_mem>>)
    %dma_wait3A_681 = arith.constant 0 : i32
    %dma_wait3A_682 = tpu.memref_slice %arg4[%select_n3A, %add3A_626, %dma_wait3A_681] : memref<4x4096x1024xf32, #tpu.memory_space<hbm>> -> memref<1x16x1024xf32, #tpu.memory_space<hbm>>
    %dma_wait3A_683 = tpu.memref_squeeze %dma_wait3A_682 : memref<1x16x1024xf32, #tpu.memory_space<hbm>> -> memref<16x1024xf32, #tpu.memory_space<hbm>>
    %dma_wait3A_684 = arith.constant 0 : i32
    %dma_wait3A_685 = tpu.memref_slice %arg4[%select_n3A, %add3A_626, %dma_wait3A_684] : memref<4x4096x1024xf32, #tpu.memory_space<hbm>> -> memref<1x16x1024xf32, #tpu.memory_space<hbm>>
    %dma_wait3A_686 = tpu.memref_squeeze %dma_wait3A_685 : memref<1x16x1024xf32, #tpu.memory_space<hbm>> -> memref<16x1024xf32, #tpu.memory_space<hbm>>
    tpu.wait_dma2 semaphore(%arg23 : memref<!tpu.dma_semaphore, #tpu.memory_space<semaphore_mem>>) src(%arg9 : memref<16x1024xf32, #tpu.memory_space<vmem>>) dst(%dma_wait3A_686 : memref<16x1024xf32, #tpu.memory_space<hbm>>)
    %dma_start3A_687 = arith.constant 496 : i32
    %dma_start3A_688 = tpu.memref_slice %arg5[%dma_start3A_687] : memref<512xi32, #tpu.memory_space<vmem>> -> memref<16xi32, #tpu.memory_space<vmem>>
    %dma_start3A_689 = arith.constant 0 : i32
    %dma_start3A_690 = arith.constant 0 : i32
    %dma_start3A_691 = tpu.memref_slice %arg2[%dma_start3A_689, %dma_start3A_690] : memref<100000x1024xf32, #tpu.memory_space<hbm>> -> memref<100000x1024xf32, #tpu.memory_space<hbm>>
    tpu.enqueue_indirect_dma source(%dma_start3A_691 : memref<100000x1024xf32, #tpu.memory_space<hbm>>) target(%arg9 : memref<16x1024xf32, #tpu.memory_space<vmem>>) offsets(%dma_start3A_688 : memref<16xi32, #tpu.memory_space<vmem>>) semaphore(%arg16 : memref<!tpu.dma_semaphore, #tpu.memory_space<semaphore_mem>>)
    %dma_wait3A_692 = arith.constant 432 : i32
    %dma_wait3A_693 = tpu.memref_slice %arg5[%dma_wait3A_692] : memref<512xi32, #tpu.memory_space<vmem>> -> memref<16xi32, #tpu.memory_space<vmem>>
    %dma_wait3A_694 = arith.constant 0 : i32
    %dma_wait3A_695 = arith.constant 0 : i32
    %dma_wait3A_696 = tpu.memref_slice %arg2[%dma_wait3A_694, %dma_wait3A_695] : memref<100000x1024xf32, #tpu.memory_space<hbm>> -> memref<100000x1024xf32, #tpu.memory_space<hbm>>
    tpu.wait_indirect_dma semaphore(%arg19 : memref<!tpu.dma_semaphore, #tpu.memory_space<semaphore_mem>>) src(%dma_wait3A_696 : memref<100000x1024xf32, #tpu.memory_space<hbm>>) dst(%arg12 : memref<16x1024xf32, #tpu.memory_space<vmem>>)
    %add3A_697 = arith.constant 432 : i32
    %add3A_698 = arith.addi %mul3A_32, %add3A_697 : i32
    %dma_start3A_699 = arith.constant 0 : i32
    %dma_start3A_700 = tpu.memref_slice %arg4[%select_n3A, %add3A_698, %dma_start3A_699] : memref<4x4096x1024xf32, #tpu.memory_space<hbm>> -> memref<1x16x1024xf32, #tpu.memory_space<hbm>>
    %dma_start3A_701 = tpu.memref_squeeze %dma_start3A_700 : memref<1x16x1024xf32, #tpu.memory_space<hbm>> -> memref<16x1024xf32, #tpu.memory_space<hbm>>
    %dma_start3A_702 = arith.constant 0 : i32
    %dma_start3A_703 = tpu.memref_slice %arg4[%select_n3A, %add3A_698, %dma_start3A_702] : memref<4x4096x1024xf32, #tpu.memory_space<hbm>> -> memref<1x16x1024xf32, #tpu.memory_space<hbm>>
    %dma_start3A_704 = tpu.memref_squeeze %dma_start3A_703 : memref<1x16x1024xf32, #tpu.memory_space<hbm>> -> memref<16x1024xf32, #tpu.memory_space<hbm>>
    tpu.enqueue_dma source(%arg12 : memref<16x1024xf32, #tpu.memory_space<vmem>>) target(%dma_start3A_704 : memref<16x1024xf32, #tpu.memory_space<hbm>>) target_semaphore(%arg26 : memref<!tpu.dma_semaphore, #tpu.memory_space<semaphore_mem>>)
    %dma_wait3A_705 = arith.constant 448 : i32
    %dma_wait3A_706 = tpu.memref_slice %arg5[%dma_wait3A_705] : memref<512xi32, #tpu.memory_space<vmem>> -> memref<16xi32, #tpu.memory_space<vmem>>
    %dma_wait3A_707 = arith.constant 0 : i32
    %dma_wait3A_708 = arith.constant 0 : i32
    %dma_wait3A_709 = tpu.memref_slice %arg2[%dma_wait3A_707, %dma_wait3A_708] : memref<100000x1024xf32, #tpu.memory_space<hbm>> -> memref<100000x1024xf32, #tpu.memory_space<hbm>>
    tpu.wait_indirect_dma semaphore(%arg13 : memref<!tpu.dma_semaphore, #tpu.memory_space<semaphore_mem>>) src(%dma_wait3A_709 : memref<100000x1024xf32, #tpu.memory_space<hbm>>) dst(%arg6 : memref<16x1024xf32, #tpu.memory_space<vmem>>)
    %add3A_710 = arith.constant 448 : i32
    %add3A_711 = arith.addi %mul3A_32, %add3A_710 : i32
    %dma_start3A_712 = arith.constant 0 : i32
    %dma_start3A_713 = tpu.memref_slice %arg4[%select_n3A, %add3A_711, %dma_start3A_712] : memref<4x4096x1024xf32, #tpu.memory_space<hbm>> -> memref<1x16x1024xf32, #tpu.memory_space<hbm>>
    %dma_start3A_714 = tpu.memref_squeeze %dma_start3A_713 : memref<1x16x1024xf32, #tpu.memory_space<hbm>> -> memref<16x1024xf32, #tpu.memory_space<hbm>>
    %dma_start3A_715 = arith.constant 0 : i32
    %dma_start3A_716 = tpu.memref_slice %arg4[%select_n3A, %add3A_711, %dma_start3A_715] : memref<4x4096x1024xf32, #tpu.memory_space<hbm>> -> memref<1x16x1024xf32, #tpu.memory_space<hbm>>
    %dma_start3A_717 = tpu.memref_squeeze %dma_start3A_716 : memref<1x16x1024xf32, #tpu.memory_space<hbm>> -> memref<16x1024xf32, #tpu.memory_space<hbm>>
    tpu.enqueue_dma source(%arg6 : memref<16x1024xf32, #tpu.memory_space<vmem>>) target(%dma_start3A_717 : memref<16x1024xf32, #tpu.memory_space<hbm>>) target_semaphore(%arg20 : memref<!tpu.dma_semaphore, #tpu.memory_space<semaphore_mem>>)
    %dma_wait3A_718 = arith.constant 464 : i32
    %dma_wait3A_719 = tpu.memref_slice %arg5[%dma_wait3A_718] : memref<512xi32, #tpu.memory_space<vmem>> -> memref<16xi32, #tpu.memory_space<vmem>>
    %dma_wait3A_720 = arith.constant 0 : i32
    %dma_wait3A_721 = arith.constant 0 : i32
    %dma_wait3A_722 = tpu.memref_slice %arg2[%dma_wait3A_720, %dma_wait3A_721] : memref<100000x1024xf32, #tpu.memory_space<hbm>> -> memref<100000x1024xf32, #tpu.memory_space<hbm>>
    tpu.wait_indirect_dma semaphore(%arg14 : memref<!tpu.dma_semaphore, #tpu.memory_space<semaphore_mem>>) src(%dma_wait3A_722 : memref<100000x1024xf32, #tpu.memory_space<hbm>>) dst(%arg7 : memref<16x1024xf32, #tpu.memory_space<vmem>>)
    %add3A_723 = arith.constant 464 : i32
    %add3A_724 = arith.addi %mul3A_32, %add3A_723 : i32
    %dma_start3A_725 = arith.constant 0 : i32
    %dma_start3A_726 = tpu.memref_slice %arg4[%select_n3A, %add3A_724, %dma_start3A_725] : memref<4x4096x1024xf32, #tpu.memory_space<hbm>> -> memref<1x16x1024xf32, #tpu.memory_space<hbm>>
    %dma_start3A_727 = tpu.memref_squeeze %dma_start3A_726 : memref<1x16x1024xf32, #tpu.memory_space<hbm>> -> memref<16x1024xf32, #tpu.memory_space<hbm>>
    %dma_start3A_728 = arith.constant 0 : i32
    %dma_start3A_729 = tpu.memref_slice %arg4[%select_n3A, %add3A_724, %dma_start3A_728] : memref<4x4096x1024xf32, #tpu.memory_space<hbm>> -> memref<1x16x1024xf32, #tpu.memory_space<hbm>>
    %dma_start3A_730 = tpu.memref_squeeze %dma_start3A_729 : memref<1x16x1024xf32, #tpu.memory_space<hbm>> -> memref<16x1024xf32, #tpu.memory_space<hbm>>
    tpu.enqueue_dma source(%arg7 : memref<16x1024xf32, #tpu.memory_space<vmem>>) target(%dma_start3A_730 : memref<16x1024xf32, #tpu.memory_space<hbm>>) target_semaphore(%arg21 : memref<!tpu.dma_semaphore, #tpu.memory_space<semaphore_mem>>)
    %dma_wait3A_731 = arith.constant 480 : i32
    %dma_wait3A_732 = tpu.memref_slice %arg5[%dma_wait3A_731] : memref<512xi32, #tpu.memory_space<vmem>> -> memref<16xi32, #tpu.memory_space<vmem>>
    %dma_wait3A_733 = arith.constant 0 : i32
    %dma_wait3A_734 = arith.constant 0 : i32
    %dma_wait3A_735 = tpu.memref_slice %arg2[%dma_wait3A_733, %dma_wait3A_734] : memref<100000x1024xf32, #tpu.memory_space<hbm>> -> memref<100000x1024xf32, #tpu.memory_space<hbm>>
    tpu.wait_indirect_dma semaphore(%arg15 : memref<!tpu.dma_semaphore, #tpu.memory_space<semaphore_mem>>) src(%dma_wait3A_735 : memref<100000x1024xf32, #tpu.memory_space<hbm>>) dst(%arg8 : memref<16x1024xf32, #tpu.memory_space<vmem>>)
    %add3A_736 = arith.constant 480 : i32
    %add3A_737 = arith.addi %mul3A_32, %add3A_736 : i32
    %dma_start3A_738 = arith.constant 0 : i32
    %dma_start3A_739 = tpu.memref_slice %arg4[%select_n3A, %add3A_737, %dma_start3A_738] : memref<4x4096x1024xf32, #tpu.memory_space<hbm>> -> memref<1x16x1024xf32, #tpu.memory_space<hbm>>
    %dma_start3A_740 = tpu.memref_squeeze %dma_start3A_739 : memref<1x16x1024xf32, #tpu.memory_space<hbm>> -> memref<16x1024xf32, #tpu.memory_space<hbm>>
    %dma_start3A_741 = arith.constant 0 : i32
    %dma_start3A_742 = tpu.memref_slice %arg4[%select_n3A, %add3A_737, %dma_start3A_741] : memref<4x4096x1024xf32, #tpu.memory_space<hbm>> -> memref<1x16x1024xf32, #tpu.memory_space<hbm>>
    %dma_start3A_743 = tpu.memref_squeeze %dma_start3A_742 : memref<1x16x1024xf32, #tpu.memory_space<hbm>> -> memref<16x1024xf32, #tpu.memory_space<hbm>>
    tpu.enqueue_dma source(%arg8 : memref<16x1024xf32, #tpu.memory_space<vmem>>) target(%dma_start3A_743 : memref<16x1024xf32, #tpu.memory_space<hbm>>) target_semaphore(%arg22 : memref<!tpu.dma_semaphore, #tpu.memory_space<semaphore_mem>>)
    %dma_wait3A_744 = arith.constant 496 : i32
    %dma_wait3A_745 = tpu.memref_slice %arg5[%dma_wait3A_744] : memref<512xi32, #tpu.memory_space<vmem>> -> memref<16xi32, #tpu.memory_space<vmem>>
    %dma_wait3A_746 = arith.constant 0 : i32
    %dma_wait3A_747 = arith.constant 0 : i32
    %dma_wait3A_748 = tpu.memref_slice %arg2[%dma_wait3A_746, %dma_wait3A_747] : memref<100000x1024xf32, #tpu.memory_space<hbm>> -> memref<100000x1024xf32, #tpu.memory_space<hbm>>
    tpu.wait_indirect_dma semaphore(%arg16 : memref<!tpu.dma_semaphore, #tpu.memory_space<semaphore_mem>>) src(%dma_wait3A_748 : memref<100000x1024xf32, #tpu.memory_space<hbm>>) dst(%arg9 : memref<16x1024xf32, #tpu.memory_space<vmem>>)
    %add3A_749 = arith.constant 496 : i32
    %add3A_750 = arith.addi %mul3A_32, %add3A_749 : i32
    %dma_start3A_751 = arith.constant 0 : i32
    %dma_start3A_752 = tpu.memref_slice %arg4[%select_n3A, %add3A_750, %dma_start3A_751] : memref<4x4096x1024xf32, #tpu.memory_space<hbm>> -> memref<1x16x1024xf32, #tpu.memory_space<hbm>>
    %dma_start3A_753 = tpu.memref_squeeze %dma_start3A_752 : memref<1x16x1024xf32, #tpu.memory_space<hbm>> -> memref<16x1024xf32, #tpu.memory_space<hbm>>
    %dma_start3A_754 = arith.constant 0 : i32
    %dma_start3A_755 = tpu.memref_slice %arg4[%select_n3A, %add3A_750, %dma_start3A_754] : memref<4x4096x1024xf32, #tpu.memory_space<hbm>> -> memref<1x16x1024xf32, #tpu.memory_space<hbm>>
    %dma_start3A_756 = tpu.memref_squeeze %dma_start3A_755 : memref<1x16x1024xf32, #tpu.memory_space<hbm>> -> memref<16x1024xf32, #tpu.memory_space<hbm>>
    tpu.enqueue_dma source(%arg9 : memref<16x1024xf32, #tpu.memory_space<vmem>>) target(%dma_start3A_756 : memref<16x1024xf32, #tpu.memory_space<hbm>>) target_semaphore(%arg23 : memref<!tpu.dma_semaphore, #tpu.memory_space<semaphore_mem>>)
    %dma_wait3A_757 = arith.constant 0 : i32
    %dma_wait3A_758 = tpu.memref_slice %arg4[%select_n3A, %add3A_711, %dma_wait3A_757] : memref<4x4096x1024xf32, #tpu.memory_space<hbm>> -> memref<1x16x1024xf32, #tpu.memory_space<hbm>>
    %dma_wait3A_759 = tpu.memref_squeeze %dma_wait3A_758 : memref<1x16x1024xf32, #tpu.memory_space<hbm>> -> memref<16x1024xf32, #tpu.memory_space<hbm>>
    %dma_wait3A_760 = arith.constant 0 : i32
    %dma_wait3A_761 = tpu.memref_slice %arg4[%select_n3A, %add3A_711, %dma_wait3A_760] : memref<4x4096x1024xf32, #tpu.memory_space<hbm>> -> memref<1x16x1024xf32, #tpu.memory_space<hbm>>
    %dma_wait3A_762 = tpu.memref_squeeze %dma_wait3A_761 : memref<1x16x1024xf32, #tpu.memory_space<hbm>> -> memref<16x1024xf32, #tpu.memory_space<hbm>>
    tpu.wait_dma2 semaphore(%arg20 : memref<!tpu.dma_semaphore, #tpu.memory_space<semaphore_mem>>) src(%arg6 : memref<16x1024xf32, #tpu.memory_space<vmem>>) dst(%dma_wait3A_762 : memref<16x1024xf32, #tpu.memory_space<hbm>>)
    %dma_wait3A_763 = arith.constant 0 : i32
    %dma_wait3A_764 = tpu.memref_slice %arg4[%select_n3A, %add3A_724, %dma_wait3A_763] : memref<4x4096x1024xf32, #tpu.memory_space<hbm>> -> memref<1x16x1024xf32, #tpu.memory_space<hbm>>
    %dma_wait3A_765 = tpu.memref_squeeze %dma_wait3A_764 : memref<1x16x1024xf32, #tpu.memory_space<hbm>> -> memref<16x1024xf32, #tpu.memory_space<hbm>>
    %dma_wait3A_766 = arith.constant 0 : i32
    %dma_wait3A_767 = tpu.memref_slice %arg4[%select_n3A, %add3A_724, %dma_wait3A_766] : memref<4x4096x1024xf32, #tpu.memory_space<hbm>> -> memref<1x16x1024xf32, #tpu.memory_space<hbm>>
    %dma_wait3A_768 = tpu.memref_squeeze %dma_wait3A_767 : memref<1x16x1024xf32, #tpu.memory_space<hbm>> -> memref<16x1024xf32, #tpu.memory_space<hbm>>
    tpu.wait_dma2 semaphore(%arg21 : memref<!tpu.dma_semaphore, #tpu.memory_space<semaphore_mem>>) src(%arg7 : memref<16x1024xf32, #tpu.memory_space<vmem>>) dst(%dma_wait3A_768 : memref<16x1024xf32, #tpu.memory_space<hbm>>)
    %dma_wait3A_769 = arith.constant 0 : i32
    %dma_wait3A_770 = tpu.memref_slice %arg4[%select_n3A, %add3A_737, %dma_wait3A_769] : memref<4x4096x1024xf32, #tpu.memory_space<hbm>> -> memref<1x16x1024xf32, #tpu.memory_space<hbm>>
    %dma_wait3A_771 = tpu.memref_squeeze %dma_wait3A_770 : memref<1x16x1024xf32, #tpu.memory_space<hbm>> -> memref<16x1024xf32, #tpu.memory_space<hbm>>
    %dma_wait3A_772 = arith.constant 0 : i32
    %dma_wait3A_773 = tpu.memref_slice %arg4[%select_n3A, %add3A_737, %dma_wait3A_772] : memref<4x4096x1024xf32, #tpu.memory_space<hbm>> -> memref<1x16x1024xf32, #tpu.memory_space<hbm>>
    %dma_wait3A_774 = tpu.memref_squeeze %dma_wait3A_773 : memref<1x16x1024xf32, #tpu.memory_space<hbm>> -> memref<16x1024xf32, #tpu.memory_space<hbm>>
    tpu.wait_dma2 semaphore(%arg22 : memref<!tpu.dma_semaphore, #tpu.memory_space<semaphore_mem>>) src(%arg8 : memref<16x1024xf32, #tpu.memory_space<vmem>>) dst(%dma_wait3A_774 : memref<16x1024xf32, #tpu.memory_space<hbm>>)
    %dma_wait3A_775 = arith.constant 0 : i32
    %dma_wait3A_776 = tpu.memref_slice %arg4[%select_n3A, %add3A_750, %dma_wait3A_775] : memref<4x4096x1024xf32, #tpu.memory_space<hbm>> -> memref<1x16x1024xf32, #tpu.memory_space<hbm>>
    %dma_wait3A_777 = tpu.memref_squeeze %dma_wait3A_776 : memref<1x16x1024xf32, #tpu.memory_space<hbm>> -> memref<16x1024xf32, #tpu.memory_space<hbm>>
    %dma_wait3A_778 = arith.constant 0 : i32
    %dma_wait3A_779 = tpu.memref_slice %arg4[%select_n3A, %add3A_750, %dma_wait3A_778] : memref<4x4096x1024xf32, #tpu.memory_space<hbm>> -> memref<1x16x1024xf32, #tpu.memory_space<hbm>>
    %dma_wait3A_780 = tpu.memref_squeeze %dma_wait3A_779 : memref<1x16x1024xf32, #tpu.memory_space<hbm>> -> memref<16x1024xf32, #tpu.memory_space<hbm>>
    tpu.wait_dma2 semaphore(%arg23 : memref<!tpu.dma_semaphore, #tpu.memory_space<semaphore_mem>>) src(%arg9 : memref<16x1024xf32, #tpu.memory_space<vmem>>) dst(%dma_wait3A_780 : memref<16x1024xf32, #tpu.memory_space<hbm>>)
    %dma_wait3A_781 = arith.constant 0 : i32
    %dma_wait3A_782 = tpu.memref_slice %arg4[%select_n3A, %add3A_650, %dma_wait3A_781] : memref<4x4096x1024xf32, #tpu.memory_space<hbm>> -> memref<1x16x1024xf32, #tpu.memory_space<hbm>>
    %dma_wait3A_783 = tpu.memref_squeeze %dma_wait3A_782 : memref<1x16x1024xf32, #tpu.memory_space<hbm>> -> memref<16x1024xf32, #tpu.memory_space<hbm>>
    %dma_wait3A_784 = arith.constant 0 : i32
    %dma_wait3A_785 = tpu.memref_slice %arg4[%select_n3A, %add3A_650, %dma_wait3A_784] : memref<4x4096x1024xf32, #tpu.memory_space<hbm>> -> memref<1x16x1024xf32, #tpu.memory_space<hbm>>
    %dma_wait3A_786 = tpu.memref_squeeze %dma_wait3A_785 : memref<1x16x1024xf32, #tpu.memory_space<hbm>> -> memref<16x1024xf32, #tpu.memory_space<hbm>>
    tpu.wait_dma2 semaphore(%arg24 : memref<!tpu.dma_semaphore, #tpu.memory_space<semaphore_mem>>) src(%arg10 : memref<16x1024xf32, #tpu.memory_space<vmem>>) dst(%dma_wait3A_786 : memref<16x1024xf32, #tpu.memory_space<hbm>>)
    %dma_wait3A_787 = arith.constant 0 : i32
    %dma_wait3A_788 = tpu.memref_slice %arg4[%select_n3A, %add3A_674, %dma_wait3A_787] : memref<4x4096x1024xf32, #tpu.memory_space<hbm>> -> memref<1x16x1024xf32, #tpu.memory_space<hbm>>
    %dma_wait3A_789 = tpu.memref_squeeze %dma_wait3A_788 : memref<1x16x1024xf32, #tpu.memory_space<hbm>> -> memref<16x1024xf32, #tpu.memory_space<hbm>>
    %dma_wait3A_790 = arith.constant 0 : i32
    %dma_wait3A_791 = tpu.memref_slice %arg4[%select_n3A, %add3A_674, %dma_wait3A_790] : memref<4x4096x1024xf32, #tpu.memory_space<hbm>> -> memref<1x16x1024xf32, #tpu.memory_space<hbm>>
    %dma_wait3A_792 = tpu.memref_squeeze %dma_wait3A_791 : memref<1x16x1024xf32, #tpu.memory_space<hbm>> -> memref<16x1024xf32, #tpu.memory_space<hbm>>
    tpu.wait_dma2 semaphore(%arg25 : memref<!tpu.dma_semaphore, #tpu.memory_space<semaphore_mem>>) src(%arg11 : memref<16x1024xf32, #tpu.memory_space<vmem>>) dst(%dma_wait3A_792 : memref<16x1024xf32, #tpu.memory_space<hbm>>)
    %dma_wait3A_793 = arith.constant 0 : i32
    %dma_wait3A_794 = tpu.memref_slice %arg4[%select_n3A, %add3A_698, %dma_wait3A_793] : memref<4x4096x1024xf32, #tpu.memory_space<hbm>> -> memref<1x16x1024xf32, #tpu.memory_space<hbm>>
    %dma_wait3A_795 = tpu.memref_squeeze %dma_wait3A_794 : memref<1x16x1024xf32, #tpu.memory_space<hbm>> -> memref<16x1024xf32, #tpu.memory_space<hbm>>
    %dma_wait3A_796 = arith.constant 0 : i32
    %dma_wait3A_797 = tpu.memref_slice %arg4[%select_n3A, %add3A_698, %dma_wait3A_796] : memref<4x4096x1024xf32, #tpu.memory_space<hbm>> -> memref<1x16x1024xf32, #tpu.memory_space<hbm>>
    %dma_wait3A_798 = tpu.memref_squeeze %dma_wait3A_797 : memref<1x16x1024xf32, #tpu.memory_space<hbm>> -> memref<16x1024xf32, #tpu.memory_space<hbm>>
    tpu.wait_dma2 semaphore(%arg26 : memref<!tpu.dma_semaphore, #tpu.memory_space<semaphore_mem>>) src(%arg12 : memref<16x1024xf32, #tpu.memory_space<vmem>>) dst(%dma_wait3A_798 : memref<16x1024xf32, #tpu.memory_space<hbm>>)
    return
  }
}

</mosaic_0001>

<sc_bundles>
// kernel: kernel.3.cloned.1.call-start
scs
__scs_entry_jumppad:
0x0: {  	(pc) =	sbr.rel $0x88, $3  }
0x1: {  	(tag) =	ssettag $0x0;
	lr =	simm.s32 $0x1  }
0x2: {  	[smem:$0x3F9F] =	sst lr;
	_ =	strace $0xD0000000  }
0x3: {  	_ = 	snop  }
0x4: {  	_ = 	snop  }
0x5: {  	_ = 	snop  }
0x6: {  	_ = 	snop  }
0x7: {  	_ = 	snop  }
__scs_overlays_trampoline_lowered:
0x8: {  	[smem:$0x3FAE] =	sst s0  }
0x9: {  	[smem:$0x3FAF] =	sst s1  }
0xa: {  	[smem:$0x3FB0] =	sst s2  }
0xb: {  	[smem:$0x3FB1] =	sst s3  }
0xc: {  	[smem:$0x3FB2] =	sst s4  }
0xd: {  	[smem:$0x3FB3] =	sst s5  }
0xe: {  	[smem:$0x3FB4] =	sst s6  }
0xf: {  	[smem:$0x3FB5] =	sst s7  }
0x10: {  	[smem:$0x3FB6] =	sst s8  }
0x11: {  	[smem:$0x3FB7] =	sst s9;
	s0 =	simm.s32 @!p0 $0x0  }
0x12: {  	s1 =	sld [smem:$0x3F9D];
	s0 =	simm.s32 @p0 $0x1  }
0x13: {  	[smem:$0x3FB8] =	sst s0;
	s0 =	simm.s32 @!p1 $0x0  }
0x14: {  	s2 =	sld [smem:$0x3F9C];
	s0 =	simm.s32 @p1 $0x1  }
0x15: {  	[smem:$0x3FB9] =	sst s0;
	s0 =	simm.s32 @!p2 $0x0  }
0x16: {  	s3 =	sld [smem:$0x3FDB];
	s0 =	simm.s32 @p2 $0x1  }
0x17: {  	s4 =	simm.s32 $0x1BF5;
	[smem:$0x3FBB] =	sst s0  }
0x18: {  	s0 =	sld [smem:$0x3F9E];
	_ =	swait.ge [sflag:s4], $0x0  }
0x19: {  	s7 =	sld [smem:$0x3F9F]  }
0x1a: {  	s8 =	sadd.s32 $0xFFFFE003, lr  }
0x1b: {  	s9 =	sadd.s32 $0xFFFFFEF7, lr;
	s5 =	simm.s32 $0xFFFFFFFF;
	p2 =	slt.u32 s8, $0xFFFFF086  }
0x1c: {  	p1 =	slt.u32 s9, $0xF7A;
	s5 =	simm.s32 @!p2 $0x0  }
0x1d: {  	s5 =	simm.s32 @p1 $0x1;
	p0 =	seq.s32 s7, s2  }
0x1e: {  	s7 =	smul.u32 @!p0 $0xF7A, s2;
	p2 =	seq.s32 @!p0 s5, $0x0  }
0x1f: {  	s9 =	smul.u32 $0xF7A, s1;
	s8 =	simm.s32 @!p0 $0x1BF5;
	p2 =	por !p2, p0  }
0x20: {  	[sflag:s8] =	ssyncset.s32 @!p0 $0xFFFFF086;
	s6 =	sadd.s32 @!p0 s3, s7;
	s7 =	simm.s32 @!p0 $0x108  }
0x21: {  	s3 =	sadd.s32 s3, s9;
	s6 =	sadd.s32 @!p0 $0x88, s6;
	s7 =	simm.s32 @p2 $0x1082  }
0x22: {  	[simem:s7], [sflag:s8] =	dma.local @!p0 [hbm:s6], $0xF7A  }
0x23: {  	s9 =	sor.u32 $0xD0000000, s2;
	s6 =	simm.s32 $0x108;
	_ =	swait.ge @!p0 [sflag:s8], $0x0  }
0x24: {  	s3 =	sadd.s32 $0x88, s3;
	s6 =	simm.s32 @!p1 $0x1082;
	[sflag:s4] =	ssyncset.s32 $0xFFFFF086  }
0x25: {  	[simem:s6], [sflag:s4] =	dma.local [hbm:s3], $0xF7A  }
0x26: {  	[smem:$0x3F9F] =	sst s1;
	(tag) =	ssettag s2;
	_ =	strace s9  }
0x27: {  	s1 =	sld [smem:$0x3FAF]  }
0x28: {  	s2 =	sld [smem:$0x3FB0]  }
0x29: {  	s4 =	sld [smem:$0x3FB2]  }
0x2a: {  	p0 =	seq.s32 s5, $0x0;
	s5 =	sld [smem:$0x3FB3]  }
0x2b: {  	s6 =	sld [smem:$0x3FB4]  }
0x2c: {  	s7 =	sld [smem:$0x3FB5]  }
0x2d: {  	s3 =	simm.s32 $0x108;
	s8 =	sld [smem:$0x3FB6]  }
0x2e: {  	s3 =	simm.s32 @!p0 $0x1082;
	s9 =	sld [smem:$0x3FB7]  }
0x2f: {  	lr =	sadd.s32 s0, s3;
	s0 =	sld [smem:$0x3FAE]  }
0x30: {  	s3 =	sld [smem:$0x3FB1]  }
0x31: {  	[smem:$0x3FBA] =	sst s10  }
0x32: {  	s10 =	sld [smem:$0x3FB8];
	_ =	sdelay $0x3  }
0x33: {  	p0 =	seq.s32 s10, $0x1;
	s10 =	sld [smem:$0x3FBA];
	_ =	sdelay $0x3  }
0x34: {  	[smem:$0x3FBA] =	sst s10  }
0x35: {  	s10 =	sld [smem:$0x3FB9];
	_ =	sdelay $0x3  }
0x36: {  	p1 =	seq.s32 s10, $0x1;
	s10 =	sld [smem:$0x3FBA];
	_ =	sdelay $0x3  }
0x37: {  	[smem:$0x3FBA] =	sst s10  }
0x38: {  	s10 =	sld [smem:$0x3FBB]  }
0x39: {  	_ = 	snop;
	(pc) =	sbr.ind lr, $3  }
0x3a: {  	_ = 	snop  }
0x3b: {  	_ = 	snop  }
0x3c: {  	p2 =	seq.s32 s10, $0x1;
	s10 =	sld [smem:$0x3FBA]  }
0x3d: {  	_ =	shalt  }
0x3e: {  	_ =	shalt  }
0x3f: {  	_ =	shalt  }
0x40: {  	_ =	shalt  }
0x41: {  	_ =	shalt  }
0x42: {  	_ =	shalt  }
0x43: {  	_ =	shalt  }
0x44: {  	_ =	shalt  }
0x45: {  	_ =	shalt  }
0x46: {  	_ =	shalt  }
0x47: {  	_ =	shalt  }
0x48: {  	_ =	shalt  }
0x49: {  	_ =	shalt  }
0x4a: {  	_ =	shalt  }
0x4b: {  	_ =	shalt  }
0x4c: {  	_ =	shalt  }
0x4d: {  	_ =	shalt  }
0x4e: {  	_ =	shalt  }
0x4f: {  	_ =	shalt  }
0x50: {  	_ =	shalt  }
0x51: {  	_ =	shalt  }
0x52: {  	_ =	shalt  }
0x53: {  	_ =	shalt  }
0x54: {  	_ =	shalt  }
0x55: {  	_ =	shalt  }
0x56: {  	_ =	shalt  }
0x57: {  	_ =	shalt  }
0x58: {  	_ =	shalt  }
0x59: {  	_ =	shalt  }
0x5a: {  	_ =	shalt  }
0x5b: {  	_ =	shalt  }
0x5c: {  	_ =	shalt  }
0x5d: {  	_ =	shalt  }
0x5e: {  	_ =	shalt  }
0x5f: {  	_ =	shalt  }
0x60: {  	_ =	shalt  }
0x61: {  	_ =	shalt  }
0x62: {  	_ =	shalt  }
0x63: {  	_ =	shalt  }
0x64: {  	_ =	shalt  }
0x65: {  	_ =	shalt  }
0x66: {  	_ =	shalt  }
0x67: {  	_ =	shalt  }
0x68: {  	_ =	shalt  }
0x69: {  	_ =	shalt  }
0x6a: {  	_ =	shalt  }
0x6b: {  	_ =	shalt  }
0x6c: {  	_ =	shalt  }
0x6d: {  	_ =	shalt  }
0x6e: {  	_ =	shalt  }
0x6f: {  	_ =	shalt  }
0x70: {  	_ =	shalt  }
0x71: {  	_ =	shalt  }
0x72: {  	_ =	shalt  }
0x73: {  	_ =	shalt  }
0x74: {  	_ =	shalt  }
0x75: {  	_ =	shalt  }
0x76: {  	_ =	shalt  }
0x77: {  	_ =	shalt  }
0x78: {  	_ =	shalt  }
0x79: {  	_ =	shalt  }
0x7a: {  	_ =	shalt  }
0x7b: {  	_ =	shalt  }
0x7c: {  	_ =	shalt  }
0x7d: {  	_ =	shalt  }
0x7e: {  	_ =	shalt  }
0x7f: {  	_ =	shalt  }
0x80: {  	_ =	shalt  }
0x81: {  	_ =	shalt  }
0x82: {  	_ =	shalt  }
0x83: {  	_ =	shalt  }
0x84: {  	_ =	shalt  }
0x85: {  	_ =	shalt  }
0x86: {  	_ =	shalt  }
0x87: {  	_ =	shalt  }
.Lfunc_end0:
.L_simem_size_0:
called_computation_lowered:
.L_overlay_start_0:
0x88: {  	s2 =	sld [smem:$0x3FD9]  }
0x89: {  	s3 =	sld [smem:$0x3FFE];
	_ =	sdelay $0x1  }
0x8a: {  	s1 =	srdreg.scid  }
0x8b: {  	s0 =	sand.u32 $0x1, s1  }
0x8c: {  	s18 =	sshll.u32 s0, $0xA;
	s2 =	sadd.s32 s3, s2  }
0x8d: {  	s2 =	sadd.s32 s2, s18  }
0x8e: {  	[smem:$0x3FC6] =	sst s2  }
0x8f: {  	_ = 	snop  }
0x90: {  	s2 =	sld [smem:$0x3FC9]  }
0x91: {  	s19 =	sld [smem:$0x3FC8]  }
0x92: {  	s4 =	sld [smem:$0x3FD0];
	(tm) =	ssettm $0x1  }
0x93: {  	s5 =	sld [smem:$0x3FFB];
	_ =	sdelay $0x3  }
0x94: {  	_ =	strace s5  }
0x95: {  	s5 =	sld [smem:$0x3FFC];
	_ =	sdelay $0x3  }
0x96: {  	_ =	strace s5  }
0x97: {  	s5 =	sld [smem:$0x3FFD];
	_ =	sdelay $0x3  }
0x98: {  	_ =	strace s5  }
0x99: {  	_ =	strace $0x8FFFFFFF  }
0x9a: {  	s20 =	sld [smem:$0x3FDB];
	_ =	sdelay $0x1  }
0x9b: {  	s6 =	simm.s32 $_scs_section_size  }
0x9c: {  	s7 =	simm.s32 $_size__tile_overlayer_lowered;
	s8 =	simm.s32 $_tile_overlayer_lowered  }
0x9d: {  	s23 =	simm.s32 $0x1BFF;
	s22 =	sshll.u32 s8, $0x1;
	s5 =	sadd.s32 s6, s20  }
0x9e: {  	s9 =	simm.s32 $0x0;
	s21 =	sshll.u32 s7, $0x1;
	s7 =	sadd.s32 s22, s5  }
0x9f: {  	[timem:s9], [sflag:s23] =	dma.local [hbm:s7], s21  }
0xa0: {  	_ =	swait.ge [sflag:s23], s21  }
0xa1: {  	s6 =	ssub.s32 $0x0, s21;
	[sflag:s23] =	ssyncset.done $0x0  }
0xa2: {  	[sflag:s23] =	ssyncadd.s32 s6;
	_ =	sdelay $0x1  }
0xa3: {  	s24 =	simm.s32 $0x1B8B  }
0xa4: {  	_ =	swait.ge [sflag:s24], $0x1  }
0xa5: {  	[sflag:s24] =	ssyncset.done $0x0  }
0xa6: {  	s25 =	simm.s32 $0x1B8E;
	[sflag:s24] =	ssyncadd.s32 $0xFFFFFFFF  }
0xa7: {  	s26 =	simm.s32 $execute0_lowered;
	[smem:$0x3FD2] =	sst s25  }
0xa8: {  	s6 =	sshll.u32 s26, $0x1;
	_ =	strace $0x80000046;
	[dreg:$0x1] =	wrdreg $0xFFFFFFFF  }
0xa9: {  	s28 =	simm.s32 $_size_execute0_lowered;
	s5 =	sadd.s32 s5, s6;
	[dreg:$0x0] =	wrdreg $0x0  }
0xaa: {  	s6 =	sshll.u32 s28, $0x1;
	[dreg:$0x2] =	wrdreg s5  }
0xab: {  	[dreg:$0x3] =	wrdreg s6  }
0xac: {  	[dreg:$0x4] =	wrdreg $0xC0  }
0xad: {  	_ =	task [dreg:s9], $0x5FFFF  }
0xae: {  	[dreg:$0x1] =	wrdreg $0xFFFFFFFF  }
0xaf: {  	[dreg:$0x0] =	wrdreg $0x60  }
0xb0: {  	[dreg:$0x2] =	wrdreg s19  }
0xb1: {  	[dreg:$0x3] =	wrdreg s2  }
0xb2: {  	[dreg:$0x4] =	wrdreg s4  }
0xb3: {  	[dreg:$0x5] =	wrdreg $0x9  }
0xb4: {  	_ =	task.clear_ibuf [dreg:s9], $0x6FFFF;
	_ =	strace $0x90000046  }
0xb5: {  	s29 =	simm.s32 $0x9;
	_ =	strace $0x80000048  }
0xb6: {  	_ =	swait.ge [sflag:s29], $0x1  }
0xb7: {  	[sflag:s29] =	ssyncadd.s32 $0xFFFFFFFF  }
0xb8: {  	_ =	strace $0x90000048  }
0xb9: {  	_ =	sfence  }
0xba: {  	s30 =	sld [smem:$0x0];
	_ =	sdelay $0x2  }
0xbb: {  	s31 =	sshll.u32 s1, $0xD;
	s1 =	sshrl.u32 s1, $0x2  }
0xbc: {  	s3 =	sand.u32 $0x4000, s31;
	s1 =	sadd.s32 s1, s30  }
0xbd: {  	s0 =	sor.u32 s3, s0;
	s1 =	sshll.u32 s1, $0x11  }
0xbe: {  	s0 =	sor.u32 s1, s0  }
0xbf: {  	s0 =	sadd.s32 $0x8F2B, s0  }
0xc0: {  	[sflag:s0] =	ssyncadd.remote.s32 $0x1  }
0xc1: {  	_ =	sfence.sel $0xFFFF  }
0xc2: {  	[dreg:$0x0] =	wrdreg $0xFFFFFFFF;
	(pc) =	sbr.abs _section_cstart, $3  }
0xc3: {  	[dreg:$0x1] =	wrdreg $0xFFFFFFFF  }
0xc4: {  	_ =	task.clear_ibuf [dreg:s9], $0x2FFFF;
	_ =	strace $0x9FFFFFFF  }
0xc5: {  	(tm) =	ssettm $0x7FFFFFFF  }
tec
execute0_lowered:
.L_overlay_start_1:
0x0: {  	(tag) =	ssettag $0x1  }
0x1: {  	s0 =	srdreg.scid  }
0x2: {  	s0 =	sand.u32 $0x1, s0  }
0x3: {  	s3 =	stileid.u32;
	s1 =	sshll.u32 s0, $0x4  }
0x4: {  	s2 =	sand.u32 $0x7, s3;
	s3 =	sor.u32 s3, s1  }
0x5: {  	p1 =	sne.s32 s2, $0x0;
	p0 =	seq.s32 s3, $0x0  }
0x6: {  	p0 =	por !p1, !p0  }
0x7: {  	s4 =	simm.s32 $0x1;
	p0 =	por !p0, !p0  }
0x8: {  	s3 =	sshrl.u32 s3, $0x3;
	s4 =	simm.s32 @!p0 $0x0  }
0x9: {  	s5 =	rddreg [dreg:$0x1];
	s3 =	ssub.s32 s3, s4  }
0xa: {  	s6 =	rddreg [dreg:$0x2];
	s17 =	sshll.u32 s2, $0x13;
	s19 =	sshll.u32 s3, $0x16  }
0xb: {  	s1 =	rddreg [dreg:$0x0];
	s7 =	sshll.u32 s3, $0xC;
	s4 =	sor.u32 s17, s19  }
0xc: {  	s8 =	sshll.u32 s3, $0x7;
	s3 =	simm.s32 $0x0;
	s4 =	sshrl.u32 s4, $0x3  }
0xd: {  	s18 =	sand.u32 $0x180, s8;
	[smem:$0x7FF] =	sst s3;
	s8 =	sadd.s32 s6, s4  }
0xe: {  	_ =	strace $0x80000047;
	s20 =	sadd.s32 $0x800, s8;
	[smem:$0x7FB] =	sst s8  }
0xf: {  	s21 =	sadd.s32 $0x1000, s8;
	[dreg:$0x5] =	wrdreg s20  }
0x10: {  	s22 =	sadd.s32 $0x1800, s8;
	[dreg:$0x6] =	wrdreg s21  }
0x11: {  	s23 =	sadd.s32 $0x2000, s8;
	[dreg:$0x7] =	wrdreg s22  }
0x12: {  	s24 =	sadd.s32 $0x2800, s8;
	[dreg:$0x8] =	wrdreg s23  }
0x13: {  	s25 =	sadd.s32 $0x3000, s8;
	[dreg:$0x9] =	wrdreg s24  }
0x14: {  	s26 =	sadd.s32 $0x3800, s8;
	[dreg:$0xa] =	wrdreg s25  }
0x15: {  	s28 =	sadd.s32 $0x4000, s8;
	[dreg:$0xb] =	wrdreg s26  }
0x16: {  	s31 =	sadd.s32 $0x4800, s8;
	[dreg:$0xc] =	wrdreg s28  }
0x17: {  	s2 =	sshll.u32 s2, $0xB;
	s4 =	sadd.s32 $0x5000, s8;
	[dreg:$0xd] =	wrdreg s31  }
0x18: {  	s7 =	sand.u32 $0xFFFFC000, s7;
	s6 =	sadd.s32 $0x6000, s8;
	[dreg:$0xe] =	wrdreg s4  }
0x19: {  	s2 =	sor.u32 s2, s7;
	s7 =	sadd.s32 $0x6800, s8;
	[dreg:$0x10] =	wrdreg s6  }
0x1a: {  	s9 =	sadd.s32 $0x7000, s8;
	[dreg:$0x11] =	wrdreg s7  }
0x1b: {  	s10 =	sadd.s32 $0x7800, s8;
	[dreg:$0x12] =	wrdreg s9  }
0x1c: {  	s11 =	sadd.s32 $0x8000, s8;
	[dreg:$0x13] =	wrdreg s10  }
0x1d: {  	s12 =	sadd.s32 $0x8800, s8;
	[dreg:$0x14] =	wrdreg s11  }
0x1e: {  	s13 =	sadd.s32 $0x9000, s8;
	[dreg:$0x15] =	wrdreg s12  }
0x1f: {  	s14 =	sadd.s32 $0x9800, s8;
	[dreg:$0x16] =	wrdreg s13  }
0x20: {  	s15 =	sadd.s32 $0xA000, s8;
	[dreg:$0x17] =	wrdreg s14  }
0x21: {  	s16 =	sadd.s32 $0xA800, s8;
	[dreg:$0x18] =	wrdreg s15  }
0x22: {  	s17 =	sadd.s32 $0xB000, s8;
	[dreg:$0x19] =	wrdreg s16  }
0x23: {  	s2 =	sor.u32 s18, s2;
	s18 =	sadd.s32 $0xB800, s8;
	[dreg:$0x1a] =	wrdreg s17  }
0x24: {  	s2 =	sshrl.u32 s2, $0x3;
	s19 =	sadd.s32 $0xC000, s8;
	[dreg:$0x1b] =	wrdreg s18  }
0x25: {  	s2 =	sadd.s32 s5, s2;
	[dreg:$0x1c] =	wrdreg s19  }
0x26: {  	s5 =	sadd.s32 $0x5800, s8;
	[dreg:$0x4] =	wrdreg s2  }
0x27: {  	s20 =	sadd.s32 $0xC800, s8;
	[dreg:$0xf] =	wrdreg s5  }
0x28: {  	s29 =	simm.s32 $0x8;
	s21 =	sadd.s32 $0xD000, s8;
	[dreg:$0x1d] =	wrdreg s20  }
0x29: {  	s30 =	simm.s32 $0x4;
	s23 =	sadd.s32 $0xD800, s8;
	[dreg:$0x1e] =	wrdreg s21  }
0x2a: {  	s0 =	ssub.s32 $0x2, s0;
	s24 =	sadd.s32 $0xE000, s8;
	[dreg:$0x1f] =	wrdreg s23  }
0x2b: {  	s22 =	sshrl.u32 s0, $0x1;
	s25 =	sadd.s32 $0xE800, s8;
	[smem:$0x7F8] =	sst s24  }
0x2c: {  	s6 =	sadd.s32 $0x100, s1;
	s26 =	sadd.s32 $0xF000, s8;
	[smem:$0x7F9] =	sst s25  }
0x2d: {  	s7 =	sadd.s32 $0x200, s1;
	s28 =	sadd.s32 $0xF800, s8;
	[smem:$0x7FA] =	sst s26  }
0x2e: {  	v2 =	vlaneseq.u32;
	s8 =	sadd.s32 $0x300, s1;
	s31 =	simm.s32 $0x80;
	[smem:$0x7FC] =	sst s28  }
0x2f: {  	vm0 =	vmmov $0xffff;
	v1 =	vshrl.u32 v2, $0x3;
	s0 =	ssub.s32 s0, s22;
	[smem:$0x7FD] =	sst s31;
	s23 =	simm.s32 $0x1  }
0x30: {  	v0 =	vand.u32 $0x7, v2;
	v2 =	vor.u32 $0x8, v2;
	v1 =	vmul.u32 $0x8, v1;
	s25 =	simm.s32 $0x2;
	s26 =	simm.s32 $0x3;
	s0 =	smax.u32 s0, $0x1  }
.LBB2_1:
0x31: {  	s17 =	sld [smem:$0x7FD]  }
0x32: {  	[smem:$0x7F7] =	sst s0  }
0x33: {  	s16 =	rddreg [dreg:$0x4];
	s22 =	simm.s32 $0x200;
	s28 =	simm.s32 $0xF  }
0x34: {  	[tilespmem:s3], [sflag:$0xF] =	stream.strided.gather [hbm4b:s16+s17], $0x200, s22, s17, $0x38;
	[tilespmem:$0x1C200] =	vst v63  }
0x35: {  	_ =	swait.ge [sflag:s28], $0x200  }
0x36: {  	[sflag:s28] =	ssyncset.done $0x0  }
0x37: {  	[sflag:s28] =	ssyncadd.s32 $0xFFFFFE00  }
0x38: {  	v3 =	vld [tilespmem:$0x0];
	_ =	sdelay $0x4  }
0x39: {  	v4 =	vshll.u32 v3, $0x3  }
0x3a: {  	v3 =	vand.u32 $0x7, v3;
	v4 =	vand.u32 $0xFFFFFFC0, v4  }
0x3b: {  	v3 =	vor.u32 v3, v4  }
0x3c: {  	v4 =	vperm.xlane v3, v0;
	_ =	sdelay $0x1  }
0x3d: {  	v4 =	vadd.s32 v1, v4;
	_ =	sdelay $0x3  }
0x3e: {  	s24 =	simm.s32 $0x200  }
0x3f: {  	[tilespmem:s24], [sflag:$0x1] =	stream.indirect_vreg.gather [hbm4b:s1+s3], $0x80, v4, vm0, $0xb8;
	[tilespmem:$0x1C200] =	vst v63  }
0x40: {  	s10 =	simm.s32 $0xA00;
	v3 =	vperm.xlane v3, v2  }
0x41: {  	[tilespmem:s10], [sflag:$0x1] =	stream.indirect_vreg.gather [hbm4b:s6+s3], $0x80, v4, vm0, $0xb8;
	[tilespmem:$0x1C200] =	vst v63  }
0x42: {  	s31 =	simm.s32 $0x1200;
	v3 =	vadd.s32 v1, v3  }
0x43: {  	[tilespmem:s31], [sflag:$0x1] =	stream.indirect_vreg.gather [hbm4b:s7+s3], $0x80, v4, vm0, $0xb8;
	[tilespmem:$0x1C200] =	vst v63  }
0x44: {  	s0 =	simm.s32 $0x1A00  }
0x45: {  	[tilespmem:s0], [sflag:$0x1] =	stream.indirect_vreg.gather [hbm4b:s8+s3], $0x80, v4, vm0, $0xb8;
	[tilespmem:$0x1C200] =	vst v63  }
0x46: {  	s2 =	simm.s32 $0x2200  }
0x47: {  	[tilespmem:s2], [sflag:$0x1] =	stream.indirect_vreg.gather [hbm4b:s1+s3], $0x80, v3, vm0, $0xb8;
	[tilespmem:$0x1C200] =	vst v63  }
0x48: {  	s4 =	simm.s32 $0x2A00  }
0x49: {  	[tilespmem:s4], [sflag:$0x1] =	stream.indirect_vreg.gather [hbm4b:s6+s3], $0x80, v3, vm0, $0xb8;
	[tilespmem:$0x1C200] =	vst v63  }
0x4a: {  	s5 =	simm.s32 $0x3200  }
0x4b: {  	[tilespmem:s5], [sflag:$0x1] =	stream.indirect_vreg.gather [hbm4b:s7+s3], $0x80, v3, vm0, $0xb8;
	[tilespmem:$0x1C200] =	vst v63  }
0x4c: {  	s11 =	simm.s32 $0x3A00  }
0x4d: {  	[tilespmem:s11], [sflag:$0x1] =	stream.indirect_vreg.gather [hbm4b:s8+s3], $0x80, v3, vm0, $0xb8;
	[tilespmem:$0x1C200] =	vst v63  }
0x4e: {  	v3 =	vld [tilespmem:$0x10];
	_ =	sdelay $0x4  }
0x4f: {  	v33 =	vshll.u32 v3, $0x3  }
0x50: {  	v3 =	vand.u32 $0x7, v3;
	v4 =	vand.u32 $0xFFFFFFC0, v33  }
0x51: {  	v3 =	vor.u32 v3, v4  }
0x52: {  	v4 =	vperm.xlane v3, v0;
	_ =	sdelay $0x1  }
0x53: {  	v4 =	vadd.s32 v1, v4;
	_ =	sdelay $0x3  }
0x54: {  	s12 =	simm.s32 $0x4200  }
0x55: {  	[tilespmem:s12], [sflag:$0x2] =	stream.indirect_vreg.gather [hbm4b:s1+s3], $0x80, v4, vm0, $0xb8;
	[tilespmem:$0x1C200] =	vst v63  }
0x56: {  	v3 =	vperm.xlane v3, v2;
	s12 =	simm.s32 $0x4A00  }
0x57: {  	[tilespmem:s12], [sflag:$0x2] =	stream.indirect_vreg.gather [hbm4b:s6+s3], $0x80, v4, vm0, $0xb8;
	[tilespmem:$0x1C200] =	vst v63  }
0x58: {  	s13 =	simm.s32 $0x5200;
	v3 =	vadd.s32 v1, v3  }
0x59: {  	[tilespmem:s13], [sflag:$0x2] =	stream.indirect_vreg.gather [hbm4b:s7+s3], $0x80, v4, vm0, $0xb8;
	[tilespmem:$0x1C200] =	vst v63  }
0x5a: {  	s16 =	simm.s32 $0x5A00  }
0x5b: {  	[tilespmem:s16], [sflag:$0x2] =	stream.indirect_vreg.gather [hbm4b:s8+s3], $0x80, v4, vm0, $0xb8;
	[tilespmem:$0x1C200] =	vst v63  }
0x5c: {  	s18 =	simm.s32 $0x6200  }
0x5d: {  	[tilespmem:s18], [sflag:$0x2] =	stream.indirect_vreg.gather [hbm4b:s1+s3], $0x80, v3, vm0, $0xb8;
	[tilespmem:$0x1C200] =	vst v63  }
0x5e: {  	s20 =	simm.s32 $0x6A00  }
0x5f: {  	[tilespmem:s20], [sflag:$0x2] =	stream.indirect_vreg.gather [hbm4b:s6+s3], $0x80, v3, vm0, $0xb8;
	[tilespmem:$0x1C200] =	vst v63  }
0x60: {  	s21 =	simm.s32 $0x7200  }
0x61: {  	[tilespmem:s21], [sflag:$0x2] =	stream.indirect_vreg.gather [hbm4b:s7+s3], $0x80, v3, vm0, $0xb8;
	[tilespmem:$0x1C200] =	vst v63  }
0x62: {  	s22 =	simm.s32 $0x7A00  }
0x63: {  	[tilespmem:s22], [sflag:$0x2] =	stream.indirect_vreg.gather [hbm4b:s8+s3], $0x80, v3, vm0, $0xb8;
	[tilespmem:$0x1C200] =	vst v63  }
0x64: {  	v3 =	vld [tilespmem:$0x20];
	_ =	sdelay $0x4  }
0x65: {  	v34 =	vshll.u32 v3, $0x3  }
0x66: {  	v3 =	vand.u32 $0x7, v3;
	v4 =	vand.u32 $0xFFFFFFC0, v34  }
0x67: {  	v3 =	vor.u32 v3, v4  }
0x68: {  	v4 =	vperm.xlane v3, v0;
	_ =	sdelay $0x1  }
0x69: {  	v4 =	vadd.s32 v1, v4;
	_ =	sdelay $0x3  }
0x6a: {  	s31 =	simm.s32 $0x8200  }
0x6b: {  	[tilespmem:s31], [sflag:$0x3] =	stream.indirect_vreg.gather [hbm4b:s1+s3], $0x80, v4, vm0, $0xb8;
	[tilespmem:$0x1C200] =	vst v63  }
0x6c: {  	s2 =	simm.s32 $0x8A00;
	v3 =	vperm.xlane v3, v2  }
0x6d: {  	[tilespmem:s2], [sflag:$0x3] =	stream.indirect_vreg.gather [hbm4b:s6+s3], $0x80, v4, vm0, $0xb8;
	[tilespmem:$0x1C200] =	vst v63  }
0x6e: {  	s4 =	simm.s32 $0x9200;
	v3 =	vadd.s32 v1, v3  }
0x6f: {  	[tilespmem:s4], [sflag:$0x3] =	stream.indirect_vreg.gather [hbm4b:s7+s3], $0x80, v4, vm0, $0xb8;
	[tilespmem:$0x1C200] =	vst v63  }
0x70: {  	s10 =	simm.s32 $0x9A00  }
0x71: {  	[tilespmem:s10], [sflag:$0x3] =	stream.indirect_vreg.gather [hbm4b:s8+s3], $0x80, v4, vm0, $0xb8;
	[tilespmem:$0x1C200] =	vst v63  }
0x72: {  	s12 =	simm.s32 $0xA200  }
0x73: {  	[tilespmem:s12], [sflag:$0x3] =	stream.indirect_vreg.gather [hbm4b:s1+s3], $0x80, v3, vm0, $0xb8;
	[tilespmem:$0x1C200] =	vst v63  }
0x74: {  	s13 =	simm.s32 $0xAA00  }
0x75: {  	[tilespmem:s13], [sflag:$0x3] =	stream.indirect_vreg.gather [hbm4b:s6+s3], $0x80, v3, vm0, $0xb8;
	[tilespmem:$0x1C200] =	vst v63  }
0x76: {  	s18 =	simm.s32 $0xB200  }
0x77: {  	[tilespmem:s18], [sflag:$0x3] =	stream.indirect_vreg.gather [hbm4b:s7+s3], $0x80, v3, vm0, $0xb8;
	[tilespmem:$0x1C200] =	vst v63  }
0x78: {  	s20 =	simm.s32 $0xBA00  }
0x79: {  	[tilespmem:s20], [sflag:$0x3] =	stream.indirect_vreg.gather [hbm4b:s8+s3], $0x80, v3, vm0, $0xb8;
	[tilespmem:$0x1C200] =	vst v63  }
0x7a: {  	v3 =	vld [tilespmem:$0x30];
	_ =	sdelay $0x4  }
0x7b: {  	v35 =	vshll.u32 v3, $0x3  }
0x7c: {  	v3 =	vand.u32 $0x7, v3;
	v4 =	vand.u32 $0xFFFFFFC0, v35  }
0x7d: {  	v3 =	vor.u32 v3, v4  }
0x7e: {  	v4 =	vperm.xlane v3, v0;
	_ =	sdelay $0x1  }
0x7f: {  	v4 =	vadd.s32 v1, v4;
	_ =	sdelay $0x3  }
0x80: {  	s21 =	simm.s32 $0xC200  }
0x81: {  	[tilespmem:s21], [sflag:$0x4] =	stream.indirect_vreg.gather [hbm4b:s1+s3], $0x80, v4, vm0, $0xb8;
	[tilespmem:$0x1C200] =	vst v63  }
0x82: {  	s22 =	simm.s32 $0xCA00;
	v3 =	vperm.xlane v3, v2  }
0x83: {  	[tilespmem:s22], [sflag:$0x4] =	stream.indirect_vreg.gather [hbm4b:s6+s3], $0x80, v4, vm0, $0xb8;
	[tilespmem:$0x1C200] =	vst v63  }
0x84: {  	s31 =	simm.s32 $0xD200;
	v3 =	vadd.s32 v1, v3  }
0x85: {  	[tilespmem:s31], [sflag:$0x4] =	stream.indirect_vreg.gather [hbm4b:s7+s3], $0x80, v4, vm0, $0xb8;
	[tilespmem:$0x1C200] =	vst v63  }
0x86: {  	s0 =	simm.s32 $0xDA00  }
0x87: {  	[tilespmem:s0], [sflag:$0x4] =	stream.indirect_vreg.gather [hbm4b:s8+s3], $0x80, v4, vm0, $0xb8;
	[tilespmem:$0x1C200] =	vst v63  }
0x88: {  	s4 =	simm.s32 $0xE200  }
0x89: {  	[tilespmem:s4], [sflag:$0x4] =	stream.indirect_vreg.gather [hbm4b:s1+s3], $0x80, v3, vm0, $0xb8;
	[tilespmem:$0x1C200] =	vst v63  }
0x8a: {  	s10 =	simm.s32 $0xEA00  }
0x8b: {  	[tilespmem:s10], [sflag:$0x4] =	stream.indirect_vreg.gather [hbm4b:s6+s3], $0x80, v3, vm0, $0xb8;
	[tilespmem:$0x1C200] =	vst v63  }
0x8c: {  	s12 =	simm.s32 $0xF200  }
0x8d: {  	[tilespmem:s12], [sflag:$0x4] =	stream.indirect_vreg.gather [hbm4b:s7+s3], $0x80, v3, vm0, $0xb8;
	[tilespmem:$0x1C200] =	vst v63  }
0x8e: {  	s13 =	simm.s32 $0xFA00  }
0x8f: {  	[tilespmem:s13], [sflag:$0x4] =	stream.indirect_vreg.gather [hbm4b:s8+s3], $0x80, v3, vm0, $0xb8;
	[tilespmem:$0x1C200] =	vst v63  }
0x90: {  	v3 =	vld [tilespmem:$0x40];
	_ =	sdelay $0x4  }
0x91: {  	v36 =	vshll.u32 v3, $0x3  }
0x92: {  	v3 =	vand.u32 $0x7, v3;
	v4 =	vand.u32 $0xFFFFFFC0, v36  }
0x93: {  	v3 =	vor.u32 v3, v4  }
0x94: {  	v4 =	vperm.xlane v3, v0;
	_ =	sdelay $0x1  }
0x95: {  	v4 =	vadd.s32 v1, v4;
	_ =	sdelay $0x3  }
0x96: {  	s21 =	simm.s32 $0x10200  }
0x97: {  	[tilespmem:s21], [sflag:$0x5] =	stream.indirect_vreg.gather [hbm4b:s1+s3], $0x80, v4, vm0, $0xb8;
	[tilespmem:$0x1C200] =	vst v63  }
0x98: {  	s22 =	simm.s32 $0x10A00;
	v3 =	vperm.xlane v3, v2  }
0x99: {  	[tilespmem:s22], [sflag:$0x5] =	stream.indirect_vreg.gather [hbm4b:s6+s3], $0x80, v4, vm0, $0xb8;
	[tilespmem:$0x1C200] =	vst v63  }
0x9a: {  	s31 =	simm.s32 $0x11200;
	v3 =	vadd.s32 v1, v3  }
0x9b: {  	[tilespmem:s31], [sflag:$0x5] =	stream.indirect_vreg.gather [hbm4b:s7+s3], $0x80, v4, vm0, $0xb8;
	[tilespmem:$0x1C200] =	vst v63  }
0x9c: {  	s4 =	simm.s32 $0x11A00  }
0x9d: {  	[tilespmem:s4], [sflag:$0x5] =	stream.indirect_vreg.gather [hbm4b:s8+s3], $0x80, v4, vm0, $0xb8;
	[tilespmem:$0x1C200] =	vst v63  }
0x9e: {  	s10 =	simm.s32 $0x12200  }
0x9f: {  	[tilespmem:s10], [sflag:$0x5] =	stream.indirect_vreg.gather [hbm4b:s1+s3], $0x80, v3, vm0, $0xb8;
	[tilespmem:$0x1C200] =	vst v63  }
0xa0: {  	s12 =	simm.s32 $0x12A00  }
0xa1: {  	[tilespmem:s12], [sflag:$0x5] =	stream.indirect_vreg.gather [hbm4b:s6+s3], $0x80, v3, vm0, $0xb8;
	[tilespmem:$0x1C200] =	vst v63  }
0xa2: {  	s13 =	simm.s32 $0x13200  }
0xa3: {  	[tilespmem:s13], [sflag:$0x5] =	stream.indirect_vreg.gather [hbm4b:s7+s3], $0x80, v3, vm0, $0xb8;
	[tilespmem:$0x1C200] =	vst v63  }
0xa4: {  	s16 =	simm.s32 $0x13A00  }
0xa5: {  	[tilespmem:s16], [sflag:$0x5] =	stream.indirect_vreg.gather [hbm4b:s8+s3], $0x80, v3, vm0, $0xb8;
	[tilespmem:$0x1C200] =	vst v63  }
0xa6: {  	_ =	swait.ge [sflag:s23], $0x4000  }
0xa7: {  	s21 =	sld [smem:$0x7FB]  }
0xa8: {  	[sflag:s23] =	ssyncset.done $0x0  }
0xa9: {  	s12 =	simm.s32 $0x200;
	[sflag:s23] =	ssyncadd.s32 $0xFFFFC000  }
0xaa: {  	[hbm4b:s21+s3] =	stream.linear.scatter [tilespmem:s12], [sflag:$0x8], $0x4000, $0x38;
	[tilespmem:$0x1C200] =	vst v63  }
0xab: {  	v3 =	vld [tilespmem:$0x50];
	_ =	sdelay $0x4  }
0xac: {  	v37 =	vshll.u32 v3, $0x3  }
0xad: {  	v3 =	vand.u32 $0x7, v3;
	v4 =	vand.u32 $0xFFFFFFC0, v37  }
0xae: {  	v3 =	vor.u32 v3, v4  }
0xaf: {  	v4 =	vperm.xlane v3, v0;
	_ =	sdelay $0x1  }
0xb0: {  	v4 =	vadd.s32 v1, v4;
	_ =	sdelay $0x3  }
0xb1: {  	s22 =	simm.s32 $0x14200  }
0xb2: {  	[tilespmem:s22], [sflag:$0x6] =	stream.indirect_vreg.gather [hbm4b:s1+s3], $0x80, v4, vm0, $0xb8;
	[tilespmem:$0x1C200] =	vst v63  }
0xb3: {  	s31 =	simm.s32 $0x14A00;
	v3 =	vperm.xlane v3, v2  }
0xb4: {  	[tilespmem:s31], [sflag:$0x6] =	stream.indirect_vreg.gather [hbm4b:s6+s3], $0x80, v4, vm0, $0xb8;
	[tilespmem:$0x1C200] =	vst v63  }
0xb5: {  	s4 =	simm.s32 $0x15200;
	v3 =	vadd.s32 v1, v3  }
0xb6: {  	[tilespmem:s4], [sflag:$0x6] =	stream.indirect_vreg.gather [hbm4b:s7+s3], $0x80, v4, vm0, $0xb8;
	[tilespmem:$0x1C200] =	vst v63  }
0xb7: {  	s10 =	simm.s32 $0x15A00  }
0xb8: {  	[tilespmem:s10], [sflag:$0x6] =	stream.indirect_vreg.gather [hbm4b:s8+s3], $0x80, v4, vm0, $0xb8;
	[tilespmem:$0x1C200] =	vst v63  }
0xb9: {  	s16 =	simm.s32 $0x16200  }
0xba: {  	[tilespmem:s16], [sflag:$0x6] =	stream.indirect_vreg.gather [hbm4b:s1+s3], $0x80, v3, vm0, $0xb8;
	[tilespmem:$0x1C200] =	vst v63  }
0xbb: {  	s21 =	simm.s32 $0x16A00  }
0xbc: {  	[tilespmem:s21], [sflag:$0x6] =	stream.indirect_vreg.gather [hbm4b:s6+s3], $0x80, v3, vm0, $0xb8;
	[tilespmem:$0x1C200] =	vst v63  }
0xbd: {  	s22 =	simm.s32 $0x17200  }
0xbe: {  	[tilespmem:s22], [sflag:$0x6] =	stream.indirect_vreg.gather [hbm4b:s7+s3], $0x80, v3, vm0, $0xb8;
	[tilespmem:$0x1C200] =	vst v63  }
0xbf: {  	s31 =	simm.s32 $0x17A00  }
0xc0: {  	[tilespmem:s31], [sflag:$0x6] =	stream.indirect_vreg.gather [hbm4b:s8+s3], $0x80, v3, vm0, $0xb8;
	[tilespmem:$0x1C200] =	vst v63  }
0xc1: {  	_ =	swait.ge [sflag:s25], $0x4000  }
0xc2: {  	[sflag:s25] =	ssyncset.done $0x0  }
0xc3: {  	s4 =	simm.s32 $0x4200;
	s0 =	rddreg [dreg:$0x5];
	[sflag:s25] =	ssyncadd.s32 $0xFFFFC000  }
0xc4: {  	[hbm4b:s0+s3] =	stream.linear.scatter [tilespmem:s4], [sflag:$0x9], $0x4000, $0x38;
	[tilespmem:$0x1C200] =	vst v63  }
0xc5: {  	v3 =	vld [tilespmem:$0x60];
	_ =	sdelay $0x4  }
0xc6: {  	v38 =	vshll.u32 v3, $0x3  }
0xc7: {  	v3 =	vand.u32 $0x7, v3;
	v4 =	vand.u32 $0xFFFFFFC0, v38  }
0xc8: {  	v3 =	vor.u32 v3, v4  }
0xc9: {  	v4 =	vperm.xlane v3, v0;
	_ =	sdelay $0x1  }
0xca: {  	v4 =	vadd.s32 v1, v4;
	_ =	sdelay $0x3  }
0xcb: {  	s10 =	simm.s32 $0x18200  }
0xcc: {  	[tilespmem:s10], [sflag:$0x7] =	stream.indirect_vreg.gather [hbm4b:s1+s3], $0x80, v4, vm0, $0xb8;
	[tilespmem:$0x1C200] =	vst v63  }
0xcd: {  	s21 =	simm.s32 $0x18A00;
	v3 =	vperm.xlane v3, v2  }
0xce: {  	[tilespmem:s21], [sflag:$0x7] =	stream.indirect_vreg.gather [hbm4b:s6+s3], $0x80, v4, vm0, $0xb8;
	[tilespmem:$0x1C200] =	vst v63  }
0xcf: {  	s31 =	simm.s32 $0x19200;
	v3 =	vadd.s32 v1, v3  }
0xd0: {  	[tilespmem:s31], [sflag:$0x7] =	stream.indirect_vreg.gather [hbm4b:s7+s3], $0x80, v4, vm0, $0xb8;
	[tilespmem:$0x1C200] =	vst v63  }
0xd1: {  	s10 =	simm.s32 $0x19A00  }
0xd2: {  	[tilespmem:s10], [sflag:$0x7] =	stream.indirect_vreg.gather [hbm4b:s8+s3], $0x80, v4, vm0, $0xb8;
	[tilespmem:$0x1C200] =	vst v63  }
0xd3: {  	s16 =	simm.s32 $0x1A200  }
0xd4: {  	[tilespmem:s16], [sflag:$0x7] =	stream.indirect_vreg.gather [hbm4b:s1+s3], $0x80, v3, vm0, $0xb8;
	[tilespmem:$0x1C200] =	vst v63  }
0xd5: {  	s21 =	simm.s32 $0x1AA00  }
0xd6: {  	[tilespmem:s21], [sflag:$0x7] =	stream.indirect_vreg.gather [hbm4b:s6+s3], $0x80, v3, vm0, $0xb8;
	[tilespmem:$0x1C200] =	vst v63  }
0xd7: {  	s10 =	simm.s32 $0x1B200  }
0xd8: {  	[tilespmem:s10], [sflag:$0x7] =	stream.indirect_vreg.gather [hbm4b:s7+s3], $0x80, v3, vm0, $0xb8;
	[tilespmem:$0x1C200] =	vst v63  }
0xd9: {  	s16 =	simm.s32 $0x1BA00  }
0xda: {  	[tilespmem:s16], [sflag:$0x7] =	stream.indirect_vreg.gather [hbm4b:s8+s3], $0x80, v3, vm0, $0xb8;
	[tilespmem:$0x1C200] =	vst v63  }
0xdb: {  	_ =	swait.ge [sflag:s26], $0x4000  }
0xdc: {  	[sflag:s26] =	ssyncset.done $0x0  }
0xdd: {  	s10 =	simm.s32 $0x8200;
	s21 =	rddreg [dreg:$0x6];
	[sflag:s26] =	ssyncadd.s32 $0xFFFFC000  }
0xde: {  	[hbm4b:s21+s3] =	stream.linear.scatter [tilespmem:s10], [sflag:$0xA], $0x4000, $0x38;
	[tilespmem:$0x1C200] =	vst v63  }
0xdf: {  	_ =	swait.ge [sflag:s29], $0x4000  }
0xe0: {  	[sflag:s29] =	ssyncset.done $0x0  }
0xe1: {  	[sflag:s29] =	ssyncadd.s32 $0xFFFFC000  }
0xe2: {  	v3 =	vld [tilespmem:$0x70];
	_ =	sdelay $0x4  }
0xe3: {  	v39 =	vshll.u32 v3, $0x3  }
0xe4: {  	v3 =	vand.u32 $0x7, v3;
	v4 =	vand.u32 $0xFFFFFFC0, v39  }
0xe5: {  	v3 =	vor.u32 v3, v4  }
0xe6: {  	v4 =	vperm.xlane v3, v0;
	_ =	sdelay $0x1  }
0xe7: {  	v4 =	vadd.s32 v1, v4;
	_ =	sdelay $0x4  }
0xe8: {  	[tilespmem:s12], [sflag:$0x1] =	stream.indirect_vreg.gather [hbm4b:s1+s3], $0x80, v4, vm0, $0xb8;
	[tilespmem:$0x1C200] =	vst v63  }
0xe9: {  	s9 =	simm.s32 $0xA00;
	v3 =	vperm.xlane v3, v2  }
0xea: {  	[tilespmem:s9], [sflag:$0x1] =	stream.indirect_vreg.gather [hbm4b:s6+s3], $0x80, v4, vm0, $0xb8;
	[tilespmem:$0x1C200] =	vst v63  }
0xeb: {  	s19 =	simm.s32 $0x1200;
	v3 =	vadd.s32 v1, v3  }
0xec: {  	[tilespmem:s19], [sflag:$0x1] =	stream.indirect_vreg.gather [hbm4b:s7+s3], $0x80, v4, vm0, $0xb8;
	[tilespmem:$0x1C200] =	vst v63  }
0xed: {  	s15 =	simm.s32 $0x1A00  }
0xee: {  	[tilespmem:s15], [sflag:$0x1] =	stream.indirect_vreg.gather [hbm4b:s8+s3], $0x80, v4, vm0, $0xb8;
	[tilespmem:$0x1C200] =	vst v63  }
0xef: {  	s17 =	simm.s32 $0x2200  }
0xf0: {  	[tilespmem:s17], [sflag:$0x1] =	stream.indirect_vreg.gather [hbm4b:s1+s3], $0x80, v3, vm0, $0xb8;
	[tilespmem:$0x1C200] =	vst v63  }
0xf1: {  	s24 =	simm.s32 $0x2A00  }
0xf2: {  	[tilespmem:s24], [sflag:$0x1] =	stream.indirect_vreg.gather [hbm4b:s6+s3], $0x80, v3, vm0, $0xb8;
	[tilespmem:$0x1C200] =	vst v63  }
0xf3: {  	s28 =	simm.s32 $0x3200  }
0xf4: {  	[tilespmem:s28], [sflag:$0x1] =	stream.indirect_vreg.gather [hbm4b:s7+s3], $0x80, v3, vm0, $0xb8;
	[tilespmem:$0x1C200] =	vst v63  }
0xf5: {  	s14 =	simm.s32 $0x3A00  }
0xf6: {  	[tilespmem:s14], [sflag:$0x1] =	stream.indirect_vreg.gather [hbm4b:s8+s3], $0x80, v3, vm0, $0xb8;
	[tilespmem:$0x1C200] =	vst v63  }
0xf7: {  	_ =	swait.ge [sflag:s30], $0x4000  }
0xf8: {  	s12 =	simm.s32 $0xC200;
	[sflag:s30] =	ssyncset.done $0x0  }
0xf9: {  	s9 =	simm.s32 $0x9;
	s0 =	rddreg [dreg:$0x7];
	[sflag:s30] =	ssyncadd.s32 $0xFFFFC000  }
0xfa: {  	[hbm4b:s0+s3] =	stream.linear.scatter [tilespmem:s12], [sflag:$0xB], $0x4000, $0x38;
	[tilespmem:$0x1C200] =	vst v63  }
0xfb: {  	_ =	swait.ge [sflag:s9], $0x4000  }
0xfc: {  	[sflag:s9] =	ssyncset.done $0x0  }
0xfd: {  	[sflag:s9] =	ssyncadd.s32 $0xFFFFC000  }
0xfe: {  	v3 =	vld [tilespmem:$0x80];
	_ =	sdelay $0x4  }
0xff: {  	v40 =	vshll.u32 v3, $0x3  }
0x100: {  	v3 =	vand.u32 $0x7, v3;
	v4 =	vand.u32 $0xFFFFFFC0, v40  }
0x101: {  	v3 =	vor.u32 v3, v4  }
0x102: {  	v4 =	vperm.xlane v3, v0;
	_ =	sdelay $0x1  }
0x103: {  	v4 =	vadd.s32 v1, v4;
	_ =	sdelay $0x4  }
0x104: {  	[tilespmem:s4], [sflag:$0x2] =	stream.indirect_vreg.gather [hbm4b:s1+s3], $0x80, v4, vm0, $0xb8;
	[tilespmem:$0x1C200] =	vst v63  }
0x105: {  	s5 =	simm.s32 $0x4A00;
	v3 =	vperm.xlane v3, v2  }
0x106: {  	[tilespmem:s5], [sflag:$0x2] =	stream.indirect_vreg.gather [hbm4b:s6+s3], $0x80, v4, vm0, $0xb8;
	[tilespmem:$0x1C200] =	vst v63  }
0x107: {  	s19 =	simm.s32 $0x5200;
	v3 =	vadd.s32 v1, v3  }
0x108: {  	[tilespmem:s19], [sflag:$0x2] =	stream.indirect_vreg.gather [hbm4b:s7+s3], $0x80, v4, vm0, $0xb8;
	[tilespmem:$0x1C200] =	vst v63  }
0x109: {  	s5 =	simm.s32 $0x5A00  }
0x10a: {  	[tilespmem:s5], [sflag:$0x2] =	stream.indirect_vreg.gather [hbm4b:s8+s3], $0x80, v4, vm0, $0xb8;
	[tilespmem:$0x1C200] =	vst v63  }
0x10b: {  	s5 =	simm.s32 $0x6200  }
0x10c: {  	[tilespmem:s5], [sflag:$0x2] =	stream.indirect_vreg.gather [hbm4b:s1+s3], $0x80, v3, vm0, $0xb8;
	[tilespmem:$0x1C200] =	vst v63  }
0x10d: {  	s14 =	simm.s32 $0x6A00  }
0x10e: {  	[tilespmem:s14], [sflag:$0x2] =	stream.indirect_vreg.gather [hbm4b:s6+s3], $0x80, v3, vm0, $0xb8;
	[tilespmem:$0x1C200] =	vst v63  }
0x10f: {  	s24 =	simm.s32 $0x7200  }
0x110: {  	[tilespmem:s24], [sflag:$0x2] =	stream.indirect_vreg.gather [hbm4b:s7+s3], $0x80, v3, vm0, $0xb8;
	[tilespmem:$0x1C200] =	vst v63  }
0x111: {  	s11 =	simm.s32 $0x7A00;
	s17 =	simm.s32 $0x5  }
0x112: {  	[tilespmem:s11], [sflag:$0x2] =	stream.indirect_vreg.gather [hbm4b:s8+s3], $0x80, v3, vm0, $0xb8;
	[tilespmem:$0x1C200] =	vst v63  }
0x113: {  	_ =	swait.ge [sflag:s17], $0x4000  }
0x114: {  	s28 =	simm.s32 $0x10200;
	[sflag:s17] =	ssyncset.done $0x0  }
0x115: {  	s11 =	simm.s32 $0xA;
	s15 =	rddreg [dreg:$0x8];
	[sflag:s17] =	ssyncadd.s32 $0xFFFFC000  }
0x116: {  	[hbm4b:s15+s3] =	stream.linear.scatter [tilespmem:s28], [sflag:$0xC], $0x4000, $0x38;
	[tilespmem:$0x1C200] =	vst v63  }
0x117: {  	_ =	swait.ge [sflag:s11], $0x4000  }
0x118: {  	[sflag:s11] =	ssyncset.done $0x0  }
0x119: {  	[sflag:s11] =	ssyncadd.s32 $0xFFFFC000  }
0x11a: {  	v3 =	vld [tilespmem:$0x90];
	_ =	sdelay $0x4  }
0x11b: {  	v41 =	vshll.u32 v3, $0x3  }
0x11c: {  	v3 =	vand.u32 $0x7, v3;
	v4 =	vand.u32 $0xFFFFFFC0, v41  }
0x11d: {  	v3 =	vor.u32 v3, v4  }
0x11e: {  	v4 =	vperm.xlane v3, v0;
	_ =	sdelay $0x1  }
0x11f: {  	v4 =	vadd.s32 v1, v4;
	_ =	sdelay $0x4  }
0x120: {  	[tilespmem:s10], [sflag:$0x3] =	stream.indirect_vreg.gather [hbm4b:s1+s3], $0x80, v4, vm0, $0xb8;
	[tilespmem:$0x1C200] =	vst v63  }
0x121: {  	s16 =	simm.s32 $0x8A00;
	v3 =	vperm.xlane v3, v2  }
0x122: {  	[tilespmem:s16], [sflag:$0x3] =	stream.indirect_vreg.gather [hbm4b:s6+s3], $0x80, v4, vm0, $0xb8;
	[tilespmem:$0x1C200] =	vst v63  }
0x123: {  	s2 =	simm.s32 $0x9200;
	v3 =	vadd.s32 v1, v3  }
0x124: {  	[tilespmem:s2], [sflag:$0x3] =	stream.indirect_vreg.gather [hbm4b:s7+s3], $0x80, v4, vm0, $0xb8;
	[tilespmem:$0x1C200] =	vst v63  }
0x125: {  	s2 =	simm.s32 $0x9A00  }
0x126: {  	[tilespmem:s2], [sflag:$0x3] =	stream.indirect_vreg.gather [hbm4b:s8+s3], $0x80, v4, vm0, $0xb8;
	[tilespmem:$0x1C200] =	vst v63  }
0x127: {  	s10 =	simm.s32 $0xA200  }
0x128: {  	[tilespmem:s10], [sflag:$0x3] =	stream.indirect_vreg.gather [hbm4b:s1+s3], $0x80, v3, vm0, $0xb8;
	[tilespmem:$0x1C200] =	vst v63  }
0x129: {  	s14 =	simm.s32 $0xAA00  }
0x12a: {  	[tilespmem:s14], [sflag:$0x3] =	stream.indirect_vreg.gather [hbm4b:s6+s3], $0x80, v3, vm0, $0xb8;
	[tilespmem:$0x1C200] =	vst v63  }
0x12b: {  	s15 =	simm.s32 $0xB200  }
0x12c: {  	[tilespmem:s15], [sflag:$0x3] =	stream.indirect_vreg.gather [hbm4b:s7+s3], $0x80, v3, vm0, $0xb8;
	[tilespmem:$0x1C200] =	vst v63  }
0x12d: {  	s16 =	simm.s32 $0xBA00;
	s15 =	simm.s32 $0x6  }
0x12e: {  	[tilespmem:s16], [sflag:$0x3] =	stream.indirect_vreg.gather [hbm4b:s8+s3], $0x80, v3, vm0, $0xb8;
	[tilespmem:$0x1C200] =	vst v63  }
0x12f: {  	_ =	swait.ge [sflag:s15], $0x4000  }
0x130: {  	[sflag:s15] =	ssyncset.done $0x0  }
0x131: {  	s13 =	simm.s32 $0x14200;
	s2 =	rddreg [dreg:$0x9];
	[sflag:s15] =	ssyncadd.s32 $0xFFFFC000  }
0x132: {  	[hbm4b:s2+s3] =	stream.linear.scatter [tilespmem:s13], [sflag:$0xD], $0x4000, $0x38;
	[tilespmem:$0x1C200] =	vst v63  }
0x133: {  	s2 =	simm.s32 $0xB  }
0x134: {  	_ =	swait.ge [sflag:s2], $0x4000  }
0x135: {  	[sflag:s2] =	ssyncset.done $0x0  }
0x136: {  	[sflag:s2] =	ssyncadd.s32 $0xFFFFC000  }
0x137: {  	v3 =	vld [tilespmem:$0xA0];
	_ =	sdelay $0x4  }
0x138: {  	v42 =	vshll.u32 v3, $0x3  }
0x139: {  	v3 =	vand.u32 $0x7, v3;
	v4 =	vand.u32 $0xFFFFFFC0, v42  }
0x13a: {  	v3 =	vor.u32 v3, v4  }
0x13b: {  	v4 =	vperm.xlane v3, v0;
	_ =	sdelay $0x1  }
0x13c: {  	v4 =	vadd.s32 v1, v4;
	_ =	sdelay $0x4  }
0x13d: {  	[tilespmem:s12], [sflag:$0x4] =	stream.indirect_vreg.gather [hbm4b:s1+s3], $0x80, v4, vm0, $0xb8;
	[tilespmem:$0x1C200] =	vst v63  }
0x13e: {  	s10 =	simm.s32 $0xCA00;
	v3 =	vperm.xlane v3, v2  }
0x13f: {  	[tilespmem:s10], [sflag:$0x4] =	stream.indirect_vreg.gather [hbm4b:s6+s3], $0x80, v4, vm0, $0xb8;
	[tilespmem:$0x1C200] =	vst v63  }
0x140: {  	s18 =	simm.s32 $0xD200;
	v3 =	vadd.s32 v1, v3  }
0x141: {  	[tilespmem:s18], [sflag:$0x4] =	stream.indirect_vreg.gather [hbm4b:s7+s3], $0x80, v4, vm0, $0xb8;
	[tilespmem:$0x1C200] =	vst v63  }
0x142: {  	s20 =	simm.s32 $0xDA00  }
0x143: {  	[tilespmem:s20], [sflag:$0x4] =	stream.indirect_vreg.gather [hbm4b:s8+s3], $0x80, v4, vm0, $0xb8;
	[tilespmem:$0x1C200] =	vst v63  }
0x144: {  	s12 =	simm.s32 $0xE200  }
0x145: {  	[tilespmem:s12], [sflag:$0x4] =	stream.indirect_vreg.gather [hbm4b:s1+s3], $0x80, v3, vm0, $0xb8;
	[tilespmem:$0x1C200] =	vst v63  }
0x146: {  	s13 =	simm.s32 $0xEA00  }
0x147: {  	[tilespmem:s13], [sflag:$0x4] =	stream.indirect_vreg.gather [hbm4b:s6+s3], $0x80, v3, vm0, $0xb8;
	[tilespmem:$0x1C200] =	vst v63  }
0x148: {  	s16 =	simm.s32 $0xF200  }
0x149: {  	[tilespmem:s16], [sflag:$0x4] =	stream.indirect_vreg.gather [hbm4b:s7+s3], $0x80, v3, vm0, $0xb8;
	[tilespmem:$0x1C200] =	vst v63  }
0x14a: {  	s18 =	simm.s32 $0xFA00;
	s13 =	simm.s32 $0x7  }
0x14b: {  	[tilespmem:s18], [sflag:$0x4] =	stream.indirect_vreg.gather [hbm4b:s8+s3], $0x80, v3, vm0, $0xb8;
	[tilespmem:$0x1C200] =	vst v63  }
0x14c: {  	_ =	swait.ge [sflag:s13], $0x4000  }
0x14d: {  	[sflag:s13] =	ssyncset.done $0x0  }
0x14e: {  	s22 =	simm.s32 $0x18200;
	s20 =	rddreg [dreg:$0xa];
	[sflag:s13] =	ssyncadd.s32 $0xFFFFC000  }
0x14f: {  	[hbm4b:s20+s3] =	stream.linear.scatter [tilespmem:s22], [sflag:$0xE], $0x4000, $0x38;
	[tilespmem:$0x1C200] =	vst v63  }
0x150: {  	s22 =	simm.s32 $0xC  }
0x151: {  	_ =	swait.ge [sflag:s22], $0x4000  }
0x152: {  	[sflag:s22] =	ssyncset.done $0x0  }
0x153: {  	[sflag:s22] =	ssyncadd.s32 $0xFFFFC000  }
0x154: {  	v3 =	vld [tilespmem:$0xB0];
	_ =	sdelay $0x4  }
0x155: {  	v43 =	vshll.u32 v3, $0x3  }
0x156: {  	v3 =	vand.u32 $0x7, v3;
	v4 =	vand.u32 $0xFFFFFFC0, v43  }
0x157: {  	v3 =	vor.u32 v3, v4  }
0x158: {  	v4 =	vperm.xlane v3, v0;
	_ =	sdelay $0x1  }
0x159: {  	v4 =	vadd.s32 v1, v4;
	_ =	sdelay $0x4  }
0x15a: {  	[tilespmem:s28], [sflag:$0x5] =	stream.indirect_vreg.gather [hbm4b:s1+s3], $0x80, v4, vm0, $0xb8;
	[tilespmem:$0x1C200] =	vst v63  }
0x15b: {  	v3 =	vperm.xlane v3, v2;
	s28 =	simm.s32 $0x10A00  }
0x15c: {  	[tilespmem:s28], [sflag:$0x5] =	stream.indirect_vreg.gather [hbm4b:s6+s3], $0x80, v4, vm0, $0xb8;
	[tilespmem:$0x1C200] =	vst v63  }
0x15d: {  	s0 =	simm.s32 $0x11200;
	v3 =	vadd.s32 v1, v3  }
0x15e: {  	[tilespmem:s0], [sflag:$0x5] =	stream.indirect_vreg.gather [hbm4b:s7+s3], $0x80, v4, vm0, $0xb8;
	[tilespmem:$0x1C200] =	vst v63  }
0x15f: {  	s16 =	simm.s32 $0x11A00  }
0x160: {  	[tilespmem:s16], [sflag:$0x5] =	stream.indirect_vreg.gather [hbm4b:s8+s3], $0x80, v4, vm0, $0xb8;
	[tilespmem:$0x1C200] =	vst v63  }
0x161: {  	s18 =	simm.s32 $0x12200  }
0x162: {  	[tilespmem:s18], [sflag:$0x5] =	stream.indirect_vreg.gather [hbm4b:s1+s3], $0x80, v3, vm0, $0xb8;
	[tilespmem:$0x1C200] =	vst v63  }
0x163: {  	s20 =	simm.s32 $0x12A00  }
0x164: {  	[tilespmem:s20], [sflag:$0x5] =	stream.indirect_vreg.gather [hbm4b:s6+s3], $0x80, v3, vm0, $0xb8;
	[tilespmem:$0x1C200] =	vst v63  }
0x165: {  	s28 =	simm.s32 $0x13200  }
0x166: {  	[tilespmem:s28], [sflag:$0x5] =	stream.indirect_vreg.gather [hbm4b:s7+s3], $0x80, v3, vm0, $0xb8;
	[tilespmem:$0x1C200] =	vst v63  }
0x167: {  	s0 =	simm.s32 $0x13A00  }
0x168: {  	[tilespmem:s0], [sflag:$0x5] =	stream.indirect_vreg.gather [hbm4b:s8+s3], $0x80, v3, vm0, $0xb8;
	[tilespmem:$0x1C200] =	vst v63  }
0x169: {  	_ =	swait.ge [sflag:s23], $0x4000  }
0x16a: {  	s21 =	simm.s32 $0x200;
	[sflag:s23] =	ssyncset.done $0x0  }
0x16b: {  	s18 =	simm.s32 $0xD;
	s12 =	rddreg [dreg:$0xb];
	[sflag:s23] =	ssyncadd.s32 $0xFFFFC000  }
0x16c: {  	[hbm4b:s12+s3] =	stream.linear.scatter [tilespmem:s21], [sflag:$0x8], $0x4000, $0x38;
	[tilespmem:$0x1C200] =	vst v63  }
0x16d: {  	_ =	swait.ge [sflag:s18], $0x4000  }
0x16e: {  	[sflag:s18] =	ssyncset.done $0x0  }
0x16f: {  	[sflag:s18] =	ssyncadd.s32 $0xFFFFC000  }
0x170: {  	v3 =	vld [tilespmem:$0xC0];
	_ =	sdelay $0x4  }
0x171: {  	v44 =	vshll.u32 v3, $0x3  }
0x172: {  	v3 =	vand.u32 $0x7, v3;
	v4 =	vand.u32 $0xFFFFFFC0, v44  }
0x173: {  	v3 =	vor.u32 v3, v4  }
0x174: {  	v4 =	vperm.xlane v3, v0;
	_ =	sdelay $0x1  }
0x175: {  	v4 =	vadd.s32 v1, v4;
	_ =	sdelay $0x3  }
0x176: {  	s14 =	simm.s32 $0x14200  }
0x177: {  	[tilespmem:s14], [sflag:$0x6] =	stream.indirect_vreg.gather [hbm4b:s1+s3], $0x80, v4, vm0, $0xb8;
	[tilespmem:$0x1C200] =	vst v63  }
0x178: {  	v3 =	vperm.xlane v3, v2;
	s14 =	simm.s32 $0x14A00  }
0x179: {  	[tilespmem:s14], [sflag:$0x6] =	stream.indirect_vreg.gather [hbm4b:s6+s3], $0x80, v4, vm0, $0xb8;
	[tilespmem:$0x1C200] =	vst v63  }
0x17a: {  	s16 =	simm.s32 $0x15200;
	v3 =	vadd.s32 v1, v3  }
0x17b: {  	[tilespmem:s16], [sflag:$0x6] =	stream.indirect_vreg.gather [hbm4b:s7+s3], $0x80, v4, vm0, $0xb8;
	[tilespmem:$0x1C200] =	vst v63  }
0x17c: {  	s20 =	simm.s32 $0x15A00  }
0x17d: {  	[tilespmem:s20], [sflag:$0x6] =	stream.indirect_vreg.gather [hbm4b:s8+s3], $0x80, v4, vm0, $0xb8;
	[tilespmem:$0x1C200] =	vst v63  }
0x17e: {  	s28 =	simm.s32 $0x16200  }
0x17f: {  	[tilespmem:s28], [sflag:$0x6] =	stream.indirect_vreg.gather [hbm4b:s1+s3], $0x80, v3, vm0, $0xb8;
	[tilespmem:$0x1C200] =	vst v63  }
0x180: {  	s0 =	simm.s32 $0x16A00  }
0x181: {  	[tilespmem:s0], [sflag:$0x6] =	stream.indirect_vreg.gather [hbm4b:s6+s3], $0x80, v3, vm0, $0xb8;
	[tilespmem:$0x1C200] =	vst v63  }
0x182: {  	s14 =	simm.s32 $0x17200  }
0x183: {  	[tilespmem:s14], [sflag:$0x6] =	stream.indirect_vreg.gather [hbm4b:s7+s3], $0x80, v3, vm0, $0xb8;
	[tilespmem:$0x1C200] =	vst v63  }
0x184: {  	s16 =	simm.s32 $0x17A00  }
0x185: {  	[tilespmem:s16], [sflag:$0x6] =	stream.indirect_vreg.gather [hbm4b:s8+s3], $0x80, v3, vm0, $0xb8;
	[tilespmem:$0x1C200] =	vst v63  }
0x186: {  	_ =	swait.ge [sflag:s25], $0x4000  }
0x187: {  	[sflag:s25] =	ssyncset.done $0x0  }
0x188: {  	s4 =	simm.s32 $0x4200;
	s20 =	rddreg [dreg:$0xc];
	[sflag:s25] =	ssyncadd.s32 $0xFFFFC000  }
0x189: {  	[hbm4b:s20+s3] =	stream.linear.scatter [tilespmem:s4], [sflag:$0x9], $0x4000, $0x38;
	[tilespmem:$0x1C200] =	vst v63  }
0x18a: {  	s4 =	simm.s32 $0xE  }
0x18b: {  	_ =	swait.ge [sflag:s4], $0x4000  }
0x18c: {  	[sflag:s4] =	ssyncset.done $0x0  }
0x18d: {  	[sflag:s4] =	ssyncadd.s32 $0xFFFFC000  }
0x18e: {  	v3 =	vld [tilespmem:$0xD0];
	_ =	sdelay $0x4  }
0x18f: {  	v45 =	vshll.u32 v3, $0x3  }
0x190: {  	v3 =	vand.u32 $0x7, v3;
	v4 =	vand.u32 $0xFFFFFFC0, v45  }
0x191: {  	v3 =	vor.u32 v3, v4  }
0x192: {  	v4 =	vperm.xlane v3, v0;
	_ =	sdelay $0x1  }
0x193: {  	v4 =	vadd.s32 v1, v4;
	_ =	sdelay $0x3  }
0x194: {  	s10 =	simm.s32 $0x18200  }
0x195: {  	[tilespmem:s10], [sflag:$0x7] =	stream.indirect_vreg.gather [hbm4b:s1+s3], $0x80, v4, vm0, $0xb8;
	[tilespmem:$0x1C200] =	vst v63  }
0x196: {  	s28 =	simm.s32 $0x18A00;
	v3 =	vperm.xlane v3, v2  }
0x197: {  	[tilespmem:s28], [sflag:$0x7] =	stream.indirect_vreg.gather [hbm4b:s6+s3], $0x80, v4, vm0, $0xb8;
	[tilespmem:$0x1C200] =	vst v63  }
0x198: {  	v3 =	vadd.s32 v1, v3;
	s28 =	simm.s32 $0x19200  }
0x199: {  	[tilespmem:s28], [sflag:$0x7] =	stream.indirect_vreg.gather [hbm4b:s7+s3], $0x80, v4, vm0, $0xb8;
	[tilespmem:$0x1C200] =	vst v63  }
0x19a: {  	s0 =	simm.s32 $0x19A00  }
0x19b: {  	[tilespmem:s0], [sflag:$0x7] =	stream.indirect_vreg.gather [hbm4b:s8+s3], $0x80, v4, vm0, $0xb8;
	[tilespmem:$0x1C200] =	vst v63  }
0x19c: {  	s31 =	simm.s32 $0x1A200  }
0x19d: {  	[tilespmem:s31], [sflag:$0x7] =	stream.indirect_vreg.gather [hbm4b:s1+s3], $0x80, v3, vm0, $0xb8;
	[tilespmem:$0x1C200] =	vst v63  }
0x19e: {  	s10 =	simm.s32 $0x1AA00  }
0x19f: {  	[tilespmem:s10], [sflag:$0x7] =	stream.indirect_vreg.gather [hbm4b:s6+s3], $0x80, v3, vm0, $0xb8;
	[tilespmem:$0x1C200] =	vst v63  }
0x1a0: {  	s12 =	simm.s32 $0x1B200  }
0x1a1: {  	[tilespmem:s12], [sflag:$0x7] =	stream.indirect_vreg.gather [hbm4b:s7+s3], $0x80, v3, vm0, $0xb8;
	[tilespmem:$0x1C200] =	vst v63  }
0x1a2: {  	s16 =	simm.s32 $0x1BA00  }
0x1a3: {  	[tilespmem:s16], [sflag:$0x7] =	stream.indirect_vreg.gather [hbm4b:s8+s3], $0x80, v3, vm0, $0xb8;
	[tilespmem:$0x1C200] =	vst v63  }
0x1a4: {  	_ =	swait.ge [sflag:s26], $0x4000  }
0x1a5: {  	[sflag:s26] =	ssyncset.done $0x0  }
0x1a6: {  	s14 =	simm.s32 $0x8200;
	s31 =	rddreg [dreg:$0xd];
	[sflag:s26] =	ssyncadd.s32 $0xFFFFC000  }
0x1a7: {  	[hbm4b:s31+s3] =	stream.linear.scatter [tilespmem:s14], [sflag:$0xA], $0x4000, $0x38;
	[tilespmem:$0x1C200] =	vst v63  }
0x1a8: {  	_ =	swait.ge [sflag:s29], $0x4000  }
0x1a9: {  	[sflag:s29] =	ssyncset.done $0x0  }
0x1aa: {  	[sflag:s29] =	ssyncadd.s32 $0xFFFFC000  }
0x1ab: {  	v3 =	vld [tilespmem:$0xE0];
	_ =	sdelay $0x4  }
0x1ac: {  	v46 =	vshll.u32 v3, $0x3  }
0x1ad: {  	v3 =	vand.u32 $0x7, v3;
	v4 =	vand.u32 $0xFFFFFFC0, v46  }
0x1ae: {  	v3 =	vor.u32 v3, v4  }
0x1af: {  	v4 =	vperm.xlane v3, v0;
	_ =	sdelay $0x1  }
0x1b0: {  	v4 =	vadd.s32 v1, v4;
	_ =	sdelay $0x4  }
0x1b1: {  	[tilespmem:s21], [sflag:$0x1] =	stream.indirect_vreg.gather [hbm4b:s1+s3], $0x80, v4, vm0, $0xb8;
	[tilespmem:$0x1C200] =	vst v63  }
0x1b2: {  	s0 =	simm.s32 $0xA00;
	v3 =	vperm.xlane v3, v2  }
0x1b3: {  	[tilespmem:s0], [sflag:$0x1] =	stream.indirect_vreg.gather [hbm4b:s6+s3], $0x80, v4, vm0, $0xb8;
	[tilespmem:$0x1C200] =	vst v63  }
0x1b4: {  	s16 =	simm.s32 $0x1200;
	v3 =	vadd.s32 v1, v3  }
0x1b5: {  	[tilespmem:s16], [sflag:$0x1] =	stream.indirect_vreg.gather [hbm4b:s7+s3], $0x80, v4, vm0, $0xb8;
	[tilespmem:$0x1C200] =	vst v63  }
0x1b6: {  	s21 =	simm.s32 $0x1A00  }
0x1b7: {  	[tilespmem:s21], [sflag:$0x1] =	stream.indirect_vreg.gather [hbm4b:s8+s3], $0x80, v4, vm0, $0xb8;
	[tilespmem:$0x1C200] =	vst v63  }
0x1b8: {  	s31 =	simm.s32 $0x2200  }
0x1b9: {  	[tilespmem:s31], [sflag:$0x1] =	stream.indirect_vreg.gather [hbm4b:s1+s3], $0x80, v3, vm0, $0xb8;
	[tilespmem:$0x1C200] =	vst v63  }
0x1ba: {  	s0 =	simm.s32 $0x2A00  }
0x1bb: {  	[tilespmem:s0], [sflag:$0x1] =	stream.indirect_vreg.gather [hbm4b:s6+s3], $0x80, v3, vm0, $0xb8;
	[tilespmem:$0x1C200] =	vst v63  }
0x1bc: {  	s16 =	simm.s32 $0x3200  }
0x1bd: {  	[tilespmem:s16], [sflag:$0x1] =	stream.indirect_vreg.gather [hbm4b:s7+s3], $0x80, v3, vm0, $0xb8;
	[tilespmem:$0x1C200] =	vst v63  }
0x1be: {  	s21 =	simm.s32 $0x3A00  }
0x1bf: {  	[tilespmem:s21], [sflag:$0x1] =	stream.indirect_vreg.gather [hbm4b:s8+s3], $0x80, v3, vm0, $0xb8;
	[tilespmem:$0x1C200] =	vst v63  }
0x1c0: {  	_ =	swait.ge [sflag:s30], $0x4000  }
0x1c1: {  	[sflag:s30] =	ssyncset.done $0x0  }
0x1c2: {  	s0 =	simm.s32 $0xC200;
	s31 =	rddreg [dreg:$0xe];
	[sflag:s30] =	ssyncadd.s32 $0xFFFFC000  }
0x1c3: {  	[hbm4b:s31+s3] =	stream.linear.scatter [tilespmem:s0], [sflag:$0xB], $0x4000, $0x38;
	[tilespmem:$0x1C200] =	vst v63  }
0x1c4: {  	_ =	swait.ge [sflag:s9], $0x4000  }
0x1c5: {  	[sflag:s9] =	ssyncset.done $0x0  }
0x1c6: {  	[sflag:s9] =	ssyncadd.s32 $0xFFFFC000  }
0x1c7: {  	v3 =	vld [tilespmem:$0xF0];
	_ =	sdelay $0x4  }
0x1c8: {  	v47 =	vshll.u32 v3, $0x3  }
0x1c9: {  	v3 =	vand.u32 $0x7, v3;
	v4 =	vand.u32 $0xFFFFFFC0, v47  }
0x1ca: {  	v3 =	vor.u32 v3, v4  }
0x1cb: {  	v4 =	vperm.xlane v3, v0;
	_ =	sdelay $0x1  }
0x1cc: {  	v4 =	vadd.s32 v1, v4;
	_ =	sdelay $0x3  }
0x1cd: {  	s20 =	simm.s32 $0x4200  }
0x1ce: {  	[tilespmem:s20], [sflag:$0x2] =	stream.indirect_vreg.gather [hbm4b:s1+s3], $0x80, v4, vm0, $0xb8;
	[tilespmem:$0x1C200] =	vst v63  }
0x1cf: {  	s12 =	simm.s32 $0x4A00;
	v3 =	vperm.xlane v3, v2  }
0x1d0: {  	[tilespmem:s12], [sflag:$0x2] =	stream.indirect_vreg.gather [hbm4b:s6+s3], $0x80, v4, vm0, $0xb8;
	[tilespmem:$0x1C200] =	vst v63  }
0x1d1: {  	v3 =	vadd.s32 v1, v3  }
0x1d2: {  	[tilespmem:s19], [sflag:$0x2] =	stream.indirect_vreg.gather [hbm4b:s7+s3], $0x80, v4, vm0, $0xb8;
	[tilespmem:$0x1C200] =	vst v63  }
0x1d3: {  	s16 =	simm.s32 $0x5A00  }
0x1d4: {  	[tilespmem:s16], [sflag:$0x2] =	stream.indirect_vreg.gather [hbm4b:s8+s3], $0x80, v4, vm0, $0xb8;
	[tilespmem:$0x1C200] =	vst v63  }
0x1d5: {  	_ = 	snop  }
0x1d6: {  	[tilespmem:s5], [sflag:$0x2] =	stream.indirect_vreg.gather [hbm4b:s1+s3], $0x80, v3, vm0, $0xb8;
	[tilespmem:$0x1C200] =	vst v63  }
0x1d7: {  	s19 =	simm.s32 $0x6A00  }
0x1d8: {  	[tilespmem:s19], [sflag:$0x2] =	stream.indirect_vreg.gather [hbm4b:s6+s3], $0x80, v3, vm0, $0xb8;
	[tilespmem:$0x1C200] =	vst v63  }
0x1d9: {  	_ = 	snop  }
0x1da: {  	[tilespmem:s24], [sflag:$0x2] =	stream.indirect_vreg.gather [hbm4b:s7+s3], $0x80, v3, vm0, $0xb8;
	[tilespmem:$0x1C200] =	vst v63  }
0x1db: {  	s12 =	simm.s32 $0x7A00  }
0x1dc: {  	[tilespmem:s12], [sflag:$0x2] =	stream.indirect_vreg.gather [hbm4b:s8+s3], $0x80, v3, vm0, $0xb8;
	[tilespmem:$0x1C200] =	vst v63  }
0x1dd: {  	_ =	swait.ge [sflag:s17], $0x4000  }
0x1de: {  	[sflag:s17] =	ssyncset.done $0x0  }
0x1df: {  	s21 =	simm.s32 $0x10200;
	s20 =	rddreg [dreg:$0xf];
	[sflag:s17] =	ssyncadd.s32 $0xFFFFC000  }
0x1e0: {  	[hbm4b:s20+s3] =	stream.linear.scatter [tilespmem:s21], [sflag:$0xC], $0x4000, $0x38;
	[tilespmem:$0x1C200] =	vst v63  }
0x1e1: {  	_ =	swait.ge [sflag:s11], $0x4000  }
0x1e2: {  	[sflag:s11] =	ssyncset.done $0x0  }
0x1e3: {  	[sflag:s11] =	ssyncadd.s32 $0xFFFFC000  }
0x1e4: {  	v3 =	vld [tilespmem:$0x100];
	_ =	sdelay $0x4  }
0x1e5: {  	v48 =	vshll.u32 v3, $0x3  }
0x1e6: {  	v3 =	vand.u32 $0x7, v3;
	v4 =	vand.u32 $0xFFFFFFC0, v48  }
0x1e7: {  	v3 =	vor.u32 v3, v4  }
0x1e8: {  	v4 =	vperm.xlane v3, v0;
	_ =	sdelay $0x1  }
0x1e9: {  	v4 =	vadd.s32 v1, v4;
	_ =	sdelay $0x4  }
0x1ea: {  	[tilespmem:s14], [sflag:$0x3] =	stream.indirect_vreg.gather [hbm4b:s1+s3], $0x80, v4, vm0, $0xb8;
	[tilespmem:$0x1C200] =	vst v63  }
0x1eb: {  	s24 =	simm.s32 $0x8A00;
	v3 =	vperm.xlane v3, v2  }
0x1ec: {  	[tilespmem:s24], [sflag:$0x3] =	stream.indirect_vreg.gather [hbm4b:s6+s3], $0x80, v4, vm0, $0xb8;
	[tilespmem:$0x1C200] =	vst v63  }
0x1ed: {  	s31 =	simm.s32 $0x9200;
	v3 =	vadd.s32 v1, v3  }
0x1ee: {  	[tilespmem:s31], [sflag:$0x3] =	stream.indirect_vreg.gather [hbm4b:s7+s3], $0x80, v4, vm0, $0xb8;
	[tilespmem:$0x1C200] =	vst v63  }
0x1ef: {  	s5 =	simm.s32 $0x9A00  }
0x1f0: {  	[tilespmem:s5], [sflag:$0x3] =	stream.indirect_vreg.gather [hbm4b:s8+s3], $0x80, v4, vm0, $0xb8;
	[tilespmem:$0x1C200] =	vst v63  }
0x1f1: {  	s19 =	simm.s32 $0xA200  }
0x1f2: {  	[tilespmem:s19], [sflag:$0x3] =	stream.indirect_vreg.gather [hbm4b:s1+s3], $0x80, v3, vm0, $0xb8;
	[tilespmem:$0x1C200] =	vst v63  }
0x1f3: {  	s20 =	simm.s32 $0xAA00  }
0x1f4: {  	[tilespmem:s20], [sflag:$0x3] =	stream.indirect_vreg.gather [hbm4b:s6+s3], $0x80, v3, vm0, $0xb8;
	[tilespmem:$0x1C200] =	vst v63  }
0x1f5: {  	s24 =	simm.s32 $0xB200  }
0x1f6: {  	[tilespmem:s24], [sflag:$0x3] =	stream.indirect_vreg.gather [hbm4b:s7+s3], $0x80, v3, vm0, $0xb8;
	[tilespmem:$0x1C200] =	vst v63  }
0x1f7: {  	s31 =	simm.s32 $0xBA00  }
0x1f8: {  	[tilespmem:s31], [sflag:$0x3] =	stream.indirect_vreg.gather [hbm4b:s8+s3], $0x80, v3, vm0, $0xb8;
	[tilespmem:$0x1C200] =	vst v63  }
0x1f9: {  	_ =	swait.ge [sflag:s15], $0x4000  }
0x1fa: {  	[sflag:s15] =	ssyncset.done $0x0  }
0x1fb: {  	s19 =	simm.s32 $0x14200;
	s5 =	rddreg [dreg:$0x10];
	[sflag:s15] =	ssyncadd.s32 $0xFFFFC000  }
0x1fc: {  	[hbm4b:s5+s3] =	stream.linear.scatter [tilespmem:s19], [sflag:$0xD], $0x4000, $0x38;
	[tilespmem:$0x1C200] =	vst v63  }
0x1fd: {  	_ =	swait.ge [sflag:s2], $0x4000  }
0x1fe: {  	[sflag:s2] =	ssyncset.done $0x0  }
0x1ff: {  	[sflag:s2] =	ssyncadd.s32 $0xFFFFC000  }
0x200: {  	v3 =	vld [tilespmem:$0x110];
	_ =	sdelay $0x4  }
0x201: {  	v49 =	vshll.u32 v3, $0x3  }
0x202: {  	v3 =	vand.u32 $0x7, v3;
	v4 =	vand.u32 $0xFFFFFFC0, v49  }
0x203: {  	v3 =	vor.u32 v3, v4  }
0x204: {  	v4 =	vperm.xlane v3, v0;
	_ =	sdelay $0x1  }
0x205: {  	v4 =	vadd.s32 v1, v4;
	_ =	sdelay $0x4  }
0x206: {  	[tilespmem:s0], [sflag:$0x4] =	stream.indirect_vreg.gather [hbm4b:s1+s3], $0x80, v4, vm0, $0xb8;
	[tilespmem:$0x1C200] =	vst v63  }
0x207: {  	s20 =	simm.s32 $0xCA00;
	v3 =	vperm.xlane v3, v2  }
0x208: {  	[tilespmem:s20], [sflag:$0x4] =	stream.indirect_vreg.gather [hbm4b:s6+s3], $0x80, v4, vm0, $0xb8;
	[tilespmem:$0x1C200] =	vst v63  }
0x209: {  	s24 =	simm.s32 $0xD200;
	v3 =	vadd.s32 v1, v3  }
0x20a: {  	[tilespmem:s24], [sflag:$0x4] =	stream.indirect_vreg.gather [hbm4b:s7+s3], $0x80, v4, vm0, $0xb8;
	[tilespmem:$0x1C200] =	vst v63  }
0x20b: {  	s31 =	simm.s32 $0xDA00  }
0x20c: {  	[tilespmem:s31], [sflag:$0x4] =	stream.indirect_vreg.gather [hbm4b:s8+s3], $0x80, v4, vm0, $0xb8;
	[tilespmem:$0x1C200] =	vst v63  }
0x20d: {  	s20 =	simm.s32 $0xE200  }
0x20e: {  	[tilespmem:s20], [sflag:$0x4] =	stream.indirect_vreg.gather [hbm4b:s1+s3], $0x80, v3, vm0, $0xb8;
	[tilespmem:$0x1C200] =	vst v63  }
0x20f: {  	s5 =	simm.s32 $0xEA00  }
0x210: {  	[tilespmem:s5], [sflag:$0x4] =	stream.indirect_vreg.gather [hbm4b:s6+s3], $0x80, v3, vm0, $0xb8;
	[tilespmem:$0x1C200] =	vst v63  }
0x211: {  	s24 =	simm.s32 $0xF200  }
0x212: {  	[tilespmem:s24], [sflag:$0x4] =	stream.indirect_vreg.gather [hbm4b:s7+s3], $0x80, v3, vm0, $0xb8;
	[tilespmem:$0x1C200] =	vst v63  }
0x213: {  	s31 =	simm.s32 $0xFA00  }
0x214: {  	[tilespmem:s31], [sflag:$0x4] =	stream.indirect_vreg.gather [hbm4b:s8+s3], $0x80, v3, vm0, $0xb8;
	[tilespmem:$0x1C200] =	vst v63  }
0x215: {  	_ =	swait.ge [sflag:s13], $0x4000  }
0x216: {  	[sflag:s13] =	ssyncset.done $0x0  }
0x217: {  	s24 =	simm.s32 $0x18200;
	s5 =	rddreg [dreg:$0x11];
	[sflag:s13] =	ssyncadd.s32 $0xFFFFC000  }
0x218: {  	[hbm4b:s5+s3] =	stream.linear.scatter [tilespmem:s24], [sflag:$0xE], $0x4000, $0x38;
	[tilespmem:$0x1C200] =	vst v63  }
0x219: {  	_ =	swait.ge [sflag:s22], $0x4000  }
0x21a: {  	[sflag:s22] =	ssyncset.done $0x0  }
0x21b: {  	[sflag:s22] =	ssyncadd.s32 $0xFFFFC000  }
0x21c: {  	v3 =	vld [tilespmem:$0x120];
	_ =	sdelay $0x4  }
0x21d: {  	v50 =	vshll.u32 v3, $0x3  }
0x21e: {  	v3 =	vand.u32 $0x7, v3;
	v4 =	vand.u32 $0xFFFFFFC0, v50  }
0x21f: {  	v3 =	vor.u32 v3, v4  }
0x220: {  	v4 =	vperm.xlane v3, v0;
	_ =	sdelay $0x1  }
0x221: {  	v4 =	vadd.s32 v1, v4;
	_ =	sdelay $0x4  }
0x222: {  	[tilespmem:s21], [sflag:$0x5] =	stream.indirect_vreg.gather [hbm4b:s1+s3], $0x80, v4, vm0, $0xb8;
	[tilespmem:$0x1C200] =	vst v63  }
0x223: {  	s31 =	simm.s32 $0x10A00;
	v3 =	vperm.xlane v3, v2  }
0x224: {  	[tilespmem:s31], [sflag:$0x5] =	stream.indirect_vreg.gather [hbm4b:s6+s3], $0x80, v4, vm0, $0xb8;
	[tilespmem:$0x1C200] =	vst v63  }
0x225: {  	s5 =	simm.s32 $0x11200;
	v3 =	vadd.s32 v1, v3  }
0x226: {  	[tilespmem:s5], [sflag:$0x5] =	stream.indirect_vreg.gather [hbm4b:s7+s3], $0x80, v4, vm0, $0xb8;
	[tilespmem:$0x1C200] =	vst v63  }
0x227: {  	s21 =	simm.s32 $0x11A00  }
0x228: {  	[tilespmem:s21], [sflag:$0x5] =	stream.indirect_vreg.gather [hbm4b:s8+s3], $0x80, v4, vm0, $0xb8;
	[tilespmem:$0x1C200] =	vst v63  }
0x229: {  	s31 =	simm.s32 $0x12200  }
0x22a: {  	[tilespmem:s31], [sflag:$0x5] =	stream.indirect_vreg.gather [hbm4b:s1+s3], $0x80, v3, vm0, $0xb8;
	[tilespmem:$0x1C200] =	vst v63  }
0x22b: {  	s5 =	simm.s32 $0x12A00  }
0x22c: {  	[tilespmem:s5], [sflag:$0x5] =	stream.indirect_vreg.gather [hbm4b:s6+s3], $0x80, v3, vm0, $0xb8;
	[tilespmem:$0x1C200] =	vst v63  }
0x22d: {  	s21 =	simm.s32 $0x13200  }
0x22e: {  	[tilespmem:s21], [sflag:$0x5] =	stream.indirect_vreg.gather [hbm4b:s7+s3], $0x80, v3, vm0, $0xb8;
	[tilespmem:$0x1C200] =	vst v63  }
0x22f: {  	s31 =	simm.s32 $0x13A00  }
0x230: {  	[tilespmem:s31], [sflag:$0x5] =	stream.indirect_vreg.gather [hbm4b:s8+s3], $0x80, v3, vm0, $0xb8;
	[tilespmem:$0x1C200] =	vst v63  }
0x231: {  	_ =	swait.ge [sflag:s23], $0x4000  }
0x232: {  	[sflag:s23] =	ssyncset.done $0x0  }
0x233: {  	s21 =	simm.s32 $0x200;
	s5 =	rddreg [dreg:$0x12];
	[sflag:s23] =	ssyncadd.s32 $0xFFFFC000  }
0x234: {  	[hbm4b:s5+s3] =	stream.linear.scatter [tilespmem:s21], [sflag:$0x8], $0x4000, $0x38;
	[tilespmem:$0x1C200] =	vst v63  }
0x235: {  	_ =	swait.ge [sflag:s18], $0x4000  }
0x236: {  	[sflag:s18] =	ssyncset.done $0x0  }
0x237: {  	[sflag:s18] =	ssyncadd.s32 $0xFFFFC000  }
0x238: {  	v3 =	vld [tilespmem:$0x130];
	_ =	sdelay $0x4  }
0x239: {  	v51 =	vshll.u32 v3, $0x3  }
0x23a: {  	v3 =	vand.u32 $0x7, v3;
	v4 =	vand.u32 $0xFFFFFFC0, v51  }
0x23b: {  	v3 =	vor.u32 v3, v4  }
0x23c: {  	v4 =	vperm.xlane v3, v0;
	_ =	sdelay $0x1  }
0x23d: {  	v4 =	vadd.s32 v1, v4;
	_ =	sdelay $0x4  }
0x23e: {  	[tilespmem:s19], [sflag:$0x6] =	stream.indirect_vreg.gather [hbm4b:s1+s3], $0x80, v4, vm0, $0xb8;
	[tilespmem:$0x1C200] =	vst v63  }
0x23f: {  	s31 =	simm.s32 $0x14A00;
	v3 =	vperm.xlane v3, v2  }
0x240: {  	[tilespmem:s31], [sflag:$0x6] =	stream.indirect_vreg.gather [hbm4b:s6+s3], $0x80, v4, vm0, $0xb8;
	[tilespmem:$0x1C200] =	vst v63  }
0x241: {  	s5 =	simm.s32 $0x15200;
	v3 =	vadd.s32 v1, v3  }
0x242: {  	[tilespmem:s5], [sflag:$0x6] =	stream.indirect_vreg.gather [hbm4b:s7+s3], $0x80, v4, vm0, $0xb8;
	[tilespmem:$0x1C200] =	vst v63  }
0x243: {  	s19 =	simm.s32 $0x15A00  }
0x244: {  	[tilespmem:s19], [sflag:$0x6] =	stream.indirect_vreg.gather [hbm4b:s8+s3], $0x80, v4, vm0, $0xb8;
	[tilespmem:$0x1C200] =	vst v63  }
0x245: {  	s31 =	simm.s32 $0x16200  }
0x246: {  	[tilespmem:s31], [sflag:$0x6] =	stream.indirect_vreg.gather [hbm4b:s1+s3], $0x80, v3, vm0, $0xb8;
	[tilespmem:$0x1C200] =	vst v63  }
0x247: {  	s5 =	simm.s32 $0x16A00  }
0x248: {  	[tilespmem:s5], [sflag:$0x6] =	stream.indirect_vreg.gather [hbm4b:s6+s3], $0x80, v3, vm0, $0xb8;
	[tilespmem:$0x1C200] =	vst v63  }
0x249: {  	s19 =	simm.s32 $0x17200  }
0x24a: {  	[tilespmem:s19], [sflag:$0x6] =	stream.indirect_vreg.gather [hbm4b:s7+s3], $0x80, v3, vm0, $0xb8;
	[tilespmem:$0x1C200] =	vst v63  }
0x24b: {  	s31 =	simm.s32 $0x17A00  }
0x24c: {  	[tilespmem:s31], [sflag:$0x6] =	stream.indirect_vreg.gather [hbm4b:s8+s3], $0x80, v3, vm0, $0xb8;
	[tilespmem:$0x1C200] =	vst v63  }
0x24d: {  	_ =	swait.ge [sflag:s25], $0x4000  }
0x24e: {  	[sflag:s25] =	ssyncset.done $0x0  }
0x24f: {  	s31 =	simm.s32 $0x4200;
	s5 =	rddreg [dreg:$0x13];
	[sflag:s25] =	ssyncadd.s32 $0xFFFFC000  }
0x250: {  	[hbm4b:s5+s3] =	stream.linear.scatter [tilespmem:s31], [sflag:$0x9], $0x4000, $0x38;
	[tilespmem:$0x1C200] =	vst v63  }
0x251: {  	_ =	swait.ge [sflag:s4], $0x4000  }
0x252: {  	[sflag:s4] =	ssyncset.done $0x0  }
0x253: {  	[sflag:s4] =	ssyncadd.s32 $0xFFFFC000  }
0x254: {  	v3 =	vld [tilespmem:$0x140];
	_ =	sdelay $0x4  }
0x255: {  	v52 =	vshll.u32 v3, $0x3  }
0x256: {  	v3 =	vand.u32 $0x7, v3;
	v4 =	vand.u32 $0xFFFFFFC0, v52  }
0x257: {  	v3 =	vor.u32 v3, v4  }
0x258: {  	v4 =	vperm.xlane v3, v0;
	_ =	sdelay $0x1  }
0x259: {  	v4 =	vadd.s32 v1, v4;
	_ =	sdelay $0x4  }
0x25a: {  	[tilespmem:s24], [sflag:$0x7] =	stream.indirect_vreg.gather [hbm4b:s1+s3], $0x80, v4, vm0, $0xb8;
	[tilespmem:$0x1C200] =	vst v63  }
0x25b: {  	s19 =	simm.s32 $0x18A00;
	v3 =	vperm.xlane v3, v2  }
0x25c: {  	[tilespmem:s19], [sflag:$0x7] =	stream.indirect_vreg.gather [hbm4b:s6+s3], $0x80, v4, vm0, $0xb8;
	[tilespmem:$0x1C200] =	vst v63  }
0x25d: {  	v3 =	vadd.s32 v1, v3  }
0x25e: {  	[tilespmem:s28], [sflag:$0x7] =	stream.indirect_vreg.gather [hbm4b:s7+s3], $0x80, v4, vm0, $0xb8;
	[tilespmem:$0x1C200] =	vst v63  }
0x25f: {  	s24 =	simm.s32 $0x19A00  }
0x260: {  	[tilespmem:s24], [sflag:$0x7] =	stream.indirect_vreg.gather [hbm4b:s8+s3], $0x80, v4, vm0, $0xb8;
	[tilespmem:$0x1C200] =	vst v63  }
0x261: {  	s28 =	simm.s32 $0x1A200  }
0x262: {  	[tilespmem:s28], [sflag:$0x7] =	stream.indirect_vreg.gather [hbm4b:s1+s3], $0x80, v3, vm0, $0xb8;
	[tilespmem:$0x1C200] =	vst v63  }
0x263: {  	_ = 	snop  }
0x264: {  	[tilespmem:s10], [sflag:$0x7] =	stream.indirect_vreg.gather [hbm4b:s6+s3], $0x80, v3, vm0, $0xb8;
	[tilespmem:$0x1C200] =	vst v63  }
0x265: {  	s5 =	simm.s32 $0x1B200  }
0x266: {  	[tilespmem:s5], [sflag:$0x7] =	stream.indirect_vreg.gather [hbm4b:s7+s3], $0x80, v3, vm0, $0xb8;
	[tilespmem:$0x1C200] =	vst v63  }
0x267: {  	s10 =	simm.s32 $0x1BA00  }
0x268: {  	[tilespmem:s10], [sflag:$0x7] =	stream.indirect_vreg.gather [hbm4b:s8+s3], $0x80, v3, vm0, $0xb8;
	[tilespmem:$0x1C200] =	vst v63  }
0x269: {  	_ =	swait.ge [sflag:s26], $0x4000  }
0x26a: {  	[sflag:s26] =	ssyncset.done $0x0  }
0x26b: {  	s19 =	rddreg [dreg:$0x14];
	[sflag:s26] =	ssyncadd.s32 $0xFFFFC000  }
0x26c: {  	[hbm4b:s19+s3] =	stream.linear.scatter [tilespmem:s14], [sflag:$0xA], $0x4000, $0x38;
	[tilespmem:$0x1C200] =	vst v63  }
0x26d: {  	_ =	swait.ge [sflag:s29], $0x4000  }
0x26e: {  	[sflag:s29] =	ssyncset.done $0x0  }
0x26f: {  	[sflag:s29] =	ssyncadd.s32 $0xFFFFC000  }
0x270: {  	v3 =	vld [tilespmem:$0x150];
	_ =	sdelay $0x4  }
0x271: {  	v53 =	vshll.u32 v3, $0x3  }
0x272: {  	v3 =	vand.u32 $0x7, v3;
	v4 =	vand.u32 $0xFFFFFFC0, v53  }
0x273: {  	v3 =	vor.u32 v3, v4  }
0x274: {  	v4 =	vperm.xlane v3, v0;
	_ =	sdelay $0x1  }
0x275: {  	v4 =	vadd.s32 v1, v4;
	_ =	sdelay $0x4  }
0x276: {  	[tilespmem:s21], [sflag:$0x1] =	stream.indirect_vreg.gather [hbm4b:s1+s3], $0x80, v4, vm0, $0xb8;
	[tilespmem:$0x1C200] =	vst v63  }
0x277: {  	v3 =	vperm.xlane v3, v2;
	s21 =	simm.s32 $0xA00  }
0x278: {  	[tilespmem:s21], [sflag:$0x1] =	stream.indirect_vreg.gather [hbm4b:s6+s3], $0x80, v4, vm0, $0xb8;
	[tilespmem:$0x1C200] =	vst v63  }
0x279: {  	s28 =	simm.s32 $0x1200;
	v3 =	vadd.s32 v1, v3  }
0x27a: {  	[tilespmem:s28], [sflag:$0x1] =	stream.indirect_vreg.gather [hbm4b:s7+s3], $0x80, v4, vm0, $0xb8;
	[tilespmem:$0x1C200] =	vst v63  }
0x27b: {  	s5 =	simm.s32 $0x1A00  }
0x27c: {  	[tilespmem:s5], [sflag:$0x1] =	stream.indirect_vreg.gather [hbm4b:s8+s3], $0x80, v4, vm0, $0xb8;
	[tilespmem:$0x1C200] =	vst v63  }
0x27d: {  	s10 =	simm.s32 $0x2200  }
0x27e: {  	[tilespmem:s10], [sflag:$0x1] =	stream.indirect_vreg.gather [hbm4b:s1+s3], $0x80, v3, vm0, $0xb8;
	[tilespmem:$0x1C200] =	vst v63  }
0x27f: {  	s16 =	simm.s32 $0x2A00  }
0x280: {  	[tilespmem:s16], [sflag:$0x1] =	stream.indirect_vreg.gather [hbm4b:s6+s3], $0x80, v3, vm0, $0xb8;
	[tilespmem:$0x1C200] =	vst v63  }
0x281: {  	s19 =	simm.s32 $0x3200  }
0x282: {  	[tilespmem:s19], [sflag:$0x1] =	stream.indirect_vreg.gather [hbm4b:s7+s3], $0x80, v3, vm0, $0xb8;
	[tilespmem:$0x1C200] =	vst v63  }
0x283: {  	s21 =	simm.s32 $0x3A00  }
0x284: {  	[tilespmem:s21], [sflag:$0x1] =	stream.indirect_vreg.gather [hbm4b:s8+s3], $0x80, v3, vm0, $0xb8;
	[tilespmem:$0x1C200] =	vst v63  }
0x285: {  	_ =	swait.ge [sflag:s30], $0x4000  }
0x286: {  	[sflag:s30] =	ssyncset.done $0x0  }
0x287: {  	s28 =	rddreg [dreg:$0x15];
	[sflag:s30] =	ssyncadd.s32 $0xFFFFC000  }
0x288: {  	[hbm4b:s28+s3] =	stream.linear.scatter [tilespmem:s0], [sflag:$0xB], $0x4000, $0x38;
	[tilespmem:$0x1C200] =	vst v63  }
0x289: {  	_ =	swait.ge [sflag:s9], $0x4000  }
0x28a: {  	[sflag:s9] =	ssyncset.done $0x0  }
0x28b: {  	[sflag:s9] =	ssyncadd.s32 $0xFFFFC000  }
0x28c: {  	v3 =	vld [tilespmem:$0x160];
	_ =	sdelay $0x4  }
0x28d: {  	v54 =	vshll.u32 v3, $0x3  }
0x28e: {  	v3 =	vand.u32 $0x7, v3;
	v4 =	vand.u32 $0xFFFFFFC0, v54  }
0x28f: {  	v3 =	vor.u32 v3, v4  }
0x290: {  	v4 =	vperm.xlane v3, v0;
	_ =	sdelay $0x1  }
0x291: {  	v4 =	vadd.s32 v1, v4;
	_ =	sdelay $0x4  }
0x292: {  	[tilespmem:s31], [sflag:$0x2] =	stream.indirect_vreg.gather [hbm4b:s1+s3], $0x80, v4, vm0, $0xb8;
	[tilespmem:$0x1C200] =	vst v63  }
0x293: {  	s0 =	simm.s32 $0x4A00;
	v3 =	vperm.xlane v3, v2  }
0x294: {  	[tilespmem:s0], [sflag:$0x2] =	stream.indirect_vreg.gather [hbm4b:s6+s3], $0x80, v4, vm0, $0xb8;
	[tilespmem:$0x1C200] =	vst v63  }
0x295: {  	s10 =	simm.s32 $0x5200;
	v3 =	vadd.s32 v1, v3  }
0x296: {  	[tilespmem:s10], [sflag:$0x2] =	stream.indirect_vreg.gather [hbm4b:s7+s3], $0x80, v4, vm0, $0xb8;
	[tilespmem:$0x1C200] =	vst v63  }
0x297: {  	s28 =	simm.s32 $0x5A00  }
0x298: {  	[tilespmem:s28], [sflag:$0x2] =	stream.indirect_vreg.gather [hbm4b:s8+s3], $0x80, v4, vm0, $0xb8;
	[tilespmem:$0x1C200] =	vst v63  }
0x299: {  	s19 =	simm.s32 $0x6200  }
0x29a: {  	[tilespmem:s19], [sflag:$0x2] =	stream.indirect_vreg.gather [hbm4b:s1+s3], $0x80, v3, vm0, $0xb8;
	[tilespmem:$0x1C200] =	vst v63  }
0x29b: {  	s21 =	simm.s32 $0x6A00  }
0x29c: {  	[tilespmem:s21], [sflag:$0x2] =	stream.indirect_vreg.gather [hbm4b:s6+s3], $0x80, v3, vm0, $0xb8;
	[tilespmem:$0x1C200] =	vst v63  }
0x29d: {  	s5 =	simm.s32 $0x7200  }
0x29e: {  	[tilespmem:s5], [sflag:$0x2] =	stream.indirect_vreg.gather [hbm4b:s7+s3], $0x80, v3, vm0, $0xb8;
	[tilespmem:$0x1C200] =	vst v63  }
0x29f: {  	_ = 	snop  }
0x2a0: {  	[tilespmem:s12], [sflag:$0x2] =	stream.indirect_vreg.gather [hbm4b:s8+s3], $0x80, v3, vm0, $0xb8;
	[tilespmem:$0x1C200] =	vst v63  }
0x2a1: {  	_ =	swait.ge [sflag:s17], $0x4000  }
0x2a2: {  	[sflag:s17] =	ssyncset.done $0x0  }
0x2a3: {  	s0 =	simm.s32 $0x10200;
	s12 =	rddreg [dreg:$0x16];
	[sflag:s17] =	ssyncadd.s32 $0xFFFFC000  }
0x2a4: {  	[hbm4b:s12+s3] =	stream.linear.scatter [tilespmem:s0], [sflag:$0xC], $0x4000, $0x38;
	[tilespmem:$0x1C200] =	vst v63  }
0x2a5: {  	_ =	swait.ge [sflag:s11], $0x4000  }
0x2a6: {  	[sflag:s11] =	ssyncset.done $0x0  }
0x2a7: {  	[sflag:s11] =	ssyncadd.s32 $0xFFFFC000  }
0x2a8: {  	v3 =	vld [tilespmem:$0x170];
	_ =	sdelay $0x4  }
0x2a9: {  	v55 =	vshll.u32 v3, $0x3  }
0x2aa: {  	v3 =	vand.u32 $0x7, v3;
	v4 =	vand.u32 $0xFFFFFFC0, v55  }
0x2ab: {  	v3 =	vor.u32 v3, v4  }
0x2ac: {  	v4 =	vperm.xlane v3, v0;
	_ =	sdelay $0x1  }
0x2ad: {  	v4 =	vadd.s32 v1, v4;
	_ =	sdelay $0x3  }
0x2ae: {  	s24 =	simm.s32 $0x8200  }
0x2af: {  	[tilespmem:s24], [sflag:$0x3] =	stream.indirect_vreg.gather [hbm4b:s1+s3], $0x80, v4, vm0, $0xb8;
	[tilespmem:$0x1C200] =	vst v63  }
0x2b0: {  	s5 =	simm.s32 $0x8A00;
	v3 =	vperm.xlane v3, v2  }
0x2b1: {  	[tilespmem:s5], [sflag:$0x3] =	stream.indirect_vreg.gather [hbm4b:s6+s3], $0x80, v4, vm0, $0xb8;
	[tilespmem:$0x1C200] =	vst v63  }
0x2b2: {  	s12 =	simm.s32 $0x9200;
	v3 =	vadd.s32 v1, v3  }
0x2b3: {  	[tilespmem:s12], [sflag:$0x3] =	stream.indirect_vreg.gather [hbm4b:s7+s3], $0x80, v4, vm0, $0xb8;
	[tilespmem:$0x1C200] =	vst v63  }
0x2b4: {  	s5 =	simm.s32 $0x9A00  }
0x2b5: {  	[tilespmem:s5], [sflag:$0x3] =	stream.indirect_vreg.gather [hbm4b:s8+s3], $0x80, v4, vm0, $0xb8;
	[tilespmem:$0x1C200] =	vst v63  }
0x2b6: {  	s12 =	simm.s32 $0xA200  }
0x2b7: {  	[tilespmem:s12], [sflag:$0x3] =	stream.indirect_vreg.gather [hbm4b:s1+s3], $0x80, v3, vm0, $0xb8;
	[tilespmem:$0x1C200] =	vst v63  }
0x2b8: {  	s5 =	simm.s32 $0xAA00  }
0x2b9: {  	[tilespmem:s5], [sflag:$0x3] =	stream.indirect_vreg.gather [hbm4b:s6+s3], $0x80, v3, vm0, $0xb8;
	[tilespmem:$0x1C200] =	vst v63  }
0x2ba: {  	s12 =	simm.s32 $0xB200  }
0x2bb: {  	[tilespmem:s12], [sflag:$0x3] =	stream.indirect_vreg.gather [hbm4b:s7+s3], $0x80, v3, vm0, $0xb8;
	[tilespmem:$0x1C200] =	vst v63  }
0x2bc: {  	s5 =	simm.s32 $0xBA00  }
0x2bd: {  	[tilespmem:s5], [sflag:$0x3] =	stream.indirect_vreg.gather [hbm4b:s8+s3], $0x80, v3, vm0, $0xb8;
	[tilespmem:$0x1C200] =	vst v63  }
0x2be: {  	_ =	swait.ge [sflag:s15], $0x4000  }
0x2bf: {  	[sflag:s15] =	ssyncset.done $0x0  }
0x2c0: {  	s5 =	simm.s32 $0x14200;
	s12 =	rddreg [dreg:$0x17];
	[sflag:s15] =	ssyncadd.s32 $0xFFFFC000  }
0x2c1: {  	[hbm4b:s12+s3] =	stream.linear.scatter [tilespmem:s5], [sflag:$0xD], $0x4000, $0x38;
	[tilespmem:$0x1C200] =	vst v63  }
0x2c2: {  	_ =	swait.ge [sflag:s2], $0x4000  }
0x2c3: {  	[sflag:s2] =	ssyncset.done $0x0  }
0x2c4: {  	[sflag:s2] =	ssyncadd.s32 $0xFFFFC000  }
0x2c5: {  	v3 =	vld [tilespmem:$0x180];
	_ =	sdelay $0x4  }
0x2c6: {  	v56 =	vshll.u32 v3, $0x3  }
0x2c7: {  	v3 =	vand.u32 $0x7, v3;
	v4 =	vand.u32 $0xFFFFFFC0, v56  }
0x2c8: {  	v3 =	vor.u32 v3, v4  }
0x2c9: {  	v4 =	vperm.xlane v3, v0;
	_ =	sdelay $0x1  }
0x2ca: {  	v4 =	vadd.s32 v1, v4;
	_ =	sdelay $0x3  }
0x2cb: {  	s14 =	simm.s32 $0xC200  }
0x2cc: {  	[tilespmem:s14], [sflag:$0x4] =	stream.indirect_vreg.gather [hbm4b:s1+s3], $0x80, v4, vm0, $0xb8;
	[tilespmem:$0x1C200] =	vst v63  }
0x2cd: {  	s12 =	simm.s32 $0xCA00;
	v3 =	vperm.xlane v3, v2  }
0x2ce: {  	[tilespmem:s12], [sflag:$0x4] =	stream.indirect_vreg.gather [hbm4b:s6+s3], $0x80, v4, vm0, $0xb8;
	[tilespmem:$0x1C200] =	vst v63  }
0x2cf: {  	s16 =	simm.s32 $0xD200;
	v3 =	vadd.s32 v1, v3  }
0x2d0: {  	[tilespmem:s16], [sflag:$0x4] =	stream.indirect_vreg.gather [hbm4b:s7+s3], $0x80, v4, vm0, $0xb8;
	[tilespmem:$0x1C200] =	vst v63  }
0x2d1: {  	s12 =	simm.s32 $0xDA00  }
0x2d2: {  	[tilespmem:s12], [sflag:$0x4] =	stream.indirect_vreg.gather [hbm4b:s8+s3], $0x80, v4, vm0, $0xb8;
	[tilespmem:$0x1C200] =	vst v63  }
0x2d3: {  	_ = 	snop  }
0x2d4: {  	[tilespmem:s20], [sflag:$0x4] =	stream.indirect_vreg.gather [hbm4b:s1+s3], $0x80, v3, vm0, $0xb8;
	[tilespmem:$0x1C200] =	vst v63  }
0x2d5: {  	s12 =	simm.s32 $0xEA00  }
0x2d6: {  	[tilespmem:s12], [sflag:$0x4] =	stream.indirect_vreg.gather [hbm4b:s6+s3], $0x80, v3, vm0, $0xb8;
	[tilespmem:$0x1C200] =	vst v63  }
0x2d7: {  	s20 =	simm.s32 $0xF200  }
0x2d8: {  	[tilespmem:s20], [sflag:$0x4] =	stream.indirect_vreg.gather [hbm4b:s7+s3], $0x80, v3, vm0, $0xb8;
	[tilespmem:$0x1C200] =	vst v63  }
0x2d9: {  	s12 =	simm.s32 $0xFA00  }
0x2da: {  	[tilespmem:s12], [sflag:$0x4] =	stream.indirect_vreg.gather [hbm4b:s8+s3], $0x80, v3, vm0, $0xb8;
	[tilespmem:$0x1C200] =	vst v63  }
0x2db: {  	_ =	swait.ge [sflag:s13], $0x4000  }
0x2dc: {  	[sflag:s13] =	ssyncset.done $0x0  }
0x2dd: {  	s12 =	simm.s32 $0x18200;
	s20 =	rddreg [dreg:$0x18];
	[sflag:s13] =	ssyncadd.s32 $0xFFFFC000  }
0x2de: {  	[hbm4b:s20+s3] =	stream.linear.scatter [tilespmem:s12], [sflag:$0xE], $0x4000, $0x38;
	[tilespmem:$0x1C200] =	vst v63  }
0x2df: {  	_ =	swait.ge [sflag:s22], $0x4000  }
0x2e0: {  	[sflag:s22] =	ssyncset.done $0x0  }
0x2e1: {  	[sflag:s22] =	ssyncadd.s32 $0xFFFFC000  }
0x2e2: {  	v3 =	vld [tilespmem:$0x190];
	_ =	sdelay $0x4  }
0x2e3: {  	v57 =	vshll.u32 v3, $0x3  }
0x2e4: {  	v3 =	vand.u32 $0x7, v3;
	v4 =	vand.u32 $0xFFFFFFC0, v57  }
0x2e5: {  	v3 =	vor.u32 v3, v4  }
0x2e6: {  	v4 =	vperm.xlane v3, v0;
	_ =	sdelay $0x1  }
0x2e7: {  	v4 =	vadd.s32 v1, v4;
	_ =	sdelay $0x4  }
0x2e8: {  	[tilespmem:s0], [sflag:$0x5] =	stream.indirect_vreg.gather [hbm4b:s1+s3], $0x80, v4, vm0, $0xb8;
	[tilespmem:$0x1C200] =	vst v63  }
0x2e9: {  	s16 =	simm.s32 $0x10A00;
	v3 =	vperm.xlane v3, v2  }
0x2ea: {  	[tilespmem:s16], [sflag:$0x5] =	stream.indirect_vreg.gather [hbm4b:s6+s3], $0x80, v4, vm0, $0xb8;
	[tilespmem:$0x1C200] =	vst v63  }
0x2eb: {  	v3 =	vadd.s32 v1, v3;
	s16 =	simm.s32 $0x11200  }
0x2ec: {  	[tilespmem:s16], [sflag:$0x5] =	stream.indirect_vreg.gather [hbm4b:s7+s3], $0x80, v4, vm0, $0xb8;
	[tilespmem:$0x1C200] =	vst v63  }
0x2ed: {  	s16 =	simm.s32 $0x11A00  }
0x2ee: {  	[tilespmem:s16], [sflag:$0x5] =	stream.indirect_vreg.gather [hbm4b:s8+s3], $0x80, v4, vm0, $0xb8;
	[tilespmem:$0x1C200] =	vst v63  }
0x2ef: {  	s16 =	simm.s32 $0x12200  }
0x2f0: {  	[tilespmem:s16], [sflag:$0x5] =	stream.indirect_vreg.gather [hbm4b:s1+s3], $0x80, v3, vm0, $0xb8;
	[tilespmem:$0x1C200] =	vst v63  }
0x2f1: {  	s16 =	simm.s32 $0x12A00  }
0x2f2: {  	[tilespmem:s16], [sflag:$0x5] =	stream.indirect_vreg.gather [hbm4b:s6+s3], $0x80, v3, vm0, $0xb8;
	[tilespmem:$0x1C200] =	vst v63  }
0x2f3: {  	s16 =	simm.s32 $0x13200  }
0x2f4: {  	[tilespmem:s16], [sflag:$0x5] =	stream.indirect_vreg.gather [hbm4b:s7+s3], $0x80, v3, vm0, $0xb8;
	[tilespmem:$0x1C200] =	vst v63  }
0x2f5: {  	s16 =	simm.s32 $0x13A00  }
0x2f6: {  	[tilespmem:s16], [sflag:$0x5] =	stream.indirect_vreg.gather [hbm4b:s8+s3], $0x80, v3, vm0, $0xb8;
	[tilespmem:$0x1C200] =	vst v63  }
0x2f7: {  	_ =	swait.ge [sflag:s23], $0x4000  }
0x2f8: {  	[sflag:s23] =	ssyncset.done $0x0  }
0x2f9: {  	s0 =	simm.s32 $0x200;
	s16 =	rddreg [dreg:$0x19];
	[sflag:s23] =	ssyncadd.s32 $0xFFFFC000  }
0x2fa: {  	[hbm4b:s16+s3] =	stream.linear.scatter [tilespmem:s0], [sflag:$0x8], $0x4000, $0x38;
	[tilespmem:$0x1C200] =	vst v63  }
0x2fb: {  	_ =	swait.ge [sflag:s18], $0x4000  }
0x2fc: {  	[sflag:s18] =	ssyncset.done $0x0  }
0x2fd: {  	[sflag:s18] =	ssyncadd.s32 $0xFFFFC000  }
0x2fe: {  	v3 =	vld [tilespmem:$0x1A0];
	_ =	sdelay $0x4  }
0x2ff: {  	v58 =	vshll.u32 v3, $0x3  }
0x300: {  	v3 =	vand.u32 $0x7, v3;
	v4 =	vand.u32 $0xFFFFFFC0, v58  }
0x301: {  	v3 =	vor.u32 v3, v4  }
0x302: {  	v4 =	vperm.xlane v3, v0;
	_ =	sdelay $0x1  }
0x303: {  	v4 =	vadd.s32 v1, v4;
	_ =	sdelay $0x4  }
0x304: {  	[tilespmem:s5], [sflag:$0x6] =	stream.indirect_vreg.gather [hbm4b:s1+s3], $0x80, v4, vm0, $0xb8;
	[tilespmem:$0x1C200] =	vst v63  }
0x305: {  	s16 =	simm.s32 $0x14A00;
	v3 =	vperm.xlane v3, v2  }
0x306: {  	[tilespmem:s16], [sflag:$0x6] =	stream.indirect_vreg.gather [hbm4b:s6+s3], $0x80, v4, vm0, $0xb8;
	[tilespmem:$0x1C200] =	vst v63  }
0x307: {  	v3 =	vadd.s32 v1, v3;
	s16 =	simm.s32 $0x15200  }
0x308: {  	[tilespmem:s16], [sflag:$0x6] =	stream.indirect_vreg.gather [hbm4b:s7+s3], $0x80, v4, vm0, $0xb8;
	[tilespmem:$0x1C200] =	vst v63  }
0x309: {  	s16 =	simm.s32 $0x15A00  }
0x30a: {  	[tilespmem:s16], [sflag:$0x6] =	stream.indirect_vreg.gather [hbm4b:s8+s3], $0x80, v4, vm0, $0xb8;
	[tilespmem:$0x1C200] =	vst v63  }
0x30b: {  	s16 =	simm.s32 $0x16200  }
0x30c: {  	[tilespmem:s16], [sflag:$0x6] =	stream.indirect_vreg.gather [hbm4b:s1+s3], $0x80, v3, vm0, $0xb8;
	[tilespmem:$0x1C200] =	vst v63  }
0x30d: {  	s16 =	simm.s32 $0x16A00  }
0x30e: {  	[tilespmem:s16], [sflag:$0x6] =	stream.indirect_vreg.gather [hbm4b:s6+s3], $0x80, v3, vm0, $0xb8;
	[tilespmem:$0x1C200] =	vst v63  }
0x30f: {  	s16 =	simm.s32 $0x17200  }
0x310: {  	[tilespmem:s16], [sflag:$0x6] =	stream.indirect_vreg.gather [hbm4b:s7+s3], $0x80, v3, vm0, $0xb8;
	[tilespmem:$0x1C200] =	vst v63  }
0x311: {  	s16 =	simm.s32 $0x17A00  }
0x312: {  	[tilespmem:s16], [sflag:$0x6] =	stream.indirect_vreg.gather [hbm4b:s8+s3], $0x80, v3, vm0, $0xb8;
	[tilespmem:$0x1C200] =	vst v63  }
0x313: {  	_ =	swait.ge [sflag:s25], $0x4000  }
0x314: {  	[sflag:s25] =	ssyncset.done $0x0  }
0x315: {  	s5 =	rddreg [dreg:$0x1a];
	[sflag:s25] =	ssyncadd.s32 $0xFFFFC000  }
0x316: {  	[hbm4b:s5+s3] =	stream.linear.scatter [tilespmem:s31], [sflag:$0x9], $0x4000, $0x38;
	[tilespmem:$0x1C200] =	vst v63  }
0x317: {  	_ =	swait.ge [sflag:s4], $0x4000  }
0x318: {  	[sflag:s4] =	ssyncset.done $0x0  }
0x319: {  	[sflag:s4] =	ssyncadd.s32 $0xFFFFC000  }
0x31a: {  	v3 =	vld [tilespmem:$0x1B0];
	_ =	sdelay $0x4  }
0x31b: {  	v59 =	vshll.u32 v3, $0x3  }
0x31c: {  	v3 =	vand.u32 $0x7, v3;
	v4 =	vand.u32 $0xFFFFFFC0, v59  }
0x31d: {  	v3 =	vor.u32 v3, v4  }
0x31e: {  	v4 =	vperm.xlane v3, v0;
	_ =	sdelay $0x1  }
0x31f: {  	v4 =	vadd.s32 v1, v4;
	_ =	sdelay $0x4  }
0x320: {  	[tilespmem:s12], [sflag:$0x7] =	stream.indirect_vreg.gather [hbm4b:s1+s3], $0x80, v4, vm0, $0xb8;
	[tilespmem:$0x1C200] =	vst v63  }
0x321: {  	s16 =	simm.s32 $0x18A00;
	v3 =	vperm.xlane v3, v2  }
0x322: {  	[tilespmem:s16], [sflag:$0x7] =	stream.indirect_vreg.gather [hbm4b:s6+s3], $0x80, v4, vm0, $0xb8;
	[tilespmem:$0x1C200] =	vst v63  }
0x323: {  	v3 =	vadd.s32 v1, v3;
	s16 =	simm.s32 $0x19200  }
0x324: {  	[tilespmem:s16], [sflag:$0x7] =	stream.indirect_vreg.gather [hbm4b:s7+s3], $0x80, v4, vm0, $0xb8;
	[tilespmem:$0x1C200] =	vst v63  }
0x325: {  	s16 =	simm.s32 $0x19A00  }
0x326: {  	[tilespmem:s16], [sflag:$0x7] =	stream.indirect_vreg.gather [hbm4b:s8+s3], $0x80, v4, vm0, $0xb8;
	[tilespmem:$0x1C200] =	vst v63  }
0x327: {  	s16 =	simm.s32 $0x1A200  }
0x328: {  	[tilespmem:s16], [sflag:$0x7] =	stream.indirect_vreg.gather [hbm4b:s1+s3], $0x80, v3, vm0, $0xb8;
	[tilespmem:$0x1C200] =	vst v63  }
0x329: {  	s16 =	simm.s32 $0x1AA00  }
0x32a: {  	[tilespmem:s16], [sflag:$0x7] =	stream.indirect_vreg.gather [hbm4b:s6+s3], $0x80, v3, vm0, $0xb8;
	[tilespmem:$0x1C200] =	vst v63  }
0x32b: {  	s16 =	simm.s32 $0x1B200  }
0x32c: {  	[tilespmem:s16], [sflag:$0x7] =	stream.indirect_vreg.gather [hbm4b:s7+s3], $0x80, v3, vm0, $0xb8;
	[tilespmem:$0x1C200] =	vst v63  }
0x32d: {  	s16 =	simm.s32 $0x1BA00  }
0x32e: {  	[tilespmem:s16], [sflag:$0x7] =	stream.indirect_vreg.gather [hbm4b:s8+s3], $0x80, v3, vm0, $0xb8;
	[tilespmem:$0x1C200] =	vst v63  }
0x32f: {  	_ =	swait.ge [sflag:s26], $0x4000  }
0x330: {  	[sflag:s26] =	ssyncset.done $0x0  }
0x331: {  	s5 =	rddreg [dreg:$0x1b];
	[sflag:s26] =	ssyncadd.s32 $0xFFFFC000  }
0x332: {  	[hbm4b:s5+s3] =	stream.linear.scatter [tilespmem:s24], [sflag:$0xA], $0x4000, $0x38;
	[tilespmem:$0x1C200] =	vst v63  }
0x333: {  	_ =	swait.ge [sflag:s29], $0x4000  }
0x334: {  	[sflag:s29] =	ssyncset.done $0x0  }
0x335: {  	[sflag:s29] =	ssyncadd.s32 $0xFFFFC000  }
0x336: {  	v3 =	vld [tilespmem:$0x1C0];
	_ =	sdelay $0x4  }
0x337: {  	v60 =	vshll.u32 v3, $0x3  }
0x338: {  	v3 =	vand.u32 $0x7, v3;
	v4 =	vand.u32 $0xFFFFFFC0, v60  }
0x339: {  	v3 =	vor.u32 v3, v4  }
0x33a: {  	v4 =	vperm.xlane v3, v0;
	_ =	sdelay $0x1  }
0x33b: {  	v4 =	vadd.s32 v1, v4;
	_ =	sdelay $0x4  }
0x33c: {  	[tilespmem:s0], [sflag:$0x1] =	stream.indirect_vreg.gather [hbm4b:s1+s3], $0x80, v4, vm0, $0xb8;
	[tilespmem:$0x1C200] =	vst v63  }
0x33d: {  	s16 =	simm.s32 $0xA00;
	v3 =	vperm.xlane v3, v2  }
0x33e: {  	[tilespmem:s16], [sflag:$0x1] =	stream.indirect_vreg.gather [hbm4b:s6+s3], $0x80, v4, vm0, $0xb8;
	[tilespmem:$0x1C200] =	vst v63  }
0x33f: {  	v3 =	vadd.s32 v1, v3;
	s16 =	simm.s32 $0x1200  }
0x340: {  	[tilespmem:s16], [sflag:$0x1] =	stream.indirect_vreg.gather [hbm4b:s7+s3], $0x80, v4, vm0, $0xb8;
	[tilespmem:$0x1C200] =	vst v63  }
0x341: {  	s16 =	simm.s32 $0x1A00  }
0x342: {  	[tilespmem:s16], [sflag:$0x1] =	stream.indirect_vreg.gather [hbm4b:s8+s3], $0x80, v4, vm0, $0xb8;
	[tilespmem:$0x1C200] =	vst v63  }
0x343: {  	s16 =	simm.s32 $0x2200  }
0x344: {  	[tilespmem:s16], [sflag:$0x1] =	stream.indirect_vreg.gather [hbm4b:s1+s3], $0x80, v3, vm0, $0xb8;
	[tilespmem:$0x1C200] =	vst v63  }
0x345: {  	s16 =	simm.s32 $0x2A00  }
0x346: {  	[tilespmem:s16], [sflag:$0x1] =	stream.indirect_vreg.gather [hbm4b:s6+s3], $0x80, v3, vm0, $0xb8;
	[tilespmem:$0x1C200] =	vst v63  }
0x347: {  	s16 =	simm.s32 $0x3200  }
0x348: {  	[tilespmem:s16], [sflag:$0x1] =	stream.indirect_vreg.gather [hbm4b:s7+s3], $0x80, v3, vm0, $0xb8;
	[tilespmem:$0x1C200] =	vst v63  }
0x349: {  	s16 =	simm.s32 $0x3A00  }
0x34a: {  	[tilespmem:s16], [sflag:$0x1] =	stream.indirect_vreg.gather [hbm4b:s8+s3], $0x80, v3, vm0, $0xb8;
	[tilespmem:$0x1C200] =	vst v63  }
0x34b: {  	_ =	swait.ge [sflag:s30], $0x4000  }
0x34c: {  	[sflag:s30] =	ssyncset.done $0x0  }
0x34d: {  	s0 =	rddreg [dreg:$0x1c];
	[sflag:s30] =	ssyncadd.s32 $0xFFFFC000  }
0x34e: {  	[hbm4b:s0+s3] =	stream.linear.scatter [tilespmem:s14], [sflag:$0xB], $0x4000, $0x38;
	[tilespmem:$0x1C200] =	vst v63  }
0x34f: {  	_ =	swait.ge [sflag:s9], $0x4000  }
0x350: {  	[sflag:s9] =	ssyncset.done $0x0  }
0x351: {  	[sflag:s9] =	ssyncadd.s32 $0xFFFFC000  }
0x352: {  	v3 =	vld [tilespmem:$0x1D0];
	_ =	sdelay $0x4  }
0x353: {  	v61 =	vshll.u32 v3, $0x3  }
0x354: {  	v3 =	vand.u32 $0x7, v3;
	v4 =	vand.u32 $0xFFFFFFC0, v61  }
0x355: {  	v3 =	vor.u32 v3, v4  }
0x356: {  	v4 =	vperm.xlane v3, v0;
	_ =	sdelay $0x1  }
0x357: {  	v4 =	vadd.s32 v1, v4;
	_ =	sdelay $0x3  }
0x358: {  	s31 =	simm.s32 $0x4200  }
0x359: {  	[tilespmem:s31], [sflag:$0x2] =	stream.indirect_vreg.gather [hbm4b:s1+s3], $0x80, v4, vm0, $0xb8;
	[tilespmem:$0x1C200] =	vst v63  }
0x35a: {  	s16 =	simm.s32 $0x4A00;
	v3 =	vperm.xlane v3, v2  }
0x35b: {  	[tilespmem:s16], [sflag:$0x2] =	stream.indirect_vreg.gather [hbm4b:s6+s3], $0x80, v4, vm0, $0xb8;
	[tilespmem:$0x1C200] =	vst v63  }
0x35c: {  	v3 =	vadd.s32 v1, v3  }
0x35d: {  	[tilespmem:s10], [sflag:$0x2] =	stream.indirect_vreg.gather [hbm4b:s7+s3], $0x80, v4, vm0, $0xb8;
	[tilespmem:$0x1C200] =	vst v63  }
0x35e: {  	_ = 	snop  }
0x35f: {  	[tilespmem:s28], [sflag:$0x2] =	stream.indirect_vreg.gather [hbm4b:s8+s3], $0x80, v4, vm0, $0xb8;
	[tilespmem:$0x1C200] =	vst v63  }
0x360: {  	_ = 	snop  }
0x361: {  	[tilespmem:s19], [sflag:$0x2] =	stream.indirect_vreg.gather [hbm4b:s1+s3], $0x80, v3, vm0, $0xb8;
	[tilespmem:$0x1C200] =	vst v63  }
0x362: {  	_ = 	snop  }
0x363: {  	[tilespmem:s21], [sflag:$0x2] =	stream.indirect_vreg.gather [hbm4b:s6+s3], $0x80, v3, vm0, $0xb8;
	[tilespmem:$0x1C200] =	vst v63  }
0x364: {  	s16 =	simm.s32 $0x7200  }
0x365: {  	[tilespmem:s16], [sflag:$0x2] =	stream.indirect_vreg.gather [hbm4b:s7+s3], $0x80, v3, vm0, $0xb8;
	[tilespmem:$0x1C200] =	vst v63  }
0x366: {  	s19 =	simm.s32 $0x7A00  }
0x367: {  	[tilespmem:s19], [sflag:$0x2] =	stream.indirect_vreg.gather [hbm4b:s8+s3], $0x80, v3, vm0, $0xb8;
	[tilespmem:$0x1C200] =	vst v63  }
0x368: {  	_ =	swait.ge [sflag:s17], $0x4000  }
0x369: {  	[sflag:s17] =	ssyncset.done $0x0  }
0x36a: {  	s20 =	simm.s32 $0x10200;
	s21 =	rddreg [dreg:$0x1d];
	[sflag:s17] =	ssyncadd.s32 $0xFFFFC000  }
0x36b: {  	[hbm4b:s21+s3] =	stream.linear.scatter [tilespmem:s20], [sflag:$0xC], $0x4000, $0x38;
	[tilespmem:$0x1C200] =	vst v63  }
0x36c: {  	s0 =	sld [smem:$0x7F7];
	_ =	swait.ge [sflag:s11], $0x4000  }
0x36d: {  	[sflag:s11] =	ssyncset.done $0x0  }
0x36e: {  	[sflag:s11] =	ssyncadd.s32 $0xFFFFC000  }
0x36f: {  	v3 =	vld [tilespmem:$0x1E0];
	_ =	sdelay $0x4  }
0x370: {  	v62 =	vshll.u32 v3, $0x3  }
0x371: {  	v3 =	vand.u32 $0x7, v3;
	v4 =	vand.u32 $0xFFFFFFC0, v62  }
0x372: {  	v3 =	vor.u32 v3, v4  }
0x373: {  	v4 =	vperm.xlane v3, v0;
	_ =	sdelay $0x1  }
0x374: {  	v4 =	vadd.s32 v1, v4;
	_ =	sdelay $0x4  }
0x375: {  	[tilespmem:s24], [sflag:$0x3] =	stream.indirect_vreg.gather [hbm4b:s1+s3], $0x80, v4, vm0, $0xb8;
	[tilespmem:$0x1C200] =	vst v63  }
0x376: {  	s28 =	simm.s32 $0x8A00;
	v3 =	vperm.xlane v3, v2  }
0x377: {  	[tilespmem:s28], [sflag:$0x3] =	stream.indirect_vreg.gather [hbm4b:s6+s3], $0x80, v4, vm0, $0xb8;
	[tilespmem:$0x1C200] =	vst v63  }
0x378: {  	s16 =	simm.s32 $0x9200;
	v3 =	vadd.s32 v1, v3  }
0x379: {  	[tilespmem:s16], [sflag:$0x3] =	stream.indirect_vreg.gather [hbm4b:s7+s3], $0x80, v4, vm0, $0xb8;
	[tilespmem:$0x1C200] =	vst v63  }
0x37a: {  	s17 =	simm.s32 $0x9A00  }
0x37b: {  	[tilespmem:s17], [sflag:$0x3] =	stream.indirect_vreg.gather [hbm4b:s8+s3], $0x80, v4, vm0, $0xb8;
	[tilespmem:$0x1C200] =	vst v63  }
0x37c: {  	s19 =	simm.s32 $0xA200  }
0x37d: {  	[tilespmem:s19], [sflag:$0x3] =	stream.indirect_vreg.gather [hbm4b:s1+s3], $0x80, v3, vm0, $0xb8;
	[tilespmem:$0x1C200] =	vst v63  }
0x37e: {  	s20 =	simm.s32 $0xAA00  }
0x37f: {  	[tilespmem:s20], [sflag:$0x3] =	stream.indirect_vreg.gather [hbm4b:s6+s3], $0x80, v3, vm0, $0xb8;
	[tilespmem:$0x1C200] =	vst v63  }
0x380: {  	s21 =	simm.s32 $0xB200  }
0x381: {  	[tilespmem:s21], [sflag:$0x3] =	stream.indirect_vreg.gather [hbm4b:s7+s3], $0x80, v3, vm0, $0xb8;
	[tilespmem:$0x1C200] =	vst v63  }
0x382: {  	s28 =	simm.s32 $0xBA00  }
0x383: {  	[tilespmem:s28], [sflag:$0x3] =	stream.indirect_vreg.gather [hbm4b:s8+s3], $0x80, v3, vm0, $0xb8;
	[tilespmem:$0x1C200] =	vst v63  }
0x384: {  	_ =	swait.ge [sflag:s15], $0x4000  }
0x385: {  	[sflag:s15] =	ssyncset.done $0x0  }
0x386: {  	s17 =	simm.s32 $0x14200;
	s10 =	rddreg [dreg:$0x1e];
	[sflag:s15] =	ssyncadd.s32 $0xFFFFC000  }
0x387: {  	[hbm4b:s10+s3] =	stream.linear.scatter [tilespmem:s17], [sflag:$0xD], $0x4000, $0x38;
	[tilespmem:$0x1C200] =	vst v63  }
0x388: {  	_ =	swait.ge [sflag:s2], $0x4000  }
0x389: {  	[sflag:s2] =	ssyncset.done $0x0  }
0x38a: {  	[sflag:s2] =	ssyncadd.s32 $0xFFFFC000  }
0x38b: {  	v3 =	vld [tilespmem:$0x1F0];
	_ =	sdelay $0x4  }
0x38c: {  	v63 =	vshll.u32 v3, $0x3  }
0x38d: {  	v3 =	vand.u32 $0x7, v3;
	v4 =	vand.u32 $0xFFFFFFC0, v63  }
0x38e: {  	v3 =	vor.u32 v3, v4  }
0x38f: {  	v4 =	vperm.xlane v3, v0;
	_ =	sdelay $0x1  }
0x390: {  	v4 =	vadd.s32 v1, v4;
	_ =	sdelay $0x4  }
0x391: {  	[tilespmem:s14], [sflag:$0x4] =	stream.indirect_vreg.gather [hbm4b:s1+s3], $0x80, v4, vm0, $0xb8;
	[tilespmem:$0x1C200] =	vst v63  }
0x392: {  	s19 =	simm.s32 $0xCA00;
	v3 =	vperm.xlane v3, v2  }
0x393: {  	[tilespmem:s19], [sflag:$0x4] =	stream.indirect_vreg.gather [hbm4b:s6+s3], $0x80, v4, vm0, $0xb8;
	[tilespmem:$0x1C200] =	vst v63  }
0x394: {  	s20 =	simm.s32 $0xD200;
	v3 =	vadd.s32 v1, v3  }
0x395: {  	[tilespmem:s20], [sflag:$0x4] =	stream.indirect_vreg.gather [hbm4b:s7+s3], $0x80, v4, vm0, $0xb8;
	[tilespmem:$0x1C200] =	vst v63  }
0x396: {  	s21 =	simm.s32 $0xDA00  }
0x397: {  	[tilespmem:s21], [sflag:$0x4] =	stream.indirect_vreg.gather [hbm4b:s8+s3], $0x80, v4, vm0, $0xb8;
	[tilespmem:$0x1C200] =	vst v63  }
0x398: {  	s28 =	simm.s32 $0xE200  }
0x399: {  	[tilespmem:s28], [sflag:$0x4] =	stream.indirect_vreg.gather [hbm4b:s1+s3], $0x80, v3, vm0, $0xb8;
	[tilespmem:$0x1C200] =	vst v63  }
0x39a: {  	s15 =	simm.s32 $0xEA00  }
0x39b: {  	[tilespmem:s15], [sflag:$0x4] =	stream.indirect_vreg.gather [hbm4b:s6+s3], $0x80, v3, vm0, $0xb8;
	[tilespmem:$0x1C200] =	vst v63  }
0x39c: {  	s16 =	simm.s32 $0xF200  }
0x39d: {  	[tilespmem:s16], [sflag:$0x4] =	stream.indirect_vreg.gather [hbm4b:s7+s3], $0x80, v3, vm0, $0xb8;
	[tilespmem:$0x1C200] =	vst v63  }
0x39e: {  	s17 =	simm.s32 $0xFA00  }
0x39f: {  	[tilespmem:s17], [sflag:$0x4] =	stream.indirect_vreg.gather [hbm4b:s8+s3], $0x80, v3, vm0, $0xb8;
	[tilespmem:$0x1C200] =	vst v63  }
0x3a0: {  	_ =	swait.ge [sflag:s13], $0x4000  }
0x3a1: {  	[sflag:s13] =	ssyncset.done $0x0  }
0x3a2: {  	s12 =	simm.s32 $0x18200;
	s19 =	rddreg [dreg:$0x1f];
	[sflag:s13] =	ssyncadd.s32 $0xFFFFC000  }
0x3a3: {  	[hbm4b:s19+s3] =	stream.linear.scatter [tilespmem:s12], [sflag:$0xE], $0x4000, $0x38;
	[tilespmem:$0x1C200] =	vst v63  }
0x3a4: {  	_ =	swait.ge [sflag:s23], $0x4000  }
0x3a5: {  	s20 =	sld [smem:$0x7F8]  }
0x3a6: {  	[sflag:s23] =	ssyncset.done $0x0  }
0x3a7: {  	s5 =	simm.s32 $0x200;
	[sflag:s23] =	ssyncadd.s32 $0xFFFFC000  }
0x3a8: {  	[hbm4b:s20+s3] =	stream.linear.scatter [tilespmem:s5], [sflag:$0x8], $0x4000, $0x38;
	[tilespmem:$0x1C200] =	vst v63  }
0x3a9: {  	_ =	swait.ge [sflag:s25], $0x4000  }
0x3aa: {  	s21 =	sld [smem:$0x7F9]  }
0x3ab: {  	[sflag:s25] =	ssyncset.done $0x0  }
0x3ac: {  	[sflag:s25] =	ssyncadd.s32 $0xFFFFC000  }
0x3ad: {  	[hbm4b:s21+s3] =	stream.linear.scatter [tilespmem:s31], [sflag:$0x9], $0x4000, $0x38;
	[tilespmem:$0x1C200] =	vst v63  }
0x3ae: {  	_ =	swait.ge [sflag:s26], $0x4000  }
0x3af: {  	s28 =	sld [smem:$0x7FA]  }
0x3b0: {  	[sflag:s26] =	ssyncset.done $0x0  }
0x3b1: {  	[sflag:s26] =	ssyncadd.s32 $0xFFFFC000  }
0x3b2: {  	[hbm4b:s28+s3] =	stream.linear.scatter [tilespmem:s24], [sflag:$0xA], $0x4000, $0x38;
	[tilespmem:$0x1C200] =	vst v63  }
0x3b3: {  	_ =	swait.ge [sflag:s30], $0x4000  }
0x3b4: {  	s31 =	sld [smem:$0x7FC]  }
0x3b5: {  	[sflag:s30] =	ssyncset.done $0x0  }
0x3b6: {  	[sflag:s30] =	ssyncadd.s32 $0xFFFFC000  }
0x3b7: {  	[hbm4b:s31+s3] =	stream.linear.scatter [tilespmem:s14], [sflag:$0xB], $0x4000, $0x38;
	[tilespmem:$0x1C200] =	vst v63  }
0x3b8: {  	_ =	swait.ge [sflag:s29], $0x4000  }
0x3b9: {  	[sflag:s29] =	ssyncset.done $0x0  }
0x3ba: {  	[sflag:s29] =	ssyncadd.s32 $0xFFFFC000  }
0x3bb: {  	_ =	swait.ge [sflag:s9], $0x4000  }
0x3bc: {  	[sflag:s9] =	ssyncset.done $0x0  }
0x3bd: {  	[sflag:s9] =	ssyncadd.s32 $0xFFFFC000  }
0x3be: {  	_ =	swait.ge [sflag:s11], $0x4000  }
0x3bf: {  	[sflag:s11] =	ssyncset.done $0x0  }
0x3c0: {  	[sflag:s11] =	ssyncadd.s32 $0xFFFFC000  }
0x3c1: {  	_ =	swait.ge [sflag:s2], $0x4000  }
0x3c2: {  	[sflag:s2] =	ssyncset.done $0x0  }
0x3c3: {  	[sflag:s2] =	ssyncadd.s32 $0xFFFFC000  }
0x3c4: {  	_ =	swait.ge [sflag:s22], $0x4000  }
0x3c5: {  	[sflag:s22] =	ssyncset.done $0x0  }
0x3c6: {  	[sflag:s22] =	ssyncadd.s32 $0xFFFFC000  }
0x3c7: {  	p0 =	sne.s32 s0, $0x1;
	_ =	swait.ge [sflag:s18], $0x4000  }
.Ltmp0:
0x3c8: {  	[sflag:s18] =	ssyncset.done $0x0;
	(pc) =	sbr.rel @p0 .LBB2_1-.Ltmp0, $4  }
0x3c9: {  	[sflag:s18] =	ssyncadd.s32 $0xFFFFC000  }
0x3ca: {  	_ =	swait.ge [sflag:s4], $0x4000  }
0x3cb: {  	[sflag:s4] =	ssyncset.done $0x0  }
0x3cc: {  	s0 =	sadd.s32 $0xFFFFFFFF, s0;
	[sflag:s4] =	ssyncadd.s32 $0xFFFFC000  }
0x3cd: {  	_ =	sfence.sel $0x180000  }
0x3ce: {  	[bflag:$0x0] =	sbarrier.arrive $0xFFFF  }
0x3cf: {  	_ =	strace $0x90000047  }
0x3d0: {  	s0 =	stileid.u32;
	[bflag:$0x2] =	sbarrier.arrive $0xFFFF  }
0x3d1: {  	p0 =	sne.s32 s0, $0x0;
	s0 =	rddreg [dreg:$0x3]  }
0x3d2: {  	s0 =	sadd.s32 @!p0 $0x100000, s0  }
0x3d3: {  	[sflag:s0] =	ssyncadd.tile.s32 @!p0 $0x1;
	_ =	shalt  }
.Lfunc_end2:
_tile_overlayer_lowered:
.L_overlay_start_2:
0x3d4: {  	(tag) =	ssettag $0x2  }
0x3d5: {  	s0 =	rddreg [dreg:$0x0];
	s2 =	stileid.u32  }
0x3d6: {  	s1 =	rddreg [dreg:$0x1];
	p0 =	sne.s32 s2, $0x0  }
0x3d7: {  	s3 =	rddreg [dreg:$0x2];
	[bflag:$0x3] =	sbarrier.arrive $0xFFFF;
	s2 =	simm.s32 @!p0 $0x1C0F  }
0x3d8: {  	[timem:s3], [sflag:s2] =	dma.local @!p0 [hbm:s0], s1  }
0x3d9: {  	s0 =	simm.s32 @!p0 $0xF  }
0x3da: {  	_ =	swait.ge @!p0 [sflag:s0], s1  }
0x3db: {  	s1 =	ssub.s32 @!p0 $0x0, s1;
	[sflag:s0] =	ssyncset.done @!p0 $0x0  }
0x3dc: {  	[sflag:s0] =	ssyncadd.s32 @!p0 s1  }
0x3dd: {  	[bflag:$0x3] =	sbarrier.arrive $0xFFFF  }
0x3de: {  	_ =	shalt  }

</sc_bundles>
